<compile_context>
chip_gen: v7x
topology: tpu7x:2x2x1
jax: 0.10.2.dev20260603
libtpu: 0.0.44.dev20260713+nightly
codegen_flags: <defaults>
</compile_context>

<pallas_src>
import functools

import jax
import jax.numpy as jnp
from jax import lax
from jax.experimental import pallas as pl
from jax.experimental.pallas import tpu as pltpu
from jax.experimental.pallas import tpu_sc as plsc

_N = 10000
_D = 128
_E = 320000
_G = 64
_C = 40
_NC = 2
_NS = 16
_NW = _NC * _NS
_CK = 128
_NCHUNK = 80
_HCH = _NCHUNK // 2
_PER_W = _NCHUNK * _CK
_E_PAD = _PER_W * _NW
_ACC_ROWS = _N + 8
_RPT = (_N // _NS) // 8 * 8
_TAIL = _N - _RPT * _NS


def _agg_body(h_hbm, c_hbm, u_hbm, out_hbm, cidx, uidx, rows, acc, sem, ssem):
    ci = lax.axis_index("c")
    si = lax.axis_index("s")
    wid = si * _NC + ci
    r0 = si * _RPT
    pltpu.sync_copy(h_hbm.at[pl.ds(r0, _RPT)], acc.at[pl.ds(r0, _RPT)])

    @pl.when(si == _NS - 1)
    def _init_tail():
        pltpu.sync_copy(h_hbm.at[pl.ds(_RPT * _NS, _TAIL)],
                        acc.at[pl.ds(_RPT * _NS, _TAIL)])

    plsc.subcore_barrier()

    def g_start(j, b):
        pltpu.async_copy(h_hbm.at[cidx.at[j]], rows.at[b], sem.at[b])

    def g_wait(b):
        pltpu.make_async_copy(h_hbm.at[cidx.at[0]], rows.at[b],
                              sem.at[b]).wait()

    def s_start(j, b):
        pltpu.async_copy(rows.at[b], acc.at[uidx.at[j]], ssem.at[b],
                         add=True)

    def s_wait(b):
        pltpu.make_async_copy(rows.at[b], acc.at[uidx.at[0]],
                              ssem.at[b]).wait()

    base = wid * _NCHUNK
    for half in range(2):
        pltpu.sync_copy(c_hbm.at[pl.ds(base + half * _HCH, _HCH)], cidx)
        pltpu.sync_copy(u_hbm.at[pl.ds(base + half * _HCH, _HCH)], uidx)
        g_start(0, 0)

        def body(t, carry):
            g_wait(0)
            s_start(2 * t, 0)

            @pl.when(t > 0)
            def _drain_b1():
                s_wait(1)

            g_start(2 * t + 1, 1)
            s_wait(0)

            @pl.when(t < _HCH // 2 - 1)
            def _next_b0():
                g_start(2 * t + 2, 0)

            g_wait(1)
            s_start(2 * t + 1, 1)
            return carry

        lax.fori_loop(0, _HCH // 2, body, 0)
        s_wait(1)

    plsc.subcore_barrier()
    pltpu.sync_copy(acc.at[pl.ds(r0, _RPT)],
                    out_hbm.at[pl.ds(ci * _N + r0, _RPT)])

    @pl.when(si == _NS - 1)
    def _out_tail():
        pltpu.sync_copy(acc.at[pl.ds(_RPT * _NS, _TAIL)],
                        out_hbm.at[pl.ds(ci * _N + _RPT * _NS, _TAIL)])


_agg = pl.kernel(
    _agg_body,
    out_type=jax.ShapeDtypeStruct((_NC * _N, _D), jnp.float32),
    mesh=plsc.VectorSubcoreMesh(core_axis_name="c", subcore_axis_name="s"),
    scratch_types=[
        pltpu.VMEM((_HCH, _CK), jnp.int32),
        pltpu.VMEM((_HCH, _CK), jnp.int32),
        pltpu.VMEM((2, _CK, _D), jnp.float32),
        pltpu.VMEM_SHARED((_ACC_ROWS, _D), jnp.float32),
        pltpu.SemaphoreType.DMA((2,)),
        pltpu.SemaphoreType.DMA((2,)),
    ],
)


def _bn(a, g, b):
    mu = jnp.mean(a, axis=0, keepdims=True)
    v = jnp.mean((a - mu) ** 2, axis=0, keepdims=True)
    return g * (a - mu) / jnp.sqrt(v + 1e-5) + b


def _enc_body(x_ref, w_ref, b_ref, o_ref):
    o_ref[...] = (
        jnp.dot(x_ref[...], w_ref[...], preferred_element_type=jnp.float32)
        + b_ref[...]
    )


_enc = pl.pallas_call(
    _enc_body, out_shape=jax.ShapeDtypeStruct((_N, _D), jnp.float32)
)


def _layer_h(p_ref, h_ref, w1_ref, b1_ref, g1_ref, be1_ref, w2_ref, b2_ref,
             g2_ref, be2_ref):
    m = p_ref[0:_N, :] + p_ref[_N:2 * _N, :] - h_ref[...]
    a = jnp.dot(m, w1_ref[...], preferred_element_type=jnp.float32) + b1_ref[...]
    a = jnp.maximum(_bn(a, g1_ref[...], be1_ref[...]), 0.0)
    z = jnp.dot(a, w2_ref[...], preferred_element_type=jnp.float32) + b2_ref[...]
    return jnp.maximum(_bn(z, g2_ref[...], be2_ref[...]), 0.0)


def _mlp_body(p_ref, h_ref, w1_ref, b1_ref, g1_ref, be1_ref, w2_ref, b2_ref,
              g2_ref, be2_ref, o_ref):
    o_ref[...] = _layer_h(p_ref, h_ref, w1_ref, b1_ref, g1_ref, be1_ref,
                          w2_ref, b2_ref, g2_ref, be2_ref)


_mlp = pl.pallas_call(
    _mlp_body, out_shape=jax.ShapeDtypeStruct((_N, _D), jnp.float32)
)


def _mlp3_body(p_ref, h_ref, w1_ref, b1_ref, g1_ref, be1_ref, w2_ref, b2_ref,
               g2_ref, be2_ref, batch_ref, rw1_ref, rb1_ref, rw2_ref, rb2_ref,
               o_ref):
    h3 = _layer_h(p_ref, h_ref, w1_ref, b1_ref, g1_ref, be1_ref,
                  w2_ref, b2_ref, g2_ref, be2_ref)
    onehot = (lax.broadcasted_iota(jnp.int32, (_G, 1), 0)
              == batch_ref[...]).astype(jnp.float32)
    pooled = jnp.dot(onehot, h3, preferred_element_type=jnp.float32)
    r = jnp.maximum(
        jnp.dot(pooled, rw1_ref[...], preferred_element_type=jnp.float32)
        + rb1_ref[...], 0.0)
    o_ref[...] = (
        jnp.dot(r, rw2_ref[...], preferred_element_type=jnp.float32)
        + rb2_ref[...]
    )


_mlp3 = pl.pallas_call(
    _mlp3_body, out_shape=jax.ShapeDtypeStruct((_G, _C), jnp.float32)
)


def kernel(x, enc_W, enc_b, W1, b1, g1, be1, W2, b2, g2, be2,
           rW1, rb1, rW2, rb2, c_2, u_2, batch):
    pad = _E_PAD - _E
    c_p = jnp.concatenate([c_2.astype(jnp.int32),
                           jnp.zeros((pad,), jnp.int32)]).reshape(-1, _CK)
    u_p = jnp.concatenate([u_2.astype(jnp.int32),
                           jnp.full((pad,), _N, jnp.int32)]).reshape(-1, _CK)
    h = _enc(x, enc_W, enc_b.reshape(1, _D))
    out = None
    for i in range(3):
        p = _agg(h, c_p, u_p)
        args = (p, h, W1[i], b1[i].reshape(1, -1), g1[i].reshape(1, -1),
                be1[i].reshape(1, -1), W2[i], b2[i].reshape(1, -1),
                g2[i].reshape(1, -1), be2[i].reshape(1, -1))
        if i < 2:
            h = _mlp(*args)
        else:
            out = _mlp3(*args, batch.reshape(1, _N).astype(jnp.int32),
                        rW1, rb1.reshape(1, -1), rW2, rb2.reshape(1, -1))
    return out

# --- scband reference (transcript-rebuilt; emitter-appended) ---
"""Pipeline reference for scband-ginbaseline-32538672234672 (READ-ONLY COPY).

The authoritative reference and input builder live on the scoring server;
editing this copy changes nothing except your own understanding.
"""

import jax, jax.numpy as jnp
import numpy as np

N = 10000
E = 320000
D = 128
C = 40
L = 3
G = 64


def _bn(h, gamma, beta):
    m = h.mean(axis=0)
    v = h.var(axis=0)
    return gamma * (h - m) / jnp.sqrt(v + 1e-5) + beta


def setup_inputs(seed: int = 0) -> dict:
    key = jax.random.key(seed)
    ks = jax.random.split(key, 12)
    s = 0.05
    x = jax.random.normal(ks[0], (N, D), dtype=jnp.float32)
    c_2 = jax.random.randint(ks[1], (E,), 0, N)
    u_2 = jax.random.randint(ks[2], (E,), 0, N)
    batch = jnp.sort(jax.random.randint(ks[3], (N,), 0, G))
    enc_W = jax.random.normal(ks[4], (D, D), dtype=jnp.float32) * s
    enc_b = jnp.zeros((D,), dtype=jnp.float32)
    W1 = jax.random.normal(ks[5], (L, D, 2 * D), dtype=jnp.float32) * s
    b1 = jnp.zeros((L, 2 * D), dtype=jnp.float32)
    g1 = jnp.ones((L, 2 * D), dtype=jnp.float32)
    be1 = jnp.zeros((L, 2 * D), dtype=jnp.float32)
    W2 = jax.random.normal(ks[6], (L, 2 * D, D), dtype=jnp.float32) * s
    b2 = jnp.zeros((L, D), dtype=jnp.float32)
    g2 = jnp.ones((L, D), dtype=jnp.float32)
    be2 = jnp.zeros((L, D), dtype=jnp.float32)
    rW1 = jax.random.normal(ks[7], (D, D), dtype=jnp.float32) * s
    rb1 = jnp.zeros((D,), dtype=jnp.float32)
    rW2 = jax.random.normal(ks[8], (D, C), dtype=jnp.float32) * s
    rb2 = jnp.zeros((C,), dtype=jnp.float32)
    return {"x": x, "enc_W": enc_W, "enc_b": enc_b, "W1": W1, "b1": b1,
            "g1": g1, "be1": be1, "W2": W2, "b2": b2, "g2": g2, "be2": be2,
            "rW1": rW1, "rb1": rb1, "rW2": rW2, "rb2": rb2,
            "c_2": c_2, "u_2": u_2, "batch": batch}


def reference(x, enc_W, enc_b, W1, b1, g1, be1, W2, b2, g2, be2,
              rW1, rb1, rW2, rb2, c_2, u_2, batch):
    # encoder
    h = x @ enc_W + enc_b
    for i in range(L):
        # GINConv with eps=0: (1+eps)*h + sum_{j in N(i)} h_j
        agg = jnp.zeros_like(h).at[u_2].add(h[c_2])
        m = h + agg
        # MLP: Linear(d,2d) -> BN -> ReLU -> Linear(2d,d)
        m = m @ W1[i] + b1[i]
        m = _bn(m, g1[i], be1[i])
        m = jax.nn.relu(m)
        m = m @ W2[i] + b2[i]
        # outer BN + ReLU (dropout is identity in eval)
        h = _bn(m, g2[i], be2[i])
        h = jax.nn.relu(h)
    # global_add_pool over graph ids
    pooled = jax.ops.segment_sum(h, batch, num_segments=G)
    # readout: Linear -> ReLU -> (Dropout eval) -> Linear
    out = jax.nn.relu(pooled @ rW1 + rb1) @ rW2 + rb2
    return out

if __name__ == "__main__":
    import jax
    _d = setup_inputs()
    print(jax.jit(kernel)(*tuple(_d.values())))

</pallas_src>

<mosaic_0001>
#map = affine_map<(d0, d1) -> (0, 0)>
module attributes {stable_mosaic.version = 14 : i64} {
  func.func @_agg_body(%arg0: i32, %arg1: i32, %arg2: memref<10000x128xf32, #tpu.memory_space<hbm>>, %arg3: memref<2560x128xi32, #tpu.memory_space<hbm>>, %arg4: memref<2560x128xi32, #tpu.memory_space<hbm>>, %arg5: memref<20000x128xf32, #tpu.memory_space<hbm>>, %arg6: memref<40x128xi32, #tpu.memory_space<vmem>>, %arg7: memref<40x128xi32, #tpu.memory_space<vmem>>, %arg8: memref<2x128x128xf32, #tpu.memory_space<vmem>>, %arg9: memref<10008x128xf32, #tpu.memory_space<vmem_shared>>, %arg10: memref<2x!tpu.dma_semaphore, #tpu.memory_space<semaphore_mem>>, %arg11: memref<2x!tpu.dma_semaphore, #tpu.memory_space<semaphore_mem>>) attributes {dimension_semantics = [#tpu.dimension_semantics<core_parallel>, #tpu.dimension_semantics<subcore_parallel>], iteration_bounds = array<i64: 2, 16>, scalar_prefetch = 0 : i64, scratch_operands = 6 : i64, tpu.core_type = #tpu.core_type<sc_vector_subcore>, window_params = [{transform_indices = #map}, {transform_indices = #map}, {transform_indices = #map}, {transform_indices = #map}]} {
    %mul3A = arith.constant 2 : i32
    %mul3A_0 = arith.muli %arg1, %mul3A : i32
    %add3A = arith.addi %mul3A_0, %arg0 : i32
    %mul3A_1 = arith.constant 624 : i32
    %mul3A_2 = arith.muli %arg1, %mul3A_1 : i32
    "tpu.region"() ({
      %run_scoped3A = tpu.sem_alloc : memref<!tpu.dma_semaphore, #tpu.memory_space<semaphore_mem>>
      %dma_start3A_93 = arith.constant 0 : i32
      %dma_start3A_94 = tpu.memref_slice %arg9[%mul3A_2, %dma_start3A_93] : memref<10008x128xf32, #tpu.memory_space<vmem_shared>> -> memref<624x128xf32, #tpu.memory_space<vmem_shared>>
      %dma_start3A_95 = arith.constant 0 : i32
      %dma_start3A_96 = tpu.memref_slice %arg2[%mul3A_2, %dma_start3A_95] : memref<10000x128xf32, #tpu.memory_space<hbm>> -> memref<624x128xf32, #tpu.memory_space<hbm>>
      tpu.enqueue_dma source(%dma_start3A_96 : memref<624x128xf32, #tpu.memory_space<hbm>>) target(%dma_start3A_94 : memref<624x128xf32, #tpu.memory_space<vmem_shared>>) target_semaphore(%run_scoped3A : memref<!tpu.dma_semaphore, #tpu.memory_space<semaphore_mem>>)
      %dma_wait3A_97 = arith.constant 0 : i32
      %dma_wait3A_98 = tpu.memref_slice %arg9[%mul3A_2, %dma_wait3A_97] : memref<10008x128xf32, #tpu.memory_space<vmem_shared>> -> memref<624x128xf32, #tpu.memory_space<vmem_shared>>
      %dma_wait3A_99 = arith.constant 0 : i32
      %dma_wait3A_100 = tpu.memref_slice %arg2[%mul3A_2, %dma_wait3A_99] : memref<10000x128xf32, #tpu.memory_space<hbm>> -> memref<624x128xf32, #tpu.memory_space<hbm>>
      tpu.wait_dma2 semaphore(%run_scoped3A : memref<!tpu.dma_semaphore, #tpu.memory_space<semaphore_mem>>) src(%dma_wait3A_100 : memref<624x128xf32, #tpu.memory_space<hbm>>) dst(%dma_wait3A_98 : memref<624x128xf32, #tpu.memory_space<vmem_shared>>)
      tpu.yield
    }) : () -> ()
    %eq3A = arith.constant 15 : i32
    %eq3A_3 = arith.cmpi eq, %arg1, %eq3A : i32
    %convert_element_type3A = arith.extui %eq3A_3 : i1 to i32
    %cond3A = arith.constant 0 : i32
    %cond3A_4 = arith.cmpi ne, %convert_element_type3A, %cond3A : i32
    scf.if %cond3A_4 {
      "tpu.region"() ({
        %run_scoped3A = tpu.sem_alloc : memref<!tpu.dma_semaphore, #tpu.memory_space<semaphore_mem>>
        %dma_start3A_93 = arith.constant 9984 : i32
        %dma_start3A_94 = arith.constant 0 : i32
        %dma_start3A_95 = tpu.memref_slice %arg9[%dma_start3A_93, %dma_start3A_94] : memref<10008x128xf32, #tpu.memory_space<vmem_shared>> -> memref<16x128xf32, #tpu.memory_space<vmem_shared>>
        %dma_start3A_96 = arith.constant 9984 : i32
        %dma_start3A_97 = arith.constant 0 : i32
        %dma_start3A_98 = tpu.memref_slice %arg2[%dma_start3A_96, %dma_start3A_97] : memref<10000x128xf32, #tpu.memory_space<hbm>> -> memref<16x128xf32, #tpu.memory_space<hbm>>
        tpu.enqueue_dma source(%dma_start3A_98 : memref<16x128xf32, #tpu.memory_space<hbm>>) target(%dma_start3A_95 : memref<16x128xf32, #tpu.memory_space<vmem_shared>>) target_semaphore(%run_scoped3A : memref<!tpu.dma_semaphore, #tpu.memory_space<semaphore_mem>>)
        %dma_wait3A_99 = arith.constant 9984 : i32
        %dma_wait3A_100 = arith.constant 0 : i32
        %dma_wait3A_101 = tpu.memref_slice %arg9[%dma_wait3A_99, %dma_wait3A_100] : memref<10008x128xf32, #tpu.memory_space<vmem_shared>> -> memref<16x128xf32, #tpu.memory_space<vmem_shared>>
        %dma_wait3A_102 = arith.constant 9984 : i32
        %dma_wait3A_103 = arith.constant 0 : i32
        %dma_wait3A_104 = tpu.memref_slice %arg2[%dma_wait3A_102, %dma_wait3A_103] : memref<10000x128xf32, #tpu.memory_space<hbm>> -> memref<16x128xf32, #tpu.memory_space<hbm>>
        tpu.wait_dma2 semaphore(%run_scoped3A : memref<!tpu.dma_semaphore, #tpu.memory_space<semaphore_mem>>) src(%dma_wait3A_104 : memref<16x128xf32, #tpu.memory_space<hbm>>) dst(%dma_wait3A_101 : memref<16x128xf32, #tpu.memory_space<vmem_shared>>)
        tpu.yield
      }) : () -> ()
    } else {
    }
    %barrier3A = arith.constant 0 : index
    tpu.barrier barrier_id(%barrier3A)
    %mul3A_5 = arith.constant 80 : i32
    %mul3A_6 = arith.muli %add3A, %mul3A_5 : i32
    %add3A_7 = arith.constant 0 : i32
    %add3A_8 = arith.addi %mul3A_6, %add3A_7 : i32
    "tpu.region"() ({
      %run_scoped3A = tpu.sem_alloc : memref<!tpu.dma_semaphore, #tpu.memory_space<semaphore_mem>>
      %dma_start3A_93 = arith.constant 0 : i32
      %dma_start3A_94 = tpu.memref_slice %arg3[%add3A_8, %dma_start3A_93] : memref<2560x128xi32, #tpu.memory_space<hbm>> -> memref<40x128xi32, #tpu.memory_space<hbm>>
      %dma_start3A_95 = arith.constant 0 : i32
      %dma_start3A_96 = tpu.memref_slice %arg3[%add3A_8, %dma_start3A_95] : memref<2560x128xi32, #tpu.memory_space<hbm>> -> memref<40x128xi32, #tpu.memory_space<hbm>>
      tpu.enqueue_dma source(%dma_start3A_96 : memref<40x128xi32, #tpu.memory_space<hbm>>) target(%arg6 : memref<40x128xi32, #tpu.memory_space<vmem>>) target_semaphore(%run_scoped3A : memref<!tpu.dma_semaphore, #tpu.memory_space<semaphore_mem>>)
      %dma_wait3A_97 = arith.constant 0 : i32
      %dma_wait3A_98 = tpu.memref_slice %arg3[%add3A_8, %dma_wait3A_97] : memref<2560x128xi32, #tpu.memory_space<hbm>> -> memref<40x128xi32, #tpu.memory_space<hbm>>
      %dma_wait3A_99 = arith.constant 0 : i32
      %dma_wait3A_100 = tpu.memref_slice %arg3[%add3A_8, %dma_wait3A_99] : memref<2560x128xi32, #tpu.memory_space<hbm>> -> memref<40x128xi32, #tpu.memory_space<hbm>>
      tpu.wait_dma2 semaphore(%run_scoped3A : memref<!tpu.dma_semaphore, #tpu.memory_space<semaphore_mem>>) src(%dma_wait3A_100 : memref<40x128xi32, #tpu.memory_space<hbm>>) dst(%arg6 : memref<40x128xi32, #tpu.memory_space<vmem>>)
      tpu.yield
    }) : () -> ()
    %add3A_9 = arith.constant 0 : i32
    %add3A_10 = arith.addi %mul3A_6, %add3A_9 : i32
    "tpu.region"() ({
      %run_scoped3A = tpu.sem_alloc : memref<!tpu.dma_semaphore, #tpu.memory_space<semaphore_mem>>
      %dma_start3A_93 = arith.constant 0 : i32
      %dma_start3A_94 = tpu.memref_slice %arg4[%add3A_10, %dma_start3A_93] : memref<2560x128xi32, #tpu.memory_space<hbm>> -> memref<40x128xi32, #tpu.memory_space<hbm>>
      %dma_start3A_95 = arith.constant 0 : i32
      %dma_start3A_96 = tpu.memref_slice %arg4[%add3A_10, %dma_start3A_95] : memref<2560x128xi32, #tpu.memory_space<hbm>> -> memref<40x128xi32, #tpu.memory_space<hbm>>
      tpu.enqueue_dma source(%dma_start3A_96 : memref<40x128xi32, #tpu.memory_space<hbm>>) target(%arg7 : memref<40x128xi32, #tpu.memory_space<vmem>>) target_semaphore(%run_scoped3A : memref<!tpu.dma_semaphore, #tpu.memory_space<semaphore_mem>>)
      %dma_wait3A_97 = arith.constant 0 : i32
      %dma_wait3A_98 = tpu.memref_slice %arg4[%add3A_10, %dma_wait3A_97] : memref<2560x128xi32, #tpu.memory_space<hbm>> -> memref<40x128xi32, #tpu.memory_space<hbm>>
      %dma_wait3A_99 = arith.constant 0 : i32
      %dma_wait3A_100 = tpu.memref_slice %arg4[%add3A_10, %dma_wait3A_99] : memref<2560x128xi32, #tpu.memory_space<hbm>> -> memref<40x128xi32, #tpu.memory_space<hbm>>
      tpu.wait_dma2 semaphore(%run_scoped3A : memref<!tpu.dma_semaphore, #tpu.memory_space<semaphore_mem>>) src(%dma_wait3A_100 : memref<40x128xi32, #tpu.memory_space<hbm>>) dst(%arg7 : memref<40x128xi32, #tpu.memory_space<vmem>>)
      tpu.yield
    }) : () -> ()
    %dma_start3A = arith.constant 0 : i32
    %dma_start3A_11 = arith.constant 0 : i32
    %dma_start3A_12 = arith.constant 0 : i32
    %dma_start3A_13 = arith.constant 0 : i32
    %dma_start3A_14 = arith.constant 0 : i32
    %dma_start3A_15 = tpu.memref_slice %arg8[%dma_start3A_11, %dma_start3A_13, %dma_start3A_14] : memref<2x128x128xf32, #tpu.memory_space<vmem>> -> memref<1x128x128xf32, #tpu.memory_space<vmem>>
    %dma_start3A_16 = tpu.memref_squeeze %dma_start3A_15 : memref<1x128x128xf32, #tpu.memory_space<vmem>> -> memref<128x128xf32, #tpu.memory_space<vmem>>
    %dma_start3A_17 = arith.constant 0 : i32
    %dma_start3A_18 = tpu.memref_slice %arg6[%dma_start3A, %dma_start3A_17] : memref<40x128xi32, #tpu.memory_space<vmem>> -> memref<1x128xi32, #tpu.memory_space<vmem>>
    %dma_start3A_19 = tpu.memref_squeeze %dma_start3A_18 : memref<1x128xi32, #tpu.memory_space<vmem>> -> memref<128xi32, #tpu.memory_space<vmem>>
    %dma_start3A_20 = arith.constant 0 : i32
    %dma_start3A_21 = arith.constant 0 : i32
    %dma_start3A_22 = tpu.memref_slice %arg2[%dma_start3A_20, %dma_start3A_21] : memref<10000x128xf32, #tpu.memory_space<hbm>> -> memref<10000x128xf32, #tpu.memory_space<hbm>>
    %dma_start3A_23 = tpu.memref_slice %arg10[%dma_start3A_12] : memref<2x!tpu.dma_semaphore, #tpu.memory_space<semaphore_mem>> -> memref<1x!tpu.dma_semaphore, #tpu.memory_space<semaphore_mem>>
    %dma_start3A_24 = tpu.memref_squeeze %dma_start3A_23 : memref<1x!tpu.dma_semaphore, #tpu.memory_space<semaphore_mem>> -> memref<!tpu.dma_semaphore, #tpu.memory_space<semaphore_mem>>
    tpu.enqueue_indirect_dma source(%dma_start3A_22 : memref<10000x128xf32, #tpu.memory_space<hbm>>) target(%dma_start3A_16 : memref<128x128xf32, #tpu.memory_space<vmem>>) offsets(%dma_start3A_19 : memref<128xi32, #tpu.memory_space<vmem>>) semaphore(%dma_start3A_24 : memref<!tpu.dma_semaphore, #tpu.memory_space<semaphore_mem>>)
    %scan3A = arith.constant 0 : i32
    %scan3A_25 = arith.constant 0 : i32
    %scan3A_26 = arith.constant 20 : i32
    %scan3A_27 = arith.addi %scan3A_25, %scan3A_26 : i32
    %scan3A_28 = arith.constant 1 : i32
    scf.for %scan3A_93 = %scan3A_25 to %scan3A_27 step %scan3A_28  : i32 {
      %dma_wait3A_94 = arith.constant 0 : i32
      %dma_wait3A_95 = arith.constant 0 : i32
      %dma_wait3A_96 = arith.constant 0 : i32
      %dma_wait3A_97 = arith.constant 0 : i32
      %dma_wait3A_98 = arith.constant 0 : i32
      %dma_wait3A_99 = tpu.memref_slice %arg8[%dma_wait3A_95, %dma_wait3A_97, %dma_wait3A_98] : memref<2x128x128xf32, #tpu.memory_space<vmem>> -> memref<1x128x128xf32, #tpu.memory_space<vmem>>
      %dma_wait3A_100 = tpu.memref_squeeze %dma_wait3A_99 : memref<1x128x128xf32, #tpu.memory_space<vmem>> -> memref<128x128xf32, #tpu.memory_space<vmem>>
      %dma_wait3A_101 = arith.constant 0 : i32
      %dma_wait3A_102 = tpu.memref_slice %arg6[%dma_wait3A_94, %dma_wait3A_101] : memref<40x128xi32, #tpu.memory_space<vmem>> -> memref<1x128xi32, #tpu.memory_space<vmem>>
      %dma_wait3A_103 = tpu.memref_squeeze %dma_wait3A_102 : memref<1x128xi32, #tpu.memory_space<vmem>> -> memref<128xi32, #tpu.memory_space<vmem>>
      %dma_wait3A_104 = arith.constant 0 : i32
      %dma_wait3A_105 = arith.constant 0 : i32
      %dma_wait3A_106 = tpu.memref_slice %arg2[%dma_wait3A_104, %dma_wait3A_105] : memref<10000x128xf32, #tpu.memory_space<hbm>> -> memref<10000x128xf32, #tpu.memory_space<hbm>>
      %dma_wait3A_107 = tpu.memref_slice %arg10[%dma_wait3A_96] : memref<2x!tpu.dma_semaphore, #tpu.memory_space<semaphore_mem>> -> memref<1x!tpu.dma_semaphore, #tpu.memory_space<semaphore_mem>>
      %dma_wait3A_108 = tpu.memref_squeeze %dma_wait3A_107 : memref<1x!tpu.dma_semaphore, #tpu.memory_space<semaphore_mem>> -> memref<!tpu.dma_semaphore, #tpu.memory_space<semaphore_mem>>
      tpu.wait_indirect_dma semaphore(%dma_wait3A_108 : memref<!tpu.dma_semaphore, #tpu.memory_space<semaphore_mem>>) src(%dma_wait3A_106 : memref<10000x128xf32, #tpu.memory_space<hbm>>) dst(%dma_wait3A_100 : memref<128x128xf32, #tpu.memory_space<vmem>>)
      %mul3A_109 = arith.constant 2 : i32
      %mul3A_110 = arith.muli %mul3A_109, %scan3A_93 : i32
      %dma_start3A_111 = arith.constant 0 : i32
      %dma_start3A_112 = arith.constant 0 : i32
      %dma_start3A_113 = arith.constant 0 : i32
      %dma_start3A_114 = arith.constant 0 : i32
      %dma_start3A_115 = tpu.memref_slice %arg8[%dma_start3A_111, %dma_start3A_113, %dma_start3A_114] : memref<2x128x128xf32, #tpu.memory_space<vmem>> -> memref<1x128x128xf32, #tpu.memory_space<vmem>>
      %dma_start3A_116 = tpu.memref_squeeze %dma_start3A_115 : memref<1x128x128xf32, #tpu.memory_space<vmem>> -> memref<128x128xf32, #tpu.memory_space<vmem>>
      %dma_start3A_117 = arith.constant 0 : i32
      %dma_start3A_118 = tpu.memref_slice %arg7[%mul3A_110, %dma_start3A_117] : memref<40x128xi32, #tpu.memory_space<vmem>> -> memref<1x128xi32, #tpu.memory_space<vmem>>
      %dma_start3A_119 = tpu.memref_squeeze %dma_start3A_118 : memref<1x128xi32, #tpu.memory_space<vmem>> -> memref<128xi32, #tpu.memory_space<vmem>>
      %dma_start3A_120 = arith.constant 0 : i32
      %dma_start3A_121 = arith.constant 0 : i32
      %dma_start3A_122 = tpu.memref_slice %arg9[%dma_start3A_120, %dma_start3A_121] : memref<10008x128xf32, #tpu.memory_space<vmem_shared>> -> memref<10008x128xf32, #tpu.memory_space<vmem_shared>>
      %dma_start3A_123 = tpu.memref_slice %arg11[%dma_start3A_112] : memref<2x!tpu.dma_semaphore, #tpu.memory_space<semaphore_mem>> -> memref<1x!tpu.dma_semaphore, #tpu.memory_space<semaphore_mem>>
      %dma_start3A_124 = tpu.memref_squeeze %dma_start3A_123 : memref<1x!tpu.dma_semaphore, #tpu.memory_space<semaphore_mem>> -> memref<!tpu.dma_semaphore, #tpu.memory_space<semaphore_mem>>
      tpu.enqueue_indirect_dma source(%dma_start3A_116 : memref<128x128xf32, #tpu.memory_space<vmem>>) target(%dma_start3A_122 : memref<10008x128xf32, #tpu.memory_space<vmem_shared>>) offsets(%dma_start3A_119 : memref<128xi32, #tpu.memory_space<vmem>>) semaphore(%dma_start3A_124 : memref<!tpu.dma_semaphore, #tpu.memory_space<semaphore_mem>>) {add = true}
      %gt3A = arith.constant 0 : i32
      %gt3A_125 = arith.cmpi sgt, %scan3A_93, %gt3A : i32
      %convert_element_type3A_126 = arith.extui %gt3A_125 : i1 to i32
      %cond3A_127 = arith.constant 0 : i32
      %cond3A_128 = arith.cmpi ne, %convert_element_type3A_126, %cond3A_127 : i32
      scf.if %cond3A_128 {
        %dma_wait3A_199 = arith.constant 1 : i32
        %dma_wait3A_200 = arith.constant 0 : i32
        %dma_wait3A_201 = arith.constant 1 : i32
        %dma_wait3A_202 = arith.constant 0 : i32
        %dma_wait3A_203 = arith.constant 0 : i32
        %dma_wait3A_204 = tpu.memref_slice %arg8[%dma_wait3A_199, %dma_wait3A_202, %dma_wait3A_203] : memref<2x128x128xf32, #tpu.memory_space<vmem>> -> memref<1x128x128xf32, #tpu.memory_space<vmem>>
        %dma_wait3A_205 = tpu.memref_squeeze %dma_wait3A_204 : memref<1x128x128xf32, #tpu.memory_space<vmem>> -> memref<128x128xf32, #tpu.memory_space<vmem>>
        %dma_wait3A_206 = arith.constant 0 : i32
        %dma_wait3A_207 = tpu.memref_slice %arg7[%dma_wait3A_200, %dma_wait3A_206] : memref<40x128xi32, #tpu.memory_space<vmem>> -> memref<1x128xi32, #tpu.memory_space<vmem>>
        %dma_wait3A_208 = tpu.memref_squeeze %dma_wait3A_207 : memref<1x128xi32, #tpu.memory_space<vmem>> -> memref<128xi32, #tpu.memory_space<vmem>>
        %dma_wait3A_209 = arith.constant 0 : i32
        %dma_wait3A_210 = arith.constant 0 : i32
        %dma_wait3A_211 = tpu.memref_slice %arg9[%dma_wait3A_209, %dma_wait3A_210] : memref<10008x128xf32, #tpu.memory_space<vmem_shared>> -> memref<10008x128xf32, #tpu.memory_space<vmem_shared>>
        %dma_wait3A_212 = tpu.memref_slice %arg11[%dma_wait3A_201] : memref<2x!tpu.dma_semaphore, #tpu.memory_space<semaphore_mem>> -> memref<1x!tpu.dma_semaphore, #tpu.memory_space<semaphore_mem>>
        %dma_wait3A_213 = tpu.memref_squeeze %dma_wait3A_212 : memref<1x!tpu.dma_semaphore, #tpu.memory_space<semaphore_mem>> -> memref<!tpu.dma_semaphore, #tpu.memory_space<semaphore_mem>>
        tpu.wait_indirect_dma semaphore(%dma_wait3A_213 : memref<!tpu.dma_semaphore, #tpu.memory_space<semaphore_mem>>) src(%dma_wait3A_205 : memref<128x128xf32, #tpu.memory_space<vmem>>) dst(%dma_wait3A_211 : memref<10008x128xf32, #tpu.memory_space<vmem_shared>>)
      } else {
      }
      %mul3A_129 = arith.constant 2 : i32
      %mul3A_130 = arith.muli %mul3A_129, %scan3A_93 : i32
      %add3A_131 = arith.constant 1 : i32
      %add3A_132 = arith.addi %mul3A_130, %add3A_131 : i32
      %dma_start3A_133 = arith.constant 1 : i32
      %dma_start3A_134 = arith.constant 1 : i32
      %dma_start3A_135 = arith.constant 0 : i32
      %dma_start3A_136 = arith.constant 0 : i32
      %dma_start3A_137 = tpu.memref_slice %arg8[%dma_start3A_133, %dma_start3A_135, %dma_start3A_136] : memref<2x128x128xf32, #tpu.memory_space<vmem>> -> memref<1x128x128xf32, #tpu.memory_space<vmem>>
      %dma_start3A_138 = tpu.memref_squeeze %dma_start3A_137 : memref<1x128x128xf32, #tpu.memory_space<vmem>> -> memref<128x128xf32, #tpu.memory_space<vmem>>
      %dma_start3A_139 = arith.constant 0 : i32
      %dma_start3A_140 = tpu.memref_slice %arg6[%add3A_132, %dma_start3A_139] : memref<40x128xi32, #tpu.memory_space<vmem>> -> memref<1x128xi32, #tpu.memory_space<vmem>>
      %dma_start3A_141 = tpu.memref_squeeze %dma_start3A_140 : memref<1x128xi32, #tpu.memory_space<vmem>> -> memref<128xi32, #tpu.memory_space<vmem>>
      %dma_start3A_142 = arith.constant 0 : i32
      %dma_start3A_143 = arith.constant 0 : i32
      %dma_start3A_144 = tpu.memref_slice %arg2[%dma_start3A_142, %dma_start3A_143] : memref<10000x128xf32, #tpu.memory_space<hbm>> -> memref<10000x128xf32, #tpu.memory_space<hbm>>
      %dma_start3A_145 = tpu.memref_slice %arg10[%dma_start3A_134] : memref<2x!tpu.dma_semaphore, #tpu.memory_space<semaphore_mem>> -> memref<1x!tpu.dma_semaphore, #tpu.memory_space<semaphore_mem>>
      %dma_start3A_146 = tpu.memref_squeeze %dma_start3A_145 : memref<1x!tpu.dma_semaphore, #tpu.memory_space<semaphore_mem>> -> memref<!tpu.dma_semaphore, #tpu.memory_space<semaphore_mem>>
      tpu.enqueue_indirect_dma source(%dma_start3A_144 : memref<10000x128xf32, #tpu.memory_space<hbm>>) target(%dma_start3A_138 : memref<128x128xf32, #tpu.memory_space<vmem>>) offsets(%dma_start3A_141 : memref<128xi32, #tpu.memory_space<vmem>>) semaphore(%dma_start3A_146 : memref<!tpu.dma_semaphore, #tpu.memory_space<semaphore_mem>>)
      %dma_wait3A_147 = arith.constant 0 : i32
      %dma_wait3A_148 = arith.constant 0 : i32
      %dma_wait3A_149 = arith.constant 0 : i32
      %dma_wait3A_150 = arith.constant 0 : i32
      %dma_wait3A_151 = arith.constant 0 : i32
      %dma_wait3A_152 = tpu.memref_slice %arg8[%dma_wait3A_147, %dma_wait3A_150, %dma_wait3A_151] : memref<2x128x128xf32, #tpu.memory_space<vmem>> -> memref<1x128x128xf32, #tpu.memory_space<vmem>>
      %dma_wait3A_153 = tpu.memref_squeeze %dma_wait3A_152 : memref<1x128x128xf32, #tpu.memory_space<vmem>> -> memref<128x128xf32, #tpu.memory_space<vmem>>
      %dma_wait3A_154 = arith.constant 0 : i32
      %dma_wait3A_155 = tpu.memref_slice %arg7[%dma_wait3A_148, %dma_wait3A_154] : memref<40x128xi32, #tpu.memory_space<vmem>> -> memref<1x128xi32, #tpu.memory_space<vmem>>
      %dma_wait3A_156 = tpu.memref_squeeze %dma_wait3A_155 : memref<1x128xi32, #tpu.memory_space<vmem>> -> memref<128xi32, #tpu.memory_space<vmem>>
      %dma_wait3A_157 = arith.constant 0 : i32
      %dma_wait3A_158 = arith.constant 0 : i32
      %dma_wait3A_159 = tpu.memref_slice %arg9[%dma_wait3A_157, %dma_wait3A_158] : memref<10008x128xf32, #tpu.memory_space<vmem_shared>> -> memref<10008x128xf32, #tpu.memory_space<vmem_shared>>
      %dma_wait3A_160 = tpu.memref_slice %arg11[%dma_wait3A_149] : memref<2x!tpu.dma_semaphore, #tpu.memory_space<semaphore_mem>> -> memref<1x!tpu.dma_semaphore, #tpu.memory_space<semaphore_mem>>
      %dma_wait3A_161 = tpu.memref_squeeze %dma_wait3A_160 : memref<1x!tpu.dma_semaphore, #tpu.memory_space<semaphore_mem>> -> memref<!tpu.dma_semaphore, #tpu.memory_space<semaphore_mem>>
      tpu.wait_indirect_dma semaphore(%dma_wait3A_161 : memref<!tpu.dma_semaphore, #tpu.memory_space<semaphore_mem>>) src(%dma_wait3A_153 : memref<128x128xf32, #tpu.memory_space<vmem>>) dst(%dma_wait3A_159 : memref<10008x128xf32, #tpu.memory_space<vmem_shared>>)
      %lt3A = arith.constant 19 : i32
      %lt3A_162 = arith.cmpi slt, %scan3A_93, %lt3A : i32
      %convert_element_type3A_163 = arith.extui %lt3A_162 : i1 to i32
      %cond3A_164 = arith.constant 0 : i32
      %cond3A_165 = arith.cmpi ne, %convert_element_type3A_163, %cond3A_164 : i32
      scf.if %cond3A_165 {
        %mul3A_199 = arith.constant 2 : i32
        %mul3A_200 = arith.muli %mul3A_199, %scan3A_93 : i32
        %add3A_201 = arith.constant 2 : i32
        %add3A_202 = arith.addi %mul3A_200, %add3A_201 : i32
        %dma_start3A_203 = arith.constant 0 : i32
        %dma_start3A_204 = arith.constant 0 : i32
        %dma_start3A_205 = arith.constant 0 : i32
        %dma_start3A_206 = arith.constant 0 : i32
        %dma_start3A_207 = tpu.memref_slice %arg8[%dma_start3A_203, %dma_start3A_205, %dma_start3A_206] : memref<2x128x128xf32, #tpu.memory_space<vmem>> -> memref<1x128x128xf32, #tpu.memory_space<vmem>>
        %dma_start3A_208 = tpu.memref_squeeze %dma_start3A_207 : memref<1x128x128xf32, #tpu.memory_space<vmem>> -> memref<128x128xf32, #tpu.memory_space<vmem>>
        %dma_start3A_209 = arith.constant 0 : i32
        %dma_start3A_210 = tpu.memref_slice %arg6[%add3A_202, %dma_start3A_209] : memref<40x128xi32, #tpu.memory_space<vmem>> -> memref<1x128xi32, #tpu.memory_space<vmem>>
        %dma_start3A_211 = tpu.memref_squeeze %dma_start3A_210 : memref<1x128xi32, #tpu.memory_space<vmem>> -> memref<128xi32, #tpu.memory_space<vmem>>
        %dma_start3A_212 = arith.constant 0 : i32
        %dma_start3A_213 = arith.constant 0 : i32
        %dma_start3A_214 = tpu.memref_slice %arg2[%dma_start3A_212, %dma_start3A_213] : memref<10000x128xf32, #tpu.memory_space<hbm>> -> memref<10000x128xf32, #tpu.memory_space<hbm>>
        %dma_start3A_215 = tpu.memref_slice %arg10[%dma_start3A_204] : memref<2x!tpu.dma_semaphore, #tpu.memory_space<semaphore_mem>> -> memref<1x!tpu.dma_semaphore, #tpu.memory_space<semaphore_mem>>
        %dma_start3A_216 = tpu.memref_squeeze %dma_start3A_215 : memref<1x!tpu.dma_semaphore, #tpu.memory_space<semaphore_mem>> -> memref<!tpu.dma_semaphore, #tpu.memory_space<semaphore_mem>>
        tpu.enqueue_indirect_dma source(%dma_start3A_214 : memref<10000x128xf32, #tpu.memory_space<hbm>>) target(%dma_start3A_208 : memref<128x128xf32, #tpu.memory_space<vmem>>) offsets(%dma_start3A_211 : memref<128xi32, #tpu.memory_space<vmem>>) semaphore(%dma_start3A_216 : memref<!tpu.dma_semaphore, #tpu.memory_space<semaphore_mem>>)
      } else {
      }
      %dma_wait3A_166 = arith.constant 0 : i32
      %dma_wait3A_167 = arith.constant 1 : i32
      %dma_wait3A_168 = arith.constant 1 : i32
      %dma_wait3A_169 = arith.constant 0 : i32
      %dma_wait3A_170 = arith.constant 0 : i32
      %dma_wait3A_171 = tpu.memref_slice %arg8[%dma_wait3A_167, %dma_wait3A_169, %dma_wait3A_170] : memref<2x128x128xf32, #tpu.memory_space<vmem>> -> memref<1x128x128xf32, #tpu.memory_space<vmem>>
      %dma_wait3A_172 = tpu.memref_squeeze %dma_wait3A_171 : memref<1x128x128xf32, #tpu.memory_space<vmem>> -> memref<128x128xf32, #tpu.memory_space<vmem>>
      %dma_wait3A_173 = arith.constant 0 : i32
      %dma_wait3A_174 = tpu.memref_slice %arg6[%dma_wait3A_166, %dma_wait3A_173] : memref<40x128xi32, #tpu.memory_space<vmem>> -> memref<1x128xi32, #tpu.memory_space<vmem>>
      %dma_wait3A_175 = tpu.memref_squeeze %dma_wait3A_174 : memref<1x128xi32, #tpu.memory_space<vmem>> -> memref<128xi32, #tpu.memory_space<vmem>>
      %dma_wait3A_176 = arith.constant 0 : i32
      %dma_wait3A_177 = arith.constant 0 : i32
      %dma_wait3A_178 = tpu.memref_slice %arg2[%dma_wait3A_176, %dma_wait3A_177] : memref<10000x128xf32, #tpu.memory_space<hbm>> -> memref<10000x128xf32, #tpu.memory_space<hbm>>
      %dma_wait3A_179 = tpu.memref_slice %arg10[%dma_wait3A_168] : memref<2x!tpu.dma_semaphore, #tpu.memory_space<semaphore_mem>> -> memref<1x!tpu.dma_semaphore, #tpu.memory_space<semaphore_mem>>
      %dma_wait3A_180 = tpu.memref_squeeze %dma_wait3A_179 : memref<1x!tpu.dma_semaphore, #tpu.memory_space<semaphore_mem>> -> memref<!tpu.dma_semaphore, #tpu.memory_space<semaphore_mem>>
      tpu.wait_indirect_dma semaphore(%dma_wait3A_180 : memref<!tpu.dma_semaphore, #tpu.memory_space<semaphore_mem>>) src(%dma_wait3A_178 : memref<10000x128xf32, #tpu.memory_space<hbm>>) dst(%dma_wait3A_172 : memref<128x128xf32, #tpu.memory_space<vmem>>)
      %mul3A_181 = arith.constant 2 : i32
      %mul3A_182 = arith.muli %mul3A_181, %scan3A_93 : i32
      %add3A_183 = arith.constant 1 : i32
      %add3A_184 = arith.addi %mul3A_182, %add3A_183 : i32
      %dma_start3A_185 = arith.constant 1 : i32
      %dma_start3A_186 = arith.constant 1 : i32
      %dma_start3A_187 = arith.constant 0 : i32
      %dma_start3A_188 = arith.constant 0 : i32
      %dma_start3A_189 = tpu.memref_slice %arg8[%dma_start3A_185, %dma_start3A_187, %dma_start3A_188] : memref<2x128x128xf32, #tpu.memory_space<vmem>> -> memref<1x128x128xf32, #tpu.memory_space<vmem>>
      %dma_start3A_190 = tpu.memref_squeeze %dma_start3A_189 : memref<1x128x128xf32, #tpu.memory_space<vmem>> -> memref<128x128xf32, #tpu.memory_space<vmem>>
      %dma_start3A_191 = arith.constant 0 : i32
      %dma_start3A_192 = tpu.memref_slice %arg7[%add3A_184, %dma_start3A_191] : memref<40x128xi32, #tpu.memory_space<vmem>> -> memref<1x128xi32, #tpu.memory_space<vmem>>
      %dma_start3A_193 = tpu.memref_squeeze %dma_start3A_192 : memref<1x128xi32, #tpu.memory_space<vmem>> -> memref<128xi32, #tpu.memory_space<vmem>>
      %dma_start3A_194 = arith.constant 0 : i32
      %dma_start3A_195 = arith.constant 0 : i32
      %dma_start3A_196 = tpu.memref_slice %arg9[%dma_start3A_194, %dma_start3A_195] : memref<10008x128xf32, #tpu.memory_space<vmem_shared>> -> memref<10008x128xf32, #tpu.memory_space<vmem_shared>>
      %dma_start3A_197 = tpu.memref_slice %arg11[%dma_start3A_186] : memref<2x!tpu.dma_semaphore, #tpu.memory_space<semaphore_mem>> -> memref<1x!tpu.dma_semaphore, #tpu.memory_space<semaphore_mem>>
      %dma_start3A_198 = tpu.memref_squeeze %dma_start3A_197 : memref<1x!tpu.dma_semaphore, #tpu.memory_space<semaphore_mem>> -> memref<!tpu.dma_semaphore, #tpu.memory_space<semaphore_mem>>
      tpu.enqueue_indirect_dma source(%dma_start3A_190 : memref<128x128xf32, #tpu.memory_space<vmem>>) target(%dma_start3A_196 : memref<10008x128xf32, #tpu.memory_space<vmem_shared>>) offsets(%dma_start3A_193 : memref<128xi32, #tpu.memory_space<vmem>>) semaphore(%dma_start3A_198 : memref<!tpu.dma_semaphore, #tpu.memory_space<semaphore_mem>>) {add = true}
    }
    %scan3A_29 = arith.constant 20 : i32
    %dma_wait3A = arith.constant 1 : i32
    %dma_wait3A_30 = arith.constant 0 : i32
    %dma_wait3A_31 = arith.constant 1 : i32
    %dma_wait3A_32 = arith.constant 0 : i32
    %dma_wait3A_33 = arith.constant 0 : i32
    %dma_wait3A_34 = tpu.memref_slice %arg8[%dma_wait3A, %dma_wait3A_32, %dma_wait3A_33] : memref<2x128x128xf32, #tpu.memory_space<vmem>> -> memref<1x128x128xf32, #tpu.memory_space<vmem>>
    %dma_wait3A_35 = tpu.memref_squeeze %dma_wait3A_34 : memref<1x128x128xf32, #tpu.memory_space<vmem>> -> memref<128x128xf32, #tpu.memory_space<vmem>>
    %dma_wait3A_36 = arith.constant 0 : i32
    %dma_wait3A_37 = tpu.memref_slice %arg7[%dma_wait3A_30, %dma_wait3A_36] : memref<40x128xi32, #tpu.memory_space<vmem>> -> memref<1x128xi32, #tpu.memory_space<vmem>>
    %dma_wait3A_38 = tpu.memref_squeeze %dma_wait3A_37 : memref<1x128xi32, #tpu.memory_space<vmem>> -> memref<128xi32, #tpu.memory_space<vmem>>
    %dma_wait3A_39 = arith.constant 0 : i32
    %dma_wait3A_40 = arith.constant 0 : i32
    %dma_wait3A_41 = tpu.memref_slice %arg9[%dma_wait3A_39, %dma_wait3A_40] : memref<10008x128xf32, #tpu.memory_space<vmem_shared>> -> memref<10008x128xf32, #tpu.memory_space<vmem_shared>>
    %dma_wait3A_42 = tpu.memref_slice %arg11[%dma_wait3A_31] : memref<2x!tpu.dma_semaphore, #tpu.memory_space<semaphore_mem>> -> memref<1x!tpu.dma_semaphore, #tpu.memory_space<semaphore_mem>>
    %dma_wait3A_43 = tpu.memref_squeeze %dma_wait3A_42 : memref<1x!tpu.dma_semaphore, #tpu.memory_space<semaphore_mem>> -> memref<!tpu.dma_semaphore, #tpu.memory_space<semaphore_mem>>
    tpu.wait_indirect_dma semaphore(%dma_wait3A_43 : memref<!tpu.dma_semaphore, #tpu.memory_space<semaphore_mem>>) src(%dma_wait3A_35 : memref<128x128xf32, #tpu.memory_space<vmem>>) dst(%dma_wait3A_41 : memref<10008x128xf32, #tpu.memory_space<vmem_shared>>)
    %add3A_44 = arith.constant 40 : i32
    %add3A_45 = arith.addi %mul3A_6, %add3A_44 : i32
    "tpu.region"() ({
      %run_scoped3A = tpu.sem_alloc : memref<!tpu.dma_semaphore, #tpu.memory_space<semaphore_mem>>
      %dma_start3A_93 = arith.constant 0 : i32
      %dma_start3A_94 = tpu.memref_slice %arg3[%add3A_45, %dma_start3A_93] : memref<2560x128xi32, #tpu.memory_space<hbm>> -> memref<40x128xi32, #tpu.memory_space<hbm>>
      %dma_start3A_95 = arith.constant 0 : i32
      %dma_start3A_96 = tpu.memref_slice %arg3[%add3A_45, %dma_start3A_95] : memref<2560x128xi32, #tpu.memory_space<hbm>> -> memref<40x128xi32, #tpu.memory_space<hbm>>
      tpu.enqueue_dma source(%dma_start3A_96 : memref<40x128xi32, #tpu.memory_space<hbm>>) target(%arg6 : memref<40x128xi32, #tpu.memory_space<vmem>>) target_semaphore(%run_scoped3A : memref<!tpu.dma_semaphore, #tpu.memory_space<semaphore_mem>>)
      %dma_wait3A_97 = arith.constant 0 : i32
      %dma_wait3A_98 = tpu.memref_slice %arg3[%add3A_45, %dma_wait3A_97] : memref<2560x128xi32, #tpu.memory_space<hbm>> -> memref<40x128xi32, #tpu.memory_space<hbm>>
      %dma_wait3A_99 = arith.constant 0 : i32
      %dma_wait3A_100 = tpu.memref_slice %arg3[%add3A_45, %dma_wait3A_99] : memref<2560x128xi32, #tpu.memory_space<hbm>> -> memref<40x128xi32, #tpu.memory_space<hbm>>
      tpu.wait_dma2 semaphore(%run_scoped3A : memref<!tpu.dma_semaphore, #tpu.memory_space<semaphore_mem>>) src(%dma_wait3A_100 : memref<40x128xi32, #tpu.memory_space<hbm>>) dst(%arg6 : memref<40x128xi32, #tpu.memory_space<vmem>>)
      tpu.yield
    }) : () -> ()
    %add3A_46 = arith.constant 40 : i32
    %add3A_47 = arith.addi %mul3A_6, %add3A_46 : i32
    "tpu.region"() ({
      %run_scoped3A = tpu.sem_alloc : memref<!tpu.dma_semaphore, #tpu.memory_space<semaphore_mem>>
      %dma_start3A_93 = arith.constant 0 : i32
      %dma_start3A_94 = tpu.memref_slice %arg4[%add3A_47, %dma_start3A_93] : memref<2560x128xi32, #tpu.memory_space<hbm>> -> memref<40x128xi32, #tpu.memory_space<hbm>>
      %dma_start3A_95 = arith.constant 0 : i32
      %dma_start3A_96 = tpu.memref_slice %arg4[%add3A_47, %dma_start3A_95] : memref<2560x128xi32, #tpu.memory_space<hbm>> -> memref<40x128xi32, #tpu.memory_space<hbm>>
      tpu.enqueue_dma source(%dma_start3A_96 : memref<40x128xi32, #tpu.memory_space<hbm>>) target(%arg7 : memref<40x128xi32, #tpu.memory_space<vmem>>) target_semaphore(%run_scoped3A : memref<!tpu.dma_semaphore, #tpu.memory_space<semaphore_mem>>)
      %dma_wait3A_97 = arith.constant 0 : i32
      %dma_wait3A_98 = tpu.memref_slice %arg4[%add3A_47, %dma_wait3A_97] : memref<2560x128xi32, #tpu.memory_space<hbm>> -> memref<40x128xi32, #tpu.memory_space<hbm>>
      %dma_wait3A_99 = arith.constant 0 : i32
      %dma_wait3A_100 = tpu.memref_slice %arg4[%add3A_47, %dma_wait3A_99] : memref<2560x128xi32, #tpu.memory_space<hbm>> -> memref<40x128xi32, #tpu.memory_space<hbm>>
      tpu.wait_dma2 semaphore(%run_scoped3A : memref<!tpu.dma_semaphore, #tpu.memory_space<semaphore_mem>>) src(%dma_wait3A_100 : memref<40x128xi32, #tpu.memory_space<hbm>>) dst(%arg7 : memref<40x128xi32, #tpu.memory_space<vmem>>)
      tpu.yield
    }) : () -> ()
    %dma_start3A_48 = arith.constant 0 : i32
    %dma_start3A_49 = arith.constant 0 : i32
    %dma_start3A_50 = arith.constant 0 : i32
    %dma_start3A_51 = arith.constant 0 : i32
    %dma_start3A_52 = arith.constant 0 : i32
    %dma_start3A_53 = tpu.memref_slice %arg8[%dma_start3A_49, %dma_start3A_51, %dma_start3A_52] : memref<2x128x128xf32, #tpu.memory_space<vmem>> -> memref<1x128x128xf32, #tpu.memory_space<vmem>>
    %dma_start3A_54 = tpu.memref_squeeze %dma_start3A_53 : memref<1x128x128xf32, #tpu.memory_space<vmem>> -> memref<128x128xf32, #tpu.memory_space<vmem>>
    %dma_start3A_55 = arith.constant 0 : i32
    %dma_start3A_56 = tpu.memref_slice %arg6[%dma_start3A_48, %dma_start3A_55] : memref<40x128xi32, #tpu.memory_space<vmem>> -> memref<1x128xi32, #tpu.memory_space<vmem>>
    %dma_start3A_57 = tpu.memref_squeeze %dma_start3A_56 : memref<1x128xi32, #tpu.memory_space<vmem>> -> memref<128xi32, #tpu.memory_space<vmem>>
    %dma_start3A_58 = arith.constant 0 : i32
    %dma_start3A_59 = arith.constant 0 : i32
    %dma_start3A_60 = tpu.memref_slice %arg2[%dma_start3A_58, %dma_start3A_59] : memref<10000x128xf32, #tpu.memory_space<hbm>> -> memref<10000x128xf32, #tpu.memory_space<hbm>>
    %dma_start3A_61 = tpu.memref_slice %arg10[%dma_start3A_50] : memref<2x!tpu.dma_semaphore, #tpu.memory_space<semaphore_mem>> -> memref<1x!tpu.dma_semaphore, #tpu.memory_space<semaphore_mem>>
    %dma_start3A_62 = tpu.memref_squeeze %dma_start3A_61 : memref<1x!tpu.dma_semaphore, #tpu.memory_space<semaphore_mem>> -> memref<!tpu.dma_semaphore, #tpu.memory_space<semaphore_mem>>
    tpu.enqueue_indirect_dma source(%dma_start3A_60 : memref<10000x128xf32, #tpu.memory_space<hbm>>) target(%dma_start3A_54 : memref<128x128xf32, #tpu.memory_space<vmem>>) offsets(%dma_start3A_57 : memref<128xi32, #tpu.memory_space<vmem>>) semaphore(%dma_start3A_62 : memref<!tpu.dma_semaphore, #tpu.memory_space<semaphore_mem>>)
    %scan3A_63 = arith.constant 0 : i32
    %scan3A_64 = arith.constant 0 : i32
    %scan3A_65 = arith.constant 20 : i32
    %scan3A_66 = arith.addi %scan3A_64, %scan3A_65 : i32
    %scan3A_67 = arith.constant 1 : i32
    scf.for %scan3A_93 = %scan3A_64 to %scan3A_66 step %scan3A_67  : i32 {
      %dma_wait3A_94 = arith.constant 0 : i32
      %dma_wait3A_95 = arith.constant 0 : i32
      %dma_wait3A_96 = arith.constant 0 : i32
      %dma_wait3A_97 = arith.constant 0 : i32
      %dma_wait3A_98 = arith.constant 0 : i32
      %dma_wait3A_99 = tpu.memref_slice %arg8[%dma_wait3A_95, %dma_wait3A_97, %dma_wait3A_98] : memref<2x128x128xf32, #tpu.memory_space<vmem>> -> memref<1x128x128xf32, #tpu.memory_space<vmem>>
      %dma_wait3A_100 = tpu.memref_squeeze %dma_wait3A_99 : memref<1x128x128xf32, #tpu.memory_space<vmem>> -> memref<128x128xf32, #tpu.memory_space<vmem>>
      %dma_wait3A_101 = arith.constant 0 : i32
      %dma_wait3A_102 = tpu.memref_slice %arg6[%dma_wait3A_94, %dma_wait3A_101] : memref<40x128xi32, #tpu.memory_space<vmem>> -> memref<1x128xi32, #tpu.memory_space<vmem>>
      %dma_wait3A_103 = tpu.memref_squeeze %dma_wait3A_102 : memref<1x128xi32, #tpu.memory_space<vmem>> -> memref<128xi32, #tpu.memory_space<vmem>>
      %dma_wait3A_104 = arith.constant 0 : i32
      %dma_wait3A_105 = arith.constant 0 : i32
      %dma_wait3A_106 = tpu.memref_slice %arg2[%dma_wait3A_104, %dma_wait3A_105] : memref<10000x128xf32, #tpu.memory_space<hbm>> -> memref<10000x128xf32, #tpu.memory_space<hbm>>
      %dma_wait3A_107 = tpu.memref_slice %arg10[%dma_wait3A_96] : memref<2x!tpu.dma_semaphore, #tpu.memory_space<semaphore_mem>> -> memref<1x!tpu.dma_semaphore, #tpu.memory_space<semaphore_mem>>
      %dma_wait3A_108 = tpu.memref_squeeze %dma_wait3A_107 : memref<1x!tpu.dma_semaphore, #tpu.memory_space<semaphore_mem>> -> memref<!tpu.dma_semaphore, #tpu.memory_space<semaphore_mem>>
      tpu.wait_indirect_dma semaphore(%dma_wait3A_108 : memref<!tpu.dma_semaphore, #tpu.memory_space<semaphore_mem>>) src(%dma_wait3A_106 : memref<10000x128xf32, #tpu.memory_space<hbm>>) dst(%dma_wait3A_100 : memref<128x128xf32, #tpu.memory_space<vmem>>)
      %mul3A_109 = arith.constant 2 : i32
      %mul3A_110 = arith.muli %mul3A_109, %scan3A_93 : i32
      %dma_start3A_111 = arith.constant 0 : i32
      %dma_start3A_112 = arith.constant 0 : i32
      %dma_start3A_113 = arith.constant 0 : i32
      %dma_start3A_114 = arith.constant 0 : i32
      %dma_start3A_115 = tpu.memref_slice %arg8[%dma_start3A_111, %dma_start3A_113, %dma_start3A_114] : memref<2x128x128xf32, #tpu.memory_space<vmem>> -> memref<1x128x128xf32, #tpu.memory_space<vmem>>
      %dma_start3A_116 = tpu.memref_squeeze %dma_start3A_115 : memref<1x128x128xf32, #tpu.memory_space<vmem>> -> memref<128x128xf32, #tpu.memory_space<vmem>>
      %dma_start3A_117 = arith.constant 0 : i32
      %dma_start3A_118 = tpu.memref_slice %arg7[%mul3A_110, %dma_start3A_117] : memref<40x128xi32, #tpu.memory_space<vmem>> -> memref<1x128xi32, #tpu.memory_space<vmem>>
      %dma_start3A_119 = tpu.memref_squeeze %dma_start3A_118 : memref<1x128xi32, #tpu.memory_space<vmem>> -> memref<128xi32, #tpu.memory_space<vmem>>
      %dma_start3A_120 = arith.constant 0 : i32
      %dma_start3A_121 = arith.constant 0 : i32
      %dma_start3A_122 = tpu.memref_slice %arg9[%dma_start3A_120, %dma_start3A_121] : memref<10008x128xf32, #tpu.memory_space<vmem_shared>> -> memref<10008x128xf32, #tpu.memory_space<vmem_shared>>
      %dma_start3A_123 = tpu.memref_slice %arg11[%dma_start3A_112] : memref<2x!tpu.dma_semaphore, #tpu.memory_space<semaphore_mem>> -> memref<1x!tpu.dma_semaphore, #tpu.memory_space<semaphore_mem>>
      %dma_start3A_124 = tpu.memref_squeeze %dma_start3A_123 : memref<1x!tpu.dma_semaphore, #tpu.memory_space<semaphore_mem>> -> memref<!tpu.dma_semaphore, #tpu.memory_space<semaphore_mem>>
      tpu.enqueue_indirect_dma source(%dma_start3A_116 : memref<128x128xf32, #tpu.memory_space<vmem>>) target(%dma_start3A_122 : memref<10008x128xf32, #tpu.memory_space<vmem_shared>>) offsets(%dma_start3A_119 : memref<128xi32, #tpu.memory_space<vmem>>) semaphore(%dma_start3A_124 : memref<!tpu.dma_semaphore, #tpu.memory_space<semaphore_mem>>) {add = true}
      %gt3A = arith.constant 0 : i32
      %gt3A_125 = arith.cmpi sgt, %scan3A_93, %gt3A : i32
      %convert_element_type3A_126 = arith.extui %gt3A_125 : i1 to i32
      %cond3A_127 = arith.constant 0 : i32
      %cond3A_128 = arith.cmpi ne, %convert_element_type3A_126, %cond3A_127 : i32
      scf.if %cond3A_128 {
        %dma_wait3A_199 = arith.constant 1 : i32
        %dma_wait3A_200 = arith.constant 0 : i32
        %dma_wait3A_201 = arith.constant 1 : i32
        %dma_wait3A_202 = arith.constant 0 : i32
        %dma_wait3A_203 = arith.constant 0 : i32
        %dma_wait3A_204 = tpu.memref_slice %arg8[%dma_wait3A_199, %dma_wait3A_202, %dma_wait3A_203] : memref<2x128x128xf32, #tpu.memory_space<vmem>> -> memref<1x128x128xf32, #tpu.memory_space<vmem>>
        %dma_wait3A_205 = tpu.memref_squeeze %dma_wait3A_204 : memref<1x128x128xf32, #tpu.memory_space<vmem>> -> memref<128x128xf32, #tpu.memory_space<vmem>>
        %dma_wait3A_206 = arith.constant 0 : i32
        %dma_wait3A_207 = tpu.memref_slice %arg7[%dma_wait3A_200, %dma_wait3A_206] : memref<40x128xi32, #tpu.memory_space<vmem>> -> memref<1x128xi32, #tpu.memory_space<vmem>>
        %dma_wait3A_208 = tpu.memref_squeeze %dma_wait3A_207 : memref<1x128xi32, #tpu.memory_space<vmem>> -> memref<128xi32, #tpu.memory_space<vmem>>
        %dma_wait3A_209 = arith.constant 0 : i32
        %dma_wait3A_210 = arith.constant 0 : i32
        %dma_wait3A_211 = tpu.memref_slice %arg9[%dma_wait3A_209, %dma_wait3A_210] : memref<10008x128xf32, #tpu.memory_space<vmem_shared>> -> memref<10008x128xf32, #tpu.memory_space<vmem_shared>>
        %dma_wait3A_212 = tpu.memref_slice %arg11[%dma_wait3A_201] : memref<2x!tpu.dma_semaphore, #tpu.memory_space<semaphore_mem>> -> memref<1x!tpu.dma_semaphore, #tpu.memory_space<semaphore_mem>>
        %dma_wait3A_213 = tpu.memref_squeeze %dma_wait3A_212 : memref<1x!tpu.dma_semaphore, #tpu.memory_space<semaphore_mem>> -> memref<!tpu.dma_semaphore, #tpu.memory_space<semaphore_mem>>
        tpu.wait_indirect_dma semaphore(%dma_wait3A_213 : memref<!tpu.dma_semaphore, #tpu.memory_space<semaphore_mem>>) src(%dma_wait3A_205 : memref<128x128xf32, #tpu.memory_space<vmem>>) dst(%dma_wait3A_211 : memref<10008x128xf32, #tpu.memory_space<vmem_shared>>)
      } else {
      }
      %mul3A_129 = arith.constant 2 : i32
      %mul3A_130 = arith.muli %mul3A_129, %scan3A_93 : i32
      %add3A_131 = arith.constant 1 : i32
      %add3A_132 = arith.addi %mul3A_130, %add3A_131 : i32
      %dma_start3A_133 = arith.constant 1 : i32
      %dma_start3A_134 = arith.constant 1 : i32
      %dma_start3A_135 = arith.constant 0 : i32
      %dma_start3A_136 = arith.constant 0 : i32
      %dma_start3A_137 = tpu.memref_slice %arg8[%dma_start3A_133, %dma_start3A_135, %dma_start3A_136] : memref<2x128x128xf32, #tpu.memory_space<vmem>> -> memref<1x128x128xf32, #tpu.memory_space<vmem>>
      %dma_start3A_138 = tpu.memref_squeeze %dma_start3A_137 : memref<1x128x128xf32, #tpu.memory_space<vmem>> -> memref<128x128xf32, #tpu.memory_space<vmem>>
      %dma_start3A_139 = arith.constant 0 : i32
      %dma_start3A_140 = tpu.memref_slice %arg6[%add3A_132, %dma_start3A_139] : memref<40x128xi32, #tpu.memory_space<vmem>> -> memref<1x128xi32, #tpu.memory_space<vmem>>
      %dma_start3A_141 = tpu.memref_squeeze %dma_start3A_140 : memref<1x128xi32, #tpu.memory_space<vmem>> -> memref<128xi32, #tpu.memory_space<vmem>>
      %dma_start3A_142 = arith.constant 0 : i32
      %dma_start3A_143 = arith.constant 0 : i32
      %dma_start3A_144 = tpu.memref_slice %arg2[%dma_start3A_142, %dma_start3A_143] : memref<10000x128xf32, #tpu.memory_space<hbm>> -> memref<10000x128xf32, #tpu.memory_space<hbm>>
      %dma_start3A_145 = tpu.memref_slice %arg10[%dma_start3A_134] : memref<2x!tpu.dma_semaphore, #tpu.memory_space<semaphore_mem>> -> memref<1x!tpu.dma_semaphore, #tpu.memory_space<semaphore_mem>>
      %dma_start3A_146 = tpu.memref_squeeze %dma_start3A_145 : memref<1x!tpu.dma_semaphore, #tpu.memory_space<semaphore_mem>> -> memref<!tpu.dma_semaphore, #tpu.memory_space<semaphore_mem>>
      tpu.enqueue_indirect_dma source(%dma_start3A_144 : memref<10000x128xf32, #tpu.memory_space<hbm>>) target(%dma_start3A_138 : memref<128x128xf32, #tpu.memory_space<vmem>>) offsets(%dma_start3A_141 : memref<128xi32, #tpu.memory_space<vmem>>) semaphore(%dma_start3A_146 : memref<!tpu.dma_semaphore, #tpu.memory_space<semaphore_mem>>)
      %dma_wait3A_147 = arith.constant 0 : i32
      %dma_wait3A_148 = arith.constant 0 : i32
      %dma_wait3A_149 = arith.constant 0 : i32
      %dma_wait3A_150 = arith.constant 0 : i32
      %dma_wait3A_151 = arith.constant 0 : i32
      %dma_wait3A_152 = tpu.memref_slice %arg8[%dma_wait3A_147, %dma_wait3A_150, %dma_wait3A_151] : memref<2x128x128xf32, #tpu.memory_space<vmem>> -> memref<1x128x128xf32, #tpu.memory_space<vmem>>
      %dma_wait3A_153 = tpu.memref_squeeze %dma_wait3A_152 : memref<1x128x128xf32, #tpu.memory_space<vmem>> -> memref<128x128xf32, #tpu.memory_space<vmem>>
      %dma_wait3A_154 = arith.constant 0 : i32
      %dma_wait3A_155 = tpu.memref_slice %arg7[%dma_wait3A_148, %dma_wait3A_154] : memref<40x128xi32, #tpu.memory_space<vmem>> -> memref<1x128xi32, #tpu.memory_space<vmem>>
      %dma_wait3A_156 = tpu.memref_squeeze %dma_wait3A_155 : memref<1x128xi32, #tpu.memory_space<vmem>> -> memref<128xi32, #tpu.memory_space<vmem>>
      %dma_wait3A_157 = arith.constant 0 : i32
      %dma_wait3A_158 = arith.constant 0 : i32
      %dma_wait3A_159 = tpu.memref_slice %arg9[%dma_wait3A_157, %dma_wait3A_158] : memref<10008x128xf32, #tpu.memory_space<vmem_shared>> -> memref<10008x128xf32, #tpu.memory_space<vmem_shared>>
      %dma_wait3A_160 = tpu.memref_slice %arg11[%dma_wait3A_149] : memref<2x!tpu.dma_semaphore, #tpu.memory_space<semaphore_mem>> -> memref<1x!tpu.dma_semaphore, #tpu.memory_space<semaphore_mem>>
      %dma_wait3A_161 = tpu.memref_squeeze %dma_wait3A_160 : memref<1x!tpu.dma_semaphore, #tpu.memory_space<semaphore_mem>> -> memref<!tpu.dma_semaphore, #tpu.memory_space<semaphore_mem>>
      tpu.wait_indirect_dma semaphore(%dma_wait3A_161 : memref<!tpu.dma_semaphore, #tpu.memory_space<semaphore_mem>>) src(%dma_wait3A_153 : memref<128x128xf32, #tpu.memory_space<vmem>>) dst(%dma_wait3A_159 : memref<10008x128xf32, #tpu.memory_space<vmem_shared>>)
      %lt3A = arith.constant 19 : i32
      %lt3A_162 = arith.cmpi slt, %scan3A_93, %lt3A : i32
      %convert_element_type3A_163 = arith.extui %lt3A_162 : i1 to i32
      %cond3A_164 = arith.constant 0 : i32
      %cond3A_165 = arith.cmpi ne, %convert_element_type3A_163, %cond3A_164 : i32
      scf.if %cond3A_165 {
        %mul3A_199 = arith.constant 2 : i32
        %mul3A_200 = arith.muli %mul3A_199, %scan3A_93 : i32
        %add3A_201 = arith.constant 2 : i32
        %add3A_202 = arith.addi %mul3A_200, %add3A_201 : i32
        %dma_start3A_203 = arith.constant 0 : i32
        %dma_start3A_204 = arith.constant 0 : i32
        %dma_start3A_205 = arith.constant 0 : i32
        %dma_start3A_206 = arith.constant 0 : i32
        %dma_start3A_207 = tpu.memref_slice %arg8[%dma_start3A_203, %dma_start3A_205, %dma_start3A_206] : memref<2x128x128xf32, #tpu.memory_space<vmem>> -> memref<1x128x128xf32, #tpu.memory_space<vmem>>
        %dma_start3A_208 = tpu.memref_squeeze %dma_start3A_207 : memref<1x128x128xf32, #tpu.memory_space<vmem>> -> memref<128x128xf32, #tpu.memory_space<vmem>>
        %dma_start3A_209 = arith.constant 0 : i32
        %dma_start3A_210 = tpu.memref_slice %arg6[%add3A_202, %dma_start3A_209] : memref<40x128xi32, #tpu.memory_space<vmem>> -> memref<1x128xi32, #tpu.memory_space<vmem>>
        %dma_start3A_211 = tpu.memref_squeeze %dma_start3A_210 : memref<1x128xi32, #tpu.memory_space<vmem>> -> memref<128xi32, #tpu.memory_space<vmem>>
        %dma_start3A_212 = arith.constant 0 : i32
        %dma_start3A_213 = arith.constant 0 : i32
        %dma_start3A_214 = tpu.memref_slice %arg2[%dma_start3A_212, %dma_start3A_213] : memref<10000x128xf32, #tpu.memory_space<hbm>> -> memref<10000x128xf32, #tpu.memory_space<hbm>>
        %dma_start3A_215 = tpu.memref_slice %arg10[%dma_start3A_204] : memref<2x!tpu.dma_semaphore, #tpu.memory_space<semaphore_mem>> -> memref<1x!tpu.dma_semaphore, #tpu.memory_space<semaphore_mem>>
        %dma_start3A_216 = tpu.memref_squeeze %dma_start3A_215 : memref<1x!tpu.dma_semaphore, #tpu.memory_space<semaphore_mem>> -> memref<!tpu.dma_semaphore, #tpu.memory_space<semaphore_mem>>
        tpu.enqueue_indirect_dma source(%dma_start3A_214 : memref<10000x128xf32, #tpu.memory_space<hbm>>) target(%dma_start3A_208 : memref<128x128xf32, #tpu.memory_space<vmem>>) offsets(%dma_start3A_211 : memref<128xi32, #tpu.memory_space<vmem>>) semaphore(%dma_start3A_216 : memref<!tpu.dma_semaphore, #tpu.memory_space<semaphore_mem>>)
      } else {
      }
      %dma_wait3A_166 = arith.constant 0 : i32
      %dma_wait3A_167 = arith.constant 1 : i32
      %dma_wait3A_168 = arith.constant 1 : i32
      %dma_wait3A_169 = arith.constant 0 : i32
      %dma_wait3A_170 = arith.constant 0 : i32
      %dma_wait3A_171 = tpu.memref_slice %arg8[%dma_wait3A_167, %dma_wait3A_169, %dma_wait3A_170] : memref<2x128x128xf32, #tpu.memory_space<vmem>> -> memref<1x128x128xf32, #tpu.memory_space<vmem>>
      %dma_wait3A_172 = tpu.memref_squeeze %dma_wait3A_171 : memref<1x128x128xf32, #tpu.memory_space<vmem>> -> memref<128x128xf32, #tpu.memory_space<vmem>>
      %dma_wait3A_173 = arith.constant 0 : i32
      %dma_wait3A_174 = tpu.memref_slice %arg6[%dma_wait3A_166, %dma_wait3A_173] : memref<40x128xi32, #tpu.memory_space<vmem>> -> memref<1x128xi32, #tpu.memory_space<vmem>>
      %dma_wait3A_175 = tpu.memref_squeeze %dma_wait3A_174 : memref<1x128xi32, #tpu.memory_space<vmem>> -> memref<128xi32, #tpu.memory_space<vmem>>
      %dma_wait3A_176 = arith.constant 0 : i32
      %dma_wait3A_177 = arith.constant 0 : i32
      %dma_wait3A_178 = tpu.memref_slice %arg2[%dma_wait3A_176, %dma_wait3A_177] : memref<10000x128xf32, #tpu.memory_space<hbm>> -> memref<10000x128xf32, #tpu.memory_space<hbm>>
      %dma_wait3A_179 = tpu.memref_slice %arg10[%dma_wait3A_168] : memref<2x!tpu.dma_semaphore, #tpu.memory_space<semaphore_mem>> -> memref<1x!tpu.dma_semaphore, #tpu.memory_space<semaphore_mem>>
      %dma_wait3A_180 = tpu.memref_squeeze %dma_wait3A_179 : memref<1x!tpu.dma_semaphore, #tpu.memory_space<semaphore_mem>> -> memref<!tpu.dma_semaphore, #tpu.memory_space<semaphore_mem>>
      tpu.wait_indirect_dma semaphore(%dma_wait3A_180 : memref<!tpu.dma_semaphore, #tpu.memory_space<semaphore_mem>>) src(%dma_wait3A_178 : memref<10000x128xf32, #tpu.memory_space<hbm>>) dst(%dma_wait3A_172 : memref<128x128xf32, #tpu.memory_space<vmem>>)
      %mul3A_181 = arith.constant 2 : i32
      %mul3A_182 = arith.muli %mul3A_181, %scan3A_93 : i32
      %add3A_183 = arith.constant 1 : i32
      %add3A_184 = arith.addi %mul3A_182, %add3A_183 : i32
      %dma_start3A_185 = arith.constant 1 : i32
      %dma_start3A_186 = arith.constant 1 : i32
      %dma_start3A_187 = arith.constant 0 : i32
      %dma_start3A_188 = arith.constant 0 : i32
      %dma_start3A_189 = tpu.memref_slice %arg8[%dma_start3A_185, %dma_start3A_187, %dma_start3A_188] : memref<2x128x128xf32, #tpu.memory_space<vmem>> -> memref<1x128x128xf32, #tpu.memory_space<vmem>>
      %dma_start3A_190 = tpu.memref_squeeze %dma_start3A_189 : memref<1x128x128xf32, #tpu.memory_space<vmem>> -> memref<128x128xf32, #tpu.memory_space<vmem>>
      %dma_start3A_191 = arith.constant 0 : i32
      %dma_start3A_192 = tpu.memref_slice %arg7[%add3A_184, %dma_start3A_191] : memref<40x128xi32, #tpu.memory_space<vmem>> -> memref<1x128xi32, #tpu.memory_space<vmem>>
      %dma_start3A_193 = tpu.memref_squeeze %dma_start3A_192 : memref<1x128xi32, #tpu.memory_space<vmem>> -> memref<128xi32, #tpu.memory_space<vmem>>
      %dma_start3A_194 = arith.constant 0 : i32
      %dma_start3A_195 = arith.constant 0 : i32
      %dma_start3A_196 = tpu.memref_slice %arg9[%dma_start3A_194, %dma_start3A_195] : memref<10008x128xf32, #tpu.memory_space<vmem_shared>> -> memref<10008x128xf32, #tpu.memory_space<vmem_shared>>
      %dma_start3A_197 = tpu.memref_slice %arg11[%dma_start3A_186] : memref<2x!tpu.dma_semaphore, #tpu.memory_space<semaphore_mem>> -> memref<1x!tpu.dma_semaphore, #tpu.memory_space<semaphore_mem>>
      %dma_start3A_198 = tpu.memref_squeeze %dma_start3A_197 : memref<1x!tpu.dma_semaphore, #tpu.memory_space<semaphore_mem>> -> memref<!tpu.dma_semaphore, #tpu.memory_space<semaphore_mem>>
      tpu.enqueue_indirect_dma source(%dma_start3A_190 : memref<128x128xf32, #tpu.memory_space<vmem>>) target(%dma_start3A_196 : memref<10008x128xf32, #tpu.memory_space<vmem_shared>>) offsets(%dma_start3A_193 : memref<128xi32, #tpu.memory_space<vmem>>) semaphore(%dma_start3A_198 : memref<!tpu.dma_semaphore, #tpu.memory_space<semaphore_mem>>) {add = true}
    }
    %scan3A_68 = arith.constant 20 : i32
    %dma_wait3A_69 = arith.constant 1 : i32
    %dma_wait3A_70 = arith.constant 0 : i32
    %dma_wait3A_71 = arith.constant 1 : i32
    %dma_wait3A_72 = arith.constant 0 : i32
    %dma_wait3A_73 = arith.constant 0 : i32
    %dma_wait3A_74 = tpu.memref_slice %arg8[%dma_wait3A_69, %dma_wait3A_72, %dma_wait3A_73] : memref<2x128x128xf32, #tpu.memory_space<vmem>> -> memref<1x128x128xf32, #tpu.memory_space<vmem>>
    %dma_wait3A_75 = tpu.memref_squeeze %dma_wait3A_74 : memref<1x128x128xf32, #tpu.memory_space<vmem>> -> memref<128x128xf32, #tpu.memory_space<vmem>>
    %dma_wait3A_76 = arith.constant 0 : i32
    %dma_wait3A_77 = tpu.memref_slice %arg7[%dma_wait3A_70, %dma_wait3A_76] : memref<40x128xi32, #tpu.memory_space<vmem>> -> memref<1x128xi32, #tpu.memory_space<vmem>>
    %dma_wait3A_78 = tpu.memref_squeeze %dma_wait3A_77 : memref<1x128xi32, #tpu.memory_space<vmem>> -> memref<128xi32, #tpu.memory_space<vmem>>
    %dma_wait3A_79 = arith.constant 0 : i32
    %dma_wait3A_80 = arith.constant 0 : i32
    %dma_wait3A_81 = tpu.memref_slice %arg9[%dma_wait3A_79, %dma_wait3A_80] : memref<10008x128xf32, #tpu.memory_space<vmem_shared>> -> memref<10008x128xf32, #tpu.memory_space<vmem_shared>>
    %dma_wait3A_82 = tpu.memref_slice %arg11[%dma_wait3A_71] : memref<2x!tpu.dma_semaphore, #tpu.memory_space<semaphore_mem>> -> memref<1x!tpu.dma_semaphore, #tpu.memory_space<semaphore_mem>>
    %dma_wait3A_83 = tpu.memref_squeeze %dma_wait3A_82 : memref<1x!tpu.dma_semaphore, #tpu.memory_space<semaphore_mem>> -> memref<!tpu.dma_semaphore, #tpu.memory_space<semaphore_mem>>
    tpu.wait_indirect_dma semaphore(%dma_wait3A_83 : memref<!tpu.dma_semaphore, #tpu.memory_space<semaphore_mem>>) src(%dma_wait3A_75 : memref<128x128xf32, #tpu.memory_space<vmem>>) dst(%dma_wait3A_81 : memref<10008x128xf32, #tpu.memory_space<vmem_shared>>)
    %barrier3A_84 = arith.constant 0 : index
    tpu.barrier barrier_id(%barrier3A_84)
    %mul3A_85 = arith.constant 10000 : i32
    %mul3A_86 = arith.muli %arg0, %mul3A_85 : i32
    %add3A_87 = arith.addi %mul3A_86, %mul3A_2 : i32
    "tpu.region"() ({
      %run_scoped3A = tpu.sem_alloc : memref<!tpu.dma_semaphore, #tpu.memory_space<semaphore_mem>>
      %dma_start3A_93 = arith.constant 0 : i32
      %dma_start3A_94 = tpu.memref_slice %arg5[%add3A_87, %dma_start3A_93] : memref<20000x128xf32, #tpu.memory_space<hbm>> -> memref<624x128xf32, #tpu.memory_space<hbm>>
      %dma_start3A_95 = arith.constant 0 : i32
      %dma_start3A_96 = tpu.memref_slice %arg9[%mul3A_2, %dma_start3A_95] : memref<10008x128xf32, #tpu.memory_space<vmem_shared>> -> memref<624x128xf32, #tpu.memory_space<vmem_shared>>
      tpu.enqueue_dma source(%dma_start3A_96 : memref<624x128xf32, #tpu.memory_space<vmem_shared>>) target(%dma_start3A_94 : memref<624x128xf32, #tpu.memory_space<hbm>>) target_semaphore(%run_scoped3A : memref<!tpu.dma_semaphore, #tpu.memory_space<semaphore_mem>>)
      %dma_wait3A_97 = arith.constant 0 : i32
      %dma_wait3A_98 = tpu.memref_slice %arg5[%add3A_87, %dma_wait3A_97] : memref<20000x128xf32, #tpu.memory_space<hbm>> -> memref<624x128xf32, #tpu.memory_space<hbm>>
      %dma_wait3A_99 = arith.constant 0 : i32
      %dma_wait3A_100 = tpu.memref_slice %arg9[%mul3A_2, %dma_wait3A_99] : memref<10008x128xf32, #tpu.memory_space<vmem_shared>> -> memref<624x128xf32, #tpu.memory_space<vmem_shared>>
      tpu.wait_dma2 semaphore(%run_scoped3A : memref<!tpu.dma_semaphore, #tpu.memory_space<semaphore_mem>>) src(%dma_wait3A_100 : memref<624x128xf32, #tpu.memory_space<vmem_shared>>) dst(%dma_wait3A_98 : memref<624x128xf32, #tpu.memory_space<hbm>>)
      tpu.yield
    }) : () -> ()
    %eq3A_88 = arith.constant 15 : i32
    %eq3A_89 = arith.cmpi eq, %arg1, %eq3A_88 : i32
    %convert_element_type3A_90 = arith.extui %eq3A_89 : i1 to i32
    %cond3A_91 = arith.constant 0 : i32
    %cond3A_92 = arith.cmpi ne, %convert_element_type3A_90, %cond3A_91 : i32
    scf.if %cond3A_92 {
      %mul3A_93 = arith.constant 10000 : i32
      %mul3A_94 = arith.muli %arg0, %mul3A_93 : i32
      %add3A_95 = arith.constant 9984 : i32
      %add3A_96 = arith.addi %mul3A_94, %add3A_95 : i32
      "tpu.region"() ({
        %run_scoped3A = tpu.sem_alloc : memref<!tpu.dma_semaphore, #tpu.memory_space<semaphore_mem>>
        %dma_start3A_97 = arith.constant 0 : i32
        %dma_start3A_98 = tpu.memref_slice %arg5[%add3A_96, %dma_start3A_97] : memref<20000x128xf32, #tpu.memory_space<hbm>> -> memref<16x128xf32, #tpu.memory_space<hbm>>
        %dma_start3A_99 = arith.constant 9984 : i32
        %dma_start3A_100 = arith.constant 0 : i32
        %dma_start3A_101 = tpu.memref_slice %arg9[%dma_start3A_99, %dma_start3A_100] : memref<10008x128xf32, #tpu.memory_space<vmem_shared>> -> memref<16x128xf32, #tpu.memory_space<vmem_shared>>
        tpu.enqueue_dma source(%dma_start3A_101 : memref<16x128xf32, #tpu.memory_space<vmem_shared>>) target(%dma_start3A_98 : memref<16x128xf32, #tpu.memory_space<hbm>>) target_semaphore(%run_scoped3A : memref<!tpu.dma_semaphore, #tpu.memory_space<semaphore_mem>>)
        %dma_wait3A_102 = arith.constant 0 : i32
        %dma_wait3A_103 = tpu.memref_slice %arg5[%add3A_96, %dma_wait3A_102] : memref<20000x128xf32, #tpu.memory_space<hbm>> -> memref<16x128xf32, #tpu.memory_space<hbm>>
        %dma_wait3A_104 = arith.constant 9984 : i32
        %dma_wait3A_105 = arith.constant 0 : i32
        %dma_wait3A_106 = tpu.memref_slice %arg9[%dma_wait3A_104, %dma_wait3A_105] : memref<10008x128xf32, #tpu.memory_space<vmem_shared>> -> memref<16x128xf32, #tpu.memory_space<vmem_shared>>
        tpu.wait_dma2 semaphore(%run_scoped3A : memref<!tpu.dma_semaphore, #tpu.memory_space<semaphore_mem>>) src(%dma_wait3A_106 : memref<16x128xf32, #tpu.memory_space<vmem_shared>>) dst(%dma_wait3A_103 : memref<16x128xf32, #tpu.memory_space<hbm>>)
        tpu.yield
      }) : () -> ()
    } else {
    }
    return
  }
}

#map = affine_map<(d0, d1) -> (0, 0)>
module attributes {stable_mosaic.version = 14 : i64} {
  func.func @_agg_body(%arg0: i32, %arg1: i32, %arg2: memref<10000x128xf32, #tpu.memory_space<hbm>>, %arg3: memref<2560x128xi32, #tpu.memory_space<hbm>>, %arg4: memref<2560x128xi32, #tpu.memory_space<hbm>>, %arg5: memref<20000x128xf32, #tpu.memory_space<hbm>>, %arg6: memref<40x128xi32, #tpu.memory_space<vmem>>, %arg7: memref<40x128xi32, #tpu.memory_space<vmem>>, %arg8: memref<2x128x128xf32, #tpu.memory_space<vmem>>, %arg9: memref<10008x128xf32, #tpu.memory_space<vmem_shared>>, %arg10: memref<2x!tpu.dma_semaphore, #tpu.memory_space<semaphore_mem>>, %arg11: memref<2x!tpu.dma_semaphore, #tpu.memory_space<semaphore_mem>>) attributes {dimension_semantics = [#tpu.dimension_semantics<core_parallel>, #tpu.dimension_semantics<subcore_parallel>], iteration_bounds = array<i64: 2, 16>, scalar_prefetch = 0 : i64, scratch_operands = 6 : i64, tpu.core_type = #tpu.core_type<sc_vector_subcore>, window_params = [{transform_indices = #map}, {transform_indices = #map}, {transform_indices = #map}, {transform_indices = #map}]} {
    %mul3A = arith.constant 2 : i32
    %mul3A_0 = arith.muli %arg1, %mul3A : i32
    %add3A = arith.addi %mul3A_0, %arg0 : i32
    %mul3A_1 = arith.constant 624 : i32
    %mul3A_2 = arith.muli %arg1, %mul3A_1 : i32
    "tpu.region"() ({
      %run_scoped3A = tpu.sem_alloc : memref<!tpu.dma_semaphore, #tpu.memory_space<semaphore_mem>>
      %dma_start3A_93 = arith.constant 0 : i32
      %dma_start3A_94 = tpu.memref_slice %arg9[%mul3A_2, %dma_start3A_93] : memref<10008x128xf32, #tpu.memory_space<vmem_shared>> -> memref<624x128xf32, #tpu.memory_space<vmem_shared>>
      %dma_start3A_95 = arith.constant 0 : i32
      %dma_start3A_96 = tpu.memref_slice %arg2[%mul3A_2, %dma_start3A_95] : memref<10000x128xf32, #tpu.memory_space<hbm>> -> memref<624x128xf32, #tpu.memory_space<hbm>>
      tpu.enqueue_dma source(%dma_start3A_96 : memref<624x128xf32, #tpu.memory_space<hbm>>) target(%dma_start3A_94 : memref<624x128xf32, #tpu.memory_space<vmem_shared>>) target_semaphore(%run_scoped3A : memref<!tpu.dma_semaphore, #tpu.memory_space<semaphore_mem>>)
      %dma_wait3A_97 = arith.constant 0 : i32
      %dma_wait3A_98 = tpu.memref_slice %arg9[%mul3A_2, %dma_wait3A_97] : memref<10008x128xf32, #tpu.memory_space<vmem_shared>> -> memref<624x128xf32, #tpu.memory_space<vmem_shared>>
      %dma_wait3A_99 = arith.constant 0 : i32
      %dma_wait3A_100 = tpu.memref_slice %arg2[%mul3A_2, %dma_wait3A_99] : memref<10000x128xf32, #tpu.memory_space<hbm>> -> memref<624x128xf32, #tpu.memory_space<hbm>>
      tpu.wait_dma2 semaphore(%run_scoped3A : memref<!tpu.dma_semaphore, #tpu.memory_space<semaphore_mem>>) src(%dma_wait3A_100 : memref<624x128xf32, #tpu.memory_space<hbm>>) dst(%dma_wait3A_98 : memref<624x128xf32, #tpu.memory_space<vmem_shared>>)
      tpu.yield
    }) : () -> ()
    %eq3A = arith.constant 15 : i32
    %eq3A_3 = arith.cmpi eq, %arg1, %eq3A : i32
    %convert_element_type3A = arith.extui %eq3A_3 : i1 to i32
    %cond3A = arith.constant 0 : i32
    %cond3A_4 = arith.cmpi ne, %convert_element_type3A, %cond3A : i32
    scf.if %cond3A_4 {
      "tpu.region"() ({
        %run_scoped3A = tpu.sem_alloc : memref<!tpu.dma_semaphore, #tpu.memory_space<semaphore_mem>>
        %dma_start3A_93 = arith.constant 9984 : i32
        %dma_start3A_94 = arith.constant 0 : i32
        %dma_start3A_95 = tpu.memref_slice %arg9[%dma_start3A_93, %dma_start3A_94] : memref<10008x128xf32, #tpu.memory_space<vmem_shared>> -> memref<16x128xf32, #tpu.memory_space<vmem_shared>>
        %dma_start3A_96 = arith.constant 9984 : i32
        %dma_start3A_97 = arith.constant 0 : i32
        %dma_start3A_98 = tpu.memref_slice %arg2[%dma_start3A_96, %dma_start3A_97] : memref<10000x128xf32, #tpu.memory_space<hbm>> -> memref<16x128xf32, #tpu.memory_space<hbm>>
        tpu.enqueue_dma source(%dma_start3A_98 : memref<16x128xf32, #tpu.memory_space<hbm>>) target(%dma_start3A_95 : memref<16x128xf32, #tpu.memory_space<vmem_shared>>) target_semaphore(%run_scoped3A : memref<!tpu.dma_semaphore, #tpu.memory_space<semaphore_mem>>)
        %dma_wait3A_99 = arith.constant 9984 : i32
        %dma_wait3A_100 = arith.constant 0 : i32
        %dma_wait3A_101 = tpu.memref_slice %arg9[%dma_wait3A_99, %dma_wait3A_100] : memref<10008x128xf32, #tpu.memory_space<vmem_shared>> -> memref<16x128xf32, #tpu.memory_space<vmem_shared>>
        %dma_wait3A_102 = arith.constant 9984 : i32
        %dma_wait3A_103 = arith.constant 0 : i32
        %dma_wait3A_104 = tpu.memref_slice %arg2[%dma_wait3A_102, %dma_wait3A_103] : memref<10000x128xf32, #tpu.memory_space<hbm>> -> memref<16x128xf32, #tpu.memory_space<hbm>>
        tpu.wait_dma2 semaphore(%run_scoped3A : memref<!tpu.dma_semaphore, #tpu.memory_space<semaphore_mem>>) src(%dma_wait3A_104 : memref<16x128xf32, #tpu.memory_space<hbm>>) dst(%dma_wait3A_101 : memref<16x128xf32, #tpu.memory_space<vmem_shared>>)
        tpu.yield
      }) : () -> ()
    } else {
    }
    %barrier3A = arith.constant 0 : index
    tpu.barrier barrier_id(%barrier3A)
    %mul3A_5 = arith.constant 80 : i32
    %mul3A_6 = arith.muli %add3A, %mul3A_5 : i32
    %add3A_7 = arith.constant 0 : i32
    %add3A_8 = arith.addi %mul3A_6, %add3A_7 : i32
    "tpu.region"() ({
      %run_scoped3A = tpu.sem_alloc : memref<!tpu.dma_semaphore, #tpu.memory_space<semaphore_mem>>
      %dma_start3A_93 = arith.constant 0 : i32
      %dma_start3A_94 = tpu.memref_slice %arg3[%add3A_8, %dma_start3A_93] : memref<2560x128xi32, #tpu.memory_space<hbm>> -> memref<40x128xi32, #tpu.memory_space<hbm>>
      %dma_start3A_95 = arith.constant 0 : i32
      %dma_start3A_96 = tpu.memref_slice %arg3[%add3A_8, %dma_start3A_95] : memref<2560x128xi32, #tpu.memory_space<hbm>> -> memref<40x128xi32, #tpu.memory_space<hbm>>
      tpu.enqueue_dma source(%dma_start3A_96 : memref<40x128xi32, #tpu.memory_space<hbm>>) target(%arg6 : memref<40x128xi32, #tpu.memory_space<vmem>>) target_semaphore(%run_scoped3A : memref<!tpu.dma_semaphore, #tpu.memory_space<semaphore_mem>>)
      %dma_wait3A_97 = arith.constant 0 : i32
      %dma_wait3A_98 = tpu.memref_slice %arg3[%add3A_8, %dma_wait3A_97] : memref<2560x128xi32, #tpu.memory_space<hbm>> -> memref<40x128xi32, #tpu.memory_space<hbm>>
      %dma_wait3A_99 = arith.constant 0 : i32
      %dma_wait3A_100 = tpu.memref_slice %arg3[%add3A_8, %dma_wait3A_99] : memref<2560x128xi32, #tpu.memory_space<hbm>> -> memref<40x128xi32, #tpu.memory_space<hbm>>
      tpu.wait_dma2 semaphore(%run_scoped3A : memref<!tpu.dma_semaphore, #tpu.memory_space<semaphore_mem>>) src(%dma_wait3A_100 : memref<40x128xi32, #tpu.memory_space<hbm>>) dst(%arg6 : memref<40x128xi32, #tpu.memory_space<vmem>>)
      tpu.yield
    }) : () -> ()
    %add3A_9 = arith.constant 0 : i32
    %add3A_10 = arith.addi %mul3A_6, %add3A_9 : i32
    "tpu.region"() ({
      %run_scoped3A = tpu.sem_alloc : memref<!tpu.dma_semaphore, #tpu.memory_space<semaphore_mem>>
      %dma_start3A_93 = arith.constant 0 : i32
      %dma_start3A_94 = tpu.memref_slice %arg4[%add3A_10, %dma_start3A_93] : memref<2560x128xi32, #tpu.memory_space<hbm>> -> memref<40x128xi32, #tpu.memory_space<hbm>>
      %dma_start3A_95 = arith.constant 0 : i32
      %dma_start3A_96 = tpu.memref_slice %arg4[%add3A_10, %dma_start3A_95] : memref<2560x128xi32, #tpu.memory_space<hbm>> -> memref<40x128xi32, #tpu.memory_space<hbm>>
      tpu.enqueue_dma source(%dma_start3A_96 : memref<40x128xi32, #tpu.memory_space<hbm>>) target(%arg7 : memref<40x128xi32, #tpu.memory_space<vmem>>) target_semaphore(%run_scoped3A : memref<!tpu.dma_semaphore, #tpu.memory_space<semaphore_mem>>)
      %dma_wait3A_97 = arith.constant 0 : i32
      %dma_wait3A_98 = tpu.memref_slice %arg4[%add3A_10, %dma_wait3A_97] : memref<2560x128xi32, #tpu.memory_space<hbm>> -> memref<40x128xi32, #tpu.memory_space<hbm>>
      %dma_wait3A_99 = arith.constant 0 : i32
      %dma_wait3A_100 = tpu.memref_slice %arg4[%add3A_10, %dma_wait3A_99] : memref<2560x128xi32, #tpu.memory_space<hbm>> -> memref<40x128xi32, #tpu.memory_space<hbm>>
      tpu.wait_dma2 semaphore(%run_scoped3A : memref<!tpu.dma_semaphore, #tpu.memory_space<semaphore_mem>>) src(%dma_wait3A_100 : memref<40x128xi32, #tpu.memory_space<hbm>>) dst(%arg7 : memref<40x128xi32, #tpu.memory_space<vmem>>)
      tpu.yield
    }) : () -> ()
    %dma_start3A = arith.constant 0 : i32
    %dma_start3A_11 = arith.constant 0 : i32
    %dma_start3A_12 = arith.constant 0 : i32
    %dma_start3A_13 = arith.constant 0 : i32
    %dma_start3A_14 = arith.constant 0 : i32
    %dma_start3A_15 = tpu.memref_slice %arg8[%dma_start3A_11, %dma_start3A_13, %dma_start3A_14] : memref<2x128x128xf32, #tpu.memory_space<vmem>> -> memref<1x128x128xf32, #tpu.memory_space<vmem>>
    %dma_start3A_16 = tpu.memref_squeeze %dma_start3A_15 : memref<1x128x128xf32, #tpu.memory_space<vmem>> -> memref<128x128xf32, #tpu.memory_space<vmem>>
    %dma_start3A_17 = arith.constant 0 : i32
    %dma_start3A_18 = tpu.memref_slice %arg6[%dma_start3A, %dma_start3A_17] : memref<40x128xi32, #tpu.memory_space<vmem>> -> memref<1x128xi32, #tpu.memory_space<vmem>>
    %dma_start3A_19 = tpu.memref_squeeze %dma_start3A_18 : memref<1x128xi32, #tpu.memory_space<vmem>> -> memref<128xi32, #tpu.memory_space<vmem>>
    %dma_start3A_20 = arith.constant 0 : i32
    %dma_start3A_21 = arith.constant 0 : i32
    %dma_start3A_22 = tpu.memref_slice %arg2[%dma_start3A_20, %dma_start3A_21] : memref<10000x128xf32, #tpu.memory_space<hbm>> -> memref<10000x128xf32, #tpu.memory_space<hbm>>
    %dma_start3A_23 = tpu.memref_slice %arg10[%dma_start3A_12] : memref<2x!tpu.dma_semaphore, #tpu.memory_space<semaphore_mem>> -> memref<1x!tpu.dma_semaphore, #tpu.memory_space<semaphore_mem>>
    %dma_start3A_24 = tpu.memref_squeeze %dma_start3A_23 : memref<1x!tpu.dma_semaphore, #tpu.memory_space<semaphore_mem>> -> memref<!tpu.dma_semaphore, #tpu.memory_space<semaphore_mem>>
    tpu.enqueue_indirect_dma source(%dma_start3A_22 : memref<10000x128xf32, #tpu.memory_space<hbm>>) target(%dma_start3A_16 : memref<128x128xf32, #tpu.memory_space<vmem>>) offsets(%dma_start3A_19 : memref<128xi32, #tpu.memory_space<vmem>>) semaphore(%dma_start3A_24 : memref<!tpu.dma_semaphore, #tpu.memory_space<semaphore_mem>>)
    %scan3A = arith.constant 0 : i32
    %scan3A_25 = arith.constant 0 : i32
    %scan3A_26 = arith.constant 20 : i32
    %scan3A_27 = arith.addi %scan3A_25, %scan3A_26 : i32
    %scan3A_28 = arith.constant 1 : i32
    scf.for %scan3A_93 = %scan3A_25 to %scan3A_27 step %scan3A_28  : i32 {
      %dma_wait3A_94 = arith.constant 0 : i32
      %dma_wait3A_95 = arith.constant 0 : i32
      %dma_wait3A_96 = arith.constant 0 : i32
      %dma_wait3A_97 = arith.constant 0 : i32
      %dma_wait3A_98 = arith.constant 0 : i32
      %dma_wait3A_99 = tpu.memref_slice %arg8[%dma_wait3A_95, %dma_wait3A_97, %dma_wait3A_98] : memref<2x128x128xf32, #tpu.memory_space<vmem>> -> memref<1x128x128xf32, #tpu.memory_space<vmem>>
      %dma_wait3A_100 = tpu.memref_squeeze %dma_wait3A_99 : memref<1x128x128xf32, #tpu.memory_space<vmem>> -> memref<128x128xf32, #tpu.memory_space<vmem>>
      %dma_wait3A_101 = arith.constant 0 : i32
      %dma_wait3A_102 = tpu.memref_slice %arg6[%dma_wait3A_94, %dma_wait3A_101] : memref<40x128xi32, #tpu.memory_space<vmem>> -> memref<1x128xi32, #tpu.memory_space<vmem>>
      %dma_wait3A_103 = tpu.memref_squeeze %dma_wait3A_102 : memref<1x128xi32, #tpu.memory_space<vmem>> -> memref<128xi32, #tpu.memory_space<vmem>>
      %dma_wait3A_104 = arith.constant 0 : i32
      %dma_wait3A_105 = arith.constant 0 : i32
      %dma_wait3A_106 = tpu.memref_slice %arg2[%dma_wait3A_104, %dma_wait3A_105] : memref<10000x128xf32, #tpu.memory_space<hbm>> -> memref<10000x128xf32, #tpu.memory_space<hbm>>
      %dma_wait3A_107 = tpu.memref_slice %arg10[%dma_wait3A_96] : memref<2x!tpu.dma_semaphore, #tpu.memory_space<semaphore_mem>> -> memref<1x!tpu.dma_semaphore, #tpu.memory_space<semaphore_mem>>
      %dma_wait3A_108 = tpu.memref_squeeze %dma_wait3A_107 : memref<1x!tpu.dma_semaphore, #tpu.memory_space<semaphore_mem>> -> memref<!tpu.dma_semaphore, #tpu.memory_space<semaphore_mem>>
      tpu.wait_indirect_dma semaphore(%dma_wait3A_108 : memref<!tpu.dma_semaphore, #tpu.memory_space<semaphore_mem>>) src(%dma_wait3A_106 : memref<10000x128xf32, #tpu.memory_space<hbm>>) dst(%dma_wait3A_100 : memref<128x128xf32, #tpu.memory_space<vmem>>)
      %mul3A_109 = arith.constant 2 : i32
      %mul3A_110 = arith.muli %mul3A_109, %scan3A_93 : i32
      %dma_start3A_111 = arith.constant 0 : i32
      %dma_start3A_112 = arith.constant 0 : i32
      %dma_start3A_113 = arith.constant 0 : i32
      %dma_start3A_114 = arith.constant 0 : i32
      %dma_start3A_115 = tpu.memref_slice %arg8[%dma_start3A_111, %dma_start3A_113, %dma_start3A_114] : memref<2x128x128xf32, #tpu.memory_space<vmem>> -> memref<1x128x128xf32, #tpu.memory_space<vmem>>
      %dma_start3A_116 = tpu.memref_squeeze %dma_start3A_115 : memref<1x128x128xf32, #tpu.memory_space<vmem>> -> memref<128x128xf32, #tpu.memory_space<vmem>>
      %dma_start3A_117 = arith.constant 0 : i32
      %dma_start3A_118 = tpu.memref_slice %arg7[%mul3A_110, %dma_start3A_117] : memref<40x128xi32, #tpu.memory_space<vmem>> -> memref<1x128xi32, #tpu.memory_space<vmem>>
      %dma_start3A_119 = tpu.memref_squeeze %dma_start3A_118 : memref<1x128xi32, #tpu.memory_space<vmem>> -> memref<128xi32, #tpu.memory_space<vmem>>
      %dma_start3A_120 = arith.constant 0 : i32
      %dma_start3A_121 = arith.constant 0 : i32
      %dma_start3A_122 = tpu.memref_slice %arg9[%dma_start3A_120, %dma_start3A_121] : memref<10008x128xf32, #tpu.memory_space<vmem_shared>> -> memref<10008x128xf32, #tpu.memory_space<vmem_shared>>
      %dma_start3A_123 = tpu.memref_slice %arg11[%dma_start3A_112] : memref<2x!tpu.dma_semaphore, #tpu.memory_space<semaphore_mem>> -> memref<1x!tpu.dma_semaphore, #tpu.memory_space<semaphore_mem>>
      %dma_start3A_124 = tpu.memref_squeeze %dma_start3A_123 : memref<1x!tpu.dma_semaphore, #tpu.memory_space<semaphore_mem>> -> memref<!tpu.dma_semaphore, #tpu.memory_space<semaphore_mem>>
      tpu.enqueue_indirect_dma source(%dma_start3A_116 : memref<128x128xf32, #tpu.memory_space<vmem>>) target(%dma_start3A_122 : memref<10008x128xf32, #tpu.memory_space<vmem_shared>>) offsets(%dma_start3A_119 : memref<128xi32, #tpu.memory_space<vmem>>) semaphore(%dma_start3A_124 : memref<!tpu.dma_semaphore, #tpu.memory_space<semaphore_mem>>) {add = true}
      %gt3A = arith.constant 0 : i32
      %gt3A_125 = arith.cmpi sgt, %scan3A_93, %gt3A : i32
      %convert_element_type3A_126 = arith.extui %gt3A_125 : i1 to i32
      %cond3A_127 = arith.constant 0 : i32
      %cond3A_128 = arith.cmpi ne, %convert_element_type3A_126, %cond3A_127 : i32
      scf.if %cond3A_128 {
        %dma_wait3A_199 = arith.constant 1 : i32
        %dma_wait3A_200 = arith.constant 0 : i32
        %dma_wait3A_201 = arith.constant 1 : i32
        %dma_wait3A_202 = arith.constant 0 : i32
        %dma_wait3A_203 = arith.constant 0 : i32
        %dma_wait3A_204 = tpu.memref_slice %arg8[%dma_wait3A_199, %dma_wait3A_202, %dma_wait3A_203] : memref<2x128x128xf32, #tpu.memory_space<vmem>> -> memref<1x128x128xf32, #tpu.memory_space<vmem>>
        %dma_wait3A_205 = tpu.memref_squeeze %dma_wait3A_204 : memref<1x128x128xf32, #tpu.memory_space<vmem>> -> memref<128x128xf32, #tpu.memory_space<vmem>>
        %dma_wait3A_206 = arith.constant 0 : i32
        %dma_wait3A_207 = tpu.memref_slice %arg7[%dma_wait3A_200, %dma_wait3A_206] : memref<40x128xi32, #tpu.memory_space<vmem>> -> memref<1x128xi32, #tpu.memory_space<vmem>>
        %dma_wait3A_208 = tpu.memref_squeeze %dma_wait3A_207 : memref<1x128xi32, #tpu.memory_space<vmem>> -> memref<128xi32, #tpu.memory_space<vmem>>
        %dma_wait3A_209 = arith.constant 0 : i32
        %dma_wait3A_210 = arith.constant 0 : i32
        %dma_wait3A_211 = tpu.memref_slice %arg9[%dma_wait3A_209, %dma_wait3A_210] : memref<10008x128xf32, #tpu.memory_space<vmem_shared>> -> memref<10008x128xf32, #tpu.memory_space<vmem_shared>>
        %dma_wait3A_212 = tpu.memref_slice %arg11[%dma_wait3A_201] : memref<2x!tpu.dma_semaphore, #tpu.memory_space<semaphore_mem>> -> memref<1x!tpu.dma_semaphore, #tpu.memory_space<semaphore_mem>>
        %dma_wait3A_213 = tpu.memref_squeeze %dma_wait3A_212 : memref<1x!tpu.dma_semaphore, #tpu.memory_space<semaphore_mem>> -> memref<!tpu.dma_semaphore, #tpu.memory_space<semaphore_mem>>
        tpu.wait_indirect_dma semaphore(%dma_wait3A_213 : memref<!tpu.dma_semaphore, #tpu.memory_space<semaphore_mem>>) src(%dma_wait3A_205 : memref<128x128xf32, #tpu.memory_space<vmem>>) dst(%dma_wait3A_211 : memref<10008x128xf32, #tpu.memory_space<vmem_shared>>)
      } else {
      }
      %mul3A_129 = arith.constant 2 : i32
      %mul3A_130 = arith.muli %mul3A_129, %scan3A_93 : i32
      %add3A_131 = arith.constant 1 : i32
      %add3A_132 = arith.addi %mul3A_130, %add3A_131 : i32
      %dma_start3A_133 = arith.constant 1 : i32
      %dma_start3A_134 = arith.constant 1 : i32
      %dma_start3A_135 = arith.constant 0 : i32
      %dma_start3A_136 = arith.constant 0 : i32
      %dma_start3A_137 = tpu.memref_slice %arg8[%dma_start3A_133, %dma_start3A_135, %dma_start3A_136] : memref<2x128x128xf32, #tpu.memory_space<vmem>> -> memref<1x128x128xf32, #tpu.memory_space<vmem>>
      %dma_start3A_138 = tpu.memref_squeeze %dma_start3A_137 : memref<1x128x128xf32, #tpu.memory_space<vmem>> -> memref<128x128xf32, #tpu.memory_space<vmem>>
      %dma_start3A_139 = arith.constant 0 : i32
      %dma_start3A_140 = tpu.memref_slice %arg6[%add3A_132, %dma_start3A_139] : memref<40x128xi32, #tpu.memory_space<vmem>> -> memref<1x128xi32, #tpu.memory_space<vmem>>
      %dma_start3A_141 = tpu.memref_squeeze %dma_start3A_140 : memref<1x128xi32, #tpu.memory_space<vmem>> -> memref<128xi32, #tpu.memory_space<vmem>>
      %dma_start3A_142 = arith.constant 0 : i32
      %dma_start3A_143 = arith.constant 0 : i32
      %dma_start3A_144 = tpu.memref_slice %arg2[%dma_start3A_142, %dma_start3A_143] : memref<10000x128xf32, #tpu.memory_space<hbm>> -> memref<10000x128xf32, #tpu.memory_space<hbm>>
      %dma_start3A_145 = tpu.memref_slice %arg10[%dma_start3A_134] : memref<2x!tpu.dma_semaphore, #tpu.memory_space<semaphore_mem>> -> memref<1x!tpu.dma_semaphore, #tpu.memory_space<semaphore_mem>>
      %dma_start3A_146 = tpu.memref_squeeze %dma_start3A_145 : memref<1x!tpu.dma_semaphore, #tpu.memory_space<semaphore_mem>> -> memref<!tpu.dma_semaphore, #tpu.memory_space<semaphore_mem>>
      tpu.enqueue_indirect_dma source(%dma_start3A_144 : memref<10000x128xf32, #tpu.memory_space<hbm>>) target(%dma_start3A_138 : memref<128x128xf32, #tpu.memory_space<vmem>>) offsets(%dma_start3A_141 : memref<128xi32, #tpu.memory_space<vmem>>) semaphore(%dma_start3A_146 : memref<!tpu.dma_semaphore, #tpu.memory_space<semaphore_mem>>)
      %dma_wait3A_147 = arith.constant 0 : i32
      %dma_wait3A_148 = arith.constant 0 : i32
      %dma_wait3A_149 = arith.constant 0 : i32
      %dma_wait3A_150 = arith.constant 0 : i32
      %dma_wait3A_151 = arith.constant 0 : i32
      %dma_wait3A_152 = tpu.memref_slice %arg8[%dma_wait3A_147, %dma_wait3A_150, %dma_wait3A_151] : memref<2x128x128xf32, #tpu.memory_space<vmem>> -> memref<1x128x128xf32, #tpu.memory_space<vmem>>
      %dma_wait3A_153 = tpu.memref_squeeze %dma_wait3A_152 : memref<1x128x128xf32, #tpu.memory_space<vmem>> -> memref<128x128xf32, #tpu.memory_space<vmem>>
      %dma_wait3A_154 = arith.constant 0 : i32
      %dma_wait3A_155 = tpu.memref_slice %arg7[%dma_wait3A_148, %dma_wait3A_154] : memref<40x128xi32, #tpu.memory_space<vmem>> -> memref<1x128xi32, #tpu.memory_space<vmem>>
      %dma_wait3A_156 = tpu.memref_squeeze %dma_wait3A_155 : memref<1x128xi32, #tpu.memory_space<vmem>> -> memref<128xi32, #tpu.memory_space<vmem>>
      %dma_wait3A_157 = arith.constant 0 : i32
      %dma_wait3A_158 = arith.constant 0 : i32
      %dma_wait3A_159 = tpu.memref_slice %arg9[%dma_wait3A_157, %dma_wait3A_158] : memref<10008x128xf32, #tpu.memory_space<vmem_shared>> -> memref<10008x128xf32, #tpu.memory_space<vmem_shared>>
      %dma_wait3A_160 = tpu.memref_slice %arg11[%dma_wait3A_149] : memref<2x!tpu.dma_semaphore, #tpu.memory_space<semaphore_mem>> -> memref<1x!tpu.dma_semaphore, #tpu.memory_space<semaphore_mem>>
      %dma_wait3A_161 = tpu.memref_squeeze %dma_wait3A_160 : memref<1x!tpu.dma_semaphore, #tpu.memory_space<semaphore_mem>> -> memref<!tpu.dma_semaphore, #tpu.memory_space<semaphore_mem>>
      tpu.wait_indirect_dma semaphore(%dma_wait3A_161 : memref<!tpu.dma_semaphore, #tpu.memory_space<semaphore_mem>>) src(%dma_wait3A_153 : memref<128x128xf32, #tpu.memory_space<vmem>>) dst(%dma_wait3A_159 : memref<10008x128xf32, #tpu.memory_space<vmem_shared>>)
      %lt3A = arith.constant 19 : i32
      %lt3A_162 = arith.cmpi slt, %scan3A_93, %lt3A : i32
      %convert_element_type3A_163 = arith.extui %lt3A_162 : i1 to i32
      %cond3A_164 = arith.constant 0 : i32
      %cond3A_165 = arith.cmpi ne, %convert_element_type3A_163, %cond3A_164 : i32
      scf.if %cond3A_165 {
        %mul3A_199 = arith.constant 2 : i32
        %mul3A_200 = arith.muli %mul3A_199, %scan3A_93 : i32
        %add3A_201 = arith.constant 2 : i32
        %add3A_202 = arith.addi %mul3A_200, %add3A_201 : i32
        %dma_start3A_203 = arith.constant 0 : i32
        %dma_start3A_204 = arith.constant 0 : i32
        %dma_start3A_205 = arith.constant 0 : i32
        %dma_start3A_206 = arith.constant 0 : i32
        %dma_start3A_207 = tpu.memref_slice %arg8[%dma_start3A_203, %dma_start3A_205, %dma_start3A_206] : memref<2x128x128xf32, #tpu.memory_space<vmem>> -> memref<1x128x128xf32, #tpu.memory_space<vmem>>
        %dma_start3A_208 = tpu.memref_squeeze %dma_start3A_207 : memref<1x128x128xf32, #tpu.memory_space<vmem>> -> memref<128x128xf32, #tpu.memory_space<vmem>>
        %dma_start3A_209 = arith.constant 0 : i32
        %dma_start3A_210 = tpu.memref_slice %arg6[%add3A_202, %dma_start3A_209] : memref<40x128xi32, #tpu.memory_space<vmem>> -> memref<1x128xi32, #tpu.memory_space<vmem>>
        %dma_start3A_211 = tpu.memref_squeeze %dma_start3A_210 : memref<1x128xi32, #tpu.memory_space<vmem>> -> memref<128xi32, #tpu.memory_space<vmem>>
        %dma_start3A_212 = arith.constant 0 : i32
        %dma_start3A_213 = arith.constant 0 : i32
        %dma_start3A_214 = tpu.memref_slice %arg2[%dma_start3A_212, %dma_start3A_213] : memref<10000x128xf32, #tpu.memory_space<hbm>> -> memref<10000x128xf32, #tpu.memory_space<hbm>>
        %dma_start3A_215 = tpu.memref_slice %arg10[%dma_start3A_204] : memref<2x!tpu.dma_semaphore, #tpu.memory_space<semaphore_mem>> -> memref<1x!tpu.dma_semaphore, #tpu.memory_space<semaphore_mem>>
        %dma_start3A_216 = tpu.memref_squeeze %dma_start3A_215 : memref<1x!tpu.dma_semaphore, #tpu.memory_space<semaphore_mem>> -> memref<!tpu.dma_semaphore, #tpu.memory_space<semaphore_mem>>
        tpu.enqueue_indirect_dma source(%dma_start3A_214 : memref<10000x128xf32, #tpu.memory_space<hbm>>) target(%dma_start3A_208 : memref<128x128xf32, #tpu.memory_space<vmem>>) offsets(%dma_start3A_211 : memref<128xi32, #tpu.memory_space<vmem>>) semaphore(%dma_start3A_216 : memref<!tpu.dma_semaphore, #tpu.memory_space<semaphore_mem>>)
      } else {
      }
      %dma_wait3A_166 = arith.constant 0 : i32
      %dma_wait3A_167 = arith.constant 1 : i32
      %dma_wait3A_168 = arith.constant 1 : i32
      %dma_wait3A_169 = arith.constant 0 : i32
      %dma_wait3A_170 = arith.constant 0 : i32
      %dma_wait3A_171 = tpu.memref_slice %arg8[%dma_wait3A_167, %dma_wait3A_169, %dma_wait3A_170] : memref<2x128x128xf32, #tpu.memory_space<vmem>> -> memref<1x128x128xf32, #tpu.memory_space<vmem>>
      %dma_wait3A_172 = tpu.memref_squeeze %dma_wait3A_171 : memref<1x128x128xf32, #tpu.memory_space<vmem>> -> memref<128x128xf32, #tpu.memory_space<vmem>>
      %dma_wait3A_173 = arith.constant 0 : i32
      %dma_wait3A_174 = tpu.memref_slice %arg6[%dma_wait3A_166, %dma_wait3A_173] : memref<40x128xi32, #tpu.memory_space<vmem>> -> memref<1x128xi32, #tpu.memory_space<vmem>>
      %dma_wait3A_175 = tpu.memref_squeeze %dma_wait3A_174 : memref<1x128xi32, #tpu.memory_space<vmem>> -> memref<128xi32, #tpu.memory_space<vmem>>
      %dma_wait3A_176 = arith.constant 0 : i32
      %dma_wait3A_177 = arith.constant 0 : i32
      %dma_wait3A_178 = tpu.memref_slice %arg2[%dma_wait3A_176, %dma_wait3A_177] : memref<10000x128xf32, #tpu.memory_space<hbm>> -> memref<10000x128xf32, #tpu.memory_space<hbm>>
      %dma_wait3A_179 = tpu.memref_slice %arg10[%dma_wait3A_168] : memref<2x!tpu.dma_semaphore, #tpu.memory_space<semaphore_mem>> -> memref<1x!tpu.dma_semaphore, #tpu.memory_space<semaphore_mem>>
      %dma_wait3A_180 = tpu.memref_squeeze %dma_wait3A_179 : memref<1x!tpu.dma_semaphore, #tpu.memory_space<semaphore_mem>> -> memref<!tpu.dma_semaphore, #tpu.memory_space<semaphore_mem>>
      tpu.wait_indirect_dma semaphore(%dma_wait3A_180 : memref<!tpu.dma_semaphore, #tpu.memory_space<semaphore_mem>>) src(%dma_wait3A_178 : memref<10000x128xf32, #tpu.memory_space<hbm>>) dst(%dma_wait3A_172 : memref<128x128xf32, #tpu.memory_space<vmem>>)
      %mul3A_181 = arith.constant 2 : i32
      %mul3A_182 = arith.muli %mul3A_181, %scan3A_93 : i32
      %add3A_183 = arith.constant 1 : i32
      %add3A_184 = arith.addi %mul3A_182, %add3A_183 : i32
      %dma_start3A_185 = arith.constant 1 : i32
      %dma_start3A_186 = arith.constant 1 : i32
      %dma_start3A_187 = arith.constant 0 : i32
      %dma_start3A_188 = arith.constant 0 : i32
      %dma_start3A_189 = tpu.memref_slice %arg8[%dma_start3A_185, %dma_start3A_187, %dma_start3A_188] : memref<2x128x128xf32, #tpu.memory_space<vmem>> -> memref<1x128x128xf32, #tpu.memory_space<vmem>>
      %dma_start3A_190 = tpu.memref_squeeze %dma_start3A_189 : memref<1x128x128xf32, #tpu.memory_space<vmem>> -> memref<128x128xf32, #tpu.memory_space<vmem>>
      %dma_start3A_191 = arith.constant 0 : i32
      %dma_start3A_192 = tpu.memref_slice %arg7[%add3A_184, %dma_start3A_191] : memref<40x128xi32, #tpu.memory_space<vmem>> -> memref<1x128xi32, #tpu.memory_space<vmem>>
      %dma_start3A_193 = tpu.memref_squeeze %dma_start3A_192 : memref<1x128xi32, #tpu.memory_space<vmem>> -> memref<128xi32, #tpu.memory_space<vmem>>
      %dma_start3A_194 = arith.constant 0 : i32
      %dma_start3A_195 = arith.constant 0 : i32
      %dma_start3A_196 = tpu.memref_slice %arg9[%dma_start3A_194, %dma_start3A_195] : memref<10008x128xf32, #tpu.memory_space<vmem_shared>> -> memref<10008x128xf32, #tpu.memory_space<vmem_shared>>
      %dma_start3A_197 = tpu.memref_slice %arg11[%dma_start3A_186] : memref<2x!tpu.dma_semaphore, #tpu.memory_space<semaphore_mem>> -> memref<1x!tpu.dma_semaphore, #tpu.memory_space<semaphore_mem>>
      %dma_start3A_198 = tpu.memref_squeeze %dma_start3A_197 : memref<1x!tpu.dma_semaphore, #tpu.memory_space<semaphore_mem>> -> memref<!tpu.dma_semaphore, #tpu.memory_space<semaphore_mem>>
      tpu.enqueue_indirect_dma source(%dma_start3A_190 : memref<128x128xf32, #tpu.memory_space<vmem>>) target(%dma_start3A_196 : memref<10008x128xf32, #tpu.memory_space<vmem_shared>>) offsets(%dma_start3A_193 : memref<128xi32, #tpu.memory_space<vmem>>) semaphore(%dma_start3A_198 : memref<!tpu.dma_semaphore, #tpu.memory_space<semaphore_mem>>) {add = true}
    }
    %scan3A_29 = arith.constant 20 : i32
    %dma_wait3A = arith.constant 1 : i32
    %dma_wait3A_30 = arith.constant 0 : i32
    %dma_wait3A_31 = arith.constant 1 : i32
    %dma_wait3A_32 = arith.constant 0 : i32
    %dma_wait3A_33 = arith.constant 0 : i32
    %dma_wait3A_34 = tpu.memref_slice %arg8[%dma_wait3A, %dma_wait3A_32, %dma_wait3A_33] : memref<2x128x128xf32, #tpu.memory_space<vmem>> -> memref<1x128x128xf32, #tpu.memory_space<vmem>>
    %dma_wait3A_35 = tpu.memref_squeeze %dma_wait3A_34 : memref<1x128x128xf32, #tpu.memory_space<vmem>> -> memref<128x128xf32, #tpu.memory_space<vmem>>
    %dma_wait3A_36 = arith.constant 0 : i32
    %dma_wait3A_37 = tpu.memref_slice %arg7[%dma_wait3A_30, %dma_wait3A_36] : memref<40x128xi32, #tpu.memory_space<vmem>> -> memref<1x128xi32, #tpu.memory_space<vmem>>
    %dma_wait3A_38 = tpu.memref_squeeze %dma_wait3A_37 : memref<1x128xi32, #tpu.memory_space<vmem>> -> memref<128xi32, #tpu.memory_space<vmem>>
    %dma_wait3A_39 = arith.constant 0 : i32
    %dma_wait3A_40 = arith.constant 0 : i32
    %dma_wait3A_41 = tpu.memref_slice %arg9[%dma_wait3A_39, %dma_wait3A_40] : memref<10008x128xf32, #tpu.memory_space<vmem_shared>> -> memref<10008x128xf32, #tpu.memory_space<vmem_shared>>
    %dma_wait3A_42 = tpu.memref_slice %arg11[%dma_wait3A_31] : memref<2x!tpu.dma_semaphore, #tpu.memory_space<semaphore_mem>> -> memref<1x!tpu.dma_semaphore, #tpu.memory_space<semaphore_mem>>
    %dma_wait3A_43 = tpu.memref_squeeze %dma_wait3A_42 : memref<1x!tpu.dma_semaphore, #tpu.memory_space<semaphore_mem>> -> memref<!tpu.dma_semaphore, #tpu.memory_space<semaphore_mem>>
    tpu.wait_indirect_dma semaphore(%dma_wait3A_43 : memref<!tpu.dma_semaphore, #tpu.memory_space<semaphore_mem>>) src(%dma_wait3A_35 : memref<128x128xf32, #tpu.memory_space<vmem>>) dst(%dma_wait3A_41 : memref<10008x128xf32, #tpu.memory_space<vmem_shared>>)
    %add3A_44 = arith.constant 40 : i32
    %add3A_45 = arith.addi %mul3A_6, %add3A_44 : i32
    "tpu.region"() ({
      %run_scoped3A = tpu.sem_alloc : memref<!tpu.dma_semaphore, #tpu.memory_space<semaphore_mem>>
      %dma_start3A_93 = arith.constant 0 : i32
      %dma_start3A_94 = tpu.memref_slice %arg3[%add3A_45, %dma_start3A_93] : memref<2560x128xi32, #tpu.memory_space<hbm>> -> memref<40x128xi32, #tpu.memory_space<hbm>>
      %dma_start3A_95 = arith.constant 0 : i32
      %dma_start3A_96 = tpu.memref_slice %arg3[%add3A_45, %dma_start3A_95] : memref<2560x128xi32, #tpu.memory_space<hbm>> -> memref<40x128xi32, #tpu.memory_space<hbm>>
      tpu.enqueue_dma source(%dma_start3A_96 : memref<40x128xi32, #tpu.memory_space<hbm>>) target(%arg6 : memref<40x128xi32, #tpu.memory_space<vmem>>) target_semaphore(%run_scoped3A : memref<!tpu.dma_semaphore, #tpu.memory_space<semaphore_mem>>)
      %dma_wait3A_97 = arith.constant 0 : i32
      %dma_wait3A_98 = tpu.memref_slice %arg3[%add3A_45, %dma_wait3A_97] : memref<2560x128xi32, #tpu.memory_space<hbm>> -> memref<40x128xi32, #tpu.memory_space<hbm>>
      %dma_wait3A_99 = arith.constant 0 : i32
      %dma_wait3A_100 = tpu.memref_slice %arg3[%add3A_45, %dma_wait3A_99] : memref<2560x128xi32, #tpu.memory_space<hbm>> -> memref<40x128xi32, #tpu.memory_space<hbm>>
      tpu.wait_dma2 semaphore(%run_scoped3A : memref<!tpu.dma_semaphore, #tpu.memory_space<semaphore_mem>>) src(%dma_wait3A_100 : memref<40x128xi32, #tpu.memory_space<hbm>>) dst(%arg6 : memref<40x128xi32, #tpu.memory_space<vmem>>)
      tpu.yield
    }) : () -> ()
    %add3A_46 = arith.constant 40 : i32
    %add3A_47 = arith.addi %mul3A_6, %add3A_46 : i32
    "tpu.region"() ({
      %run_scoped3A = tpu.sem_alloc : memref<!tpu.dma_semaphore, #tpu.memory_space<semaphore_mem>>
      %dma_start3A_93 = arith.constant 0 : i32
      %dma_start3A_94 = tpu.memref_slice %arg4[%add3A_47, %dma_start3A_93] : memref<2560x128xi32, #tpu.memory_space<hbm>> -> memref<40x128xi32, #tpu.memory_space<hbm>>
      %dma_start3A_95 = arith.constant 0 : i32
      %dma_start3A_96 = tpu.memref_slice %arg4[%add3A_47, %dma_start3A_95] : memref<2560x128xi32, #tpu.memory_space<hbm>> -> memref<40x128xi32, #tpu.memory_space<hbm>>
      tpu.enqueue_dma source(%dma_start3A_96 : memref<40x128xi32, #tpu.memory_space<hbm>>) target(%arg7 : memref<40x128xi32, #tpu.memory_space<vmem>>) target_semaphore(%run_scoped3A : memref<!tpu.dma_semaphore, #tpu.memory_space<semaphore_mem>>)
      %dma_wait3A_97 = arith.constant 0 : i32
      %dma_wait3A_98 = tpu.memref_slice %arg4[%add3A_47, %dma_wait3A_97] : memref<2560x128xi32, #tpu.memory_space<hbm>> -> memref<40x128xi32, #tpu.memory_space<hbm>>
      %dma_wait3A_99 = arith.constant 0 : i32
      %dma_wait3A_100 = tpu.memref_slice %arg4[%add3A_47, %dma_wait3A_99] : memref<2560x128xi32, #tpu.memory_space<hbm>> -> memref<40x128xi32, #tpu.memory_space<hbm>>
      tpu.wait_dma2 semaphore(%run_scoped3A : memref<!tpu.dma_semaphore, #tpu.memory_space<semaphore_mem>>) src(%dma_wait3A_100 : memref<40x128xi32, #tpu.memory_space<hbm>>) dst(%arg7 : memref<40x128xi32, #tpu.memory_space<vmem>>)
      tpu.yield
    }) : () -> ()
    %dma_start3A_48 = arith.constant 0 : i32
    %dma_start3A_49 = arith.constant 0 : i32
    %dma_start3A_50 = arith.constant 0 : i32
    %dma_start3A_51 = arith.constant 0 : i32
    %dma_start3A_52 = arith.constant 0 : i32
    %dma_start3A_53 = tpu.memref_slice %arg8[%dma_start3A_49, %dma_start3A_51, %dma_start3A_52] : memref<2x128x128xf32, #tpu.memory_space<vmem>> -> memref<1x128x128xf32, #tpu.memory_space<vmem>>
    %dma_start3A_54 = tpu.memref_squeeze %dma_start3A_53 : memref<1x128x128xf32, #tpu.memory_space<vmem>> -> memref<128x128xf32, #tpu.memory_space<vmem>>
    %dma_start3A_55 = arith.constant 0 : i32
    %dma_start3A_56 = tpu.memref_slice %arg6[%dma_start3A_48, %dma_start3A_55] : memref<40x128xi32, #tpu.memory_space<vmem>> -> memref<1x128xi32, #tpu.memory_space<vmem>>
    %dma_start3A_57 = tpu.memref_squeeze %dma_start3A_56 : memref<1x128xi32, #tpu.memory_space<vmem>> -> memref<128xi32, #tpu.memory_space<vmem>>
    %dma_start3A_58 = arith.constant 0 : i32
    %dma_start3A_59 = arith.constant 0 : i32
    %dma_start3A_60 = tpu.memref_slice %arg2[%dma_start3A_58, %dma_start3A_59] : memref<10000x128xf32, #tpu.memory_space<hbm>> -> memref<10000x128xf32, #tpu.memory_space<hbm>>
    %dma_start3A_61 = tpu.memref_slice %arg10[%dma_start3A_50] : memref<2x!tpu.dma_semaphore, #tpu.memory_space<semaphore_mem>> -> memref<1x!tpu.dma_semaphore, #tpu.memory_space<semaphore_mem>>
    %dma_start3A_62 = tpu.memref_squeeze %dma_start3A_61 : memref<1x!tpu.dma_semaphore, #tpu.memory_space<semaphore_mem>> -> memref<!tpu.dma_semaphore, #tpu.memory_space<semaphore_mem>>
    tpu.enqueue_indirect_dma source(%dma_start3A_60 : memref<10000x128xf32, #tpu.memory_space<hbm>>) target(%dma_start3A_54 : memref<128x128xf32, #tpu.memory_space<vmem>>) offsets(%dma_start3A_57 : memref<128xi32, #tpu.memory_space<vmem>>) semaphore(%dma_start3A_62 : memref<!tpu.dma_semaphore, #tpu.memory_space<semaphore_mem>>)
    %scan3A_63 = arith.constant 0 : i32
    %scan3A_64 = arith.constant 0 : i32
    %scan3A_65 = arith.constant 20 : i32
    %scan3A_66 = arith.addi %scan3A_64, %scan3A_65 : i32
    %scan3A_67 = arith.constant 1 : i32
    scf.for %scan3A_93 = %scan3A_64 to %scan3A_66 step %scan3A_67  : i32 {
      %dma_wait3A_94 = arith.constant 0 : i32
      %dma_wait3A_95 = arith.constant 0 : i32
      %dma_wait3A_96 = arith.constant 0 : i32
      %dma_wait3A_97 = arith.constant 0 : i32
      %dma_wait3A_98 = arith.constant 0 : i32
      %dma_wait3A_99 = tpu.memref_slice %arg8[%dma_wait3A_95, %dma_wait3A_97, %dma_wait3A_98] : memref<2x128x128xf32, #tpu.memory_space<vmem>> -> memref<1x128x128xf32, #tpu.memory_space<vmem>>
      %dma_wait3A_100 = tpu.memref_squeeze %dma_wait3A_99 : memref<1x128x128xf32, #tpu.memory_space<vmem>> -> memref<128x128xf32, #tpu.memory_space<vmem>>
      %dma_wait3A_101 = arith.constant 0 : i32
      %dma_wait3A_102 = tpu.memref_slice %arg6[%dma_wait3A_94, %dma_wait3A_101] : memref<40x128xi32, #tpu.memory_space<vmem>> -> memref<1x128xi32, #tpu.memory_space<vmem>>
      %dma_wait3A_103 = tpu.memref_squeeze %dma_wait3A_102 : memref<1x128xi32, #tpu.memory_space<vmem>> -> memref<128xi32, #tpu.memory_space<vmem>>
      %dma_wait3A_104 = arith.constant 0 : i32
      %dma_wait3A_105 = arith.constant 0 : i32
      %dma_wait3A_106 = tpu.memref_slice %arg2[%dma_wait3A_104, %dma_wait3A_105] : memref<10000x128xf32, #tpu.memory_space<hbm>> -> memref<10000x128xf32, #tpu.memory_space<hbm>>
      %dma_wait3A_107 = tpu.memref_slice %arg10[%dma_wait3A_96] : memref<2x!tpu.dma_semaphore, #tpu.memory_space<semaphore_mem>> -> memref<1x!tpu.dma_semaphore, #tpu.memory_space<semaphore_mem>>
      %dma_wait3A_108 = tpu.memref_squeeze %dma_wait3A_107 : memref<1x!tpu.dma_semaphore, #tpu.memory_space<semaphore_mem>> -> memref<!tpu.dma_semaphore, #tpu.memory_space<semaphore_mem>>
      tpu.wait_indirect_dma semaphore(%dma_wait3A_108 : memref<!tpu.dma_semaphore, #tpu.memory_space<semaphore_mem>>) src(%dma_wait3A_106 : memref<10000x128xf32, #tpu.memory_space<hbm>>) dst(%dma_wait3A_100 : memref<128x128xf32, #tpu.memory_space<vmem>>)
      %mul3A_109 = arith.constant 2 : i32
      %mul3A_110 = arith.muli %mul3A_109, %scan3A_93 : i32
      %dma_start3A_111 = arith.constant 0 : i32
      %dma_start3A_112 = arith.constant 0 : i32
      %dma_start3A_113 = arith.constant 0 : i32
      %dma_start3A_114 = arith.constant 0 : i32
      %dma_start3A_115 = tpu.memref_slice %arg8[%dma_start3A_111, %dma_start3A_113, %dma_start3A_114] : memref<2x128x128xf32, #tpu.memory_space<vmem>> -> memref<1x128x128xf32, #tpu.memory_space<vmem>>
      %dma_start3A_116 = tpu.memref_squeeze %dma_start3A_115 : memref<1x128x128xf32, #tpu.memory_space<vmem>> -> memref<128x128xf32, #tpu.memory_space<vmem>>
      %dma_start3A_117 = arith.constant 0 : i32
      %dma_start3A_118 = tpu.memref_slice %arg7[%mul3A_110, %dma_start3A_117] : memref<40x128xi32, #tpu.memory_space<vmem>> -> memref<1x128xi32, #tpu.memory_space<vmem>>
      %dma_start3A_119 = tpu.memref_squeeze %dma_start3A_118 : memref<1x128xi32, #tpu.memory_space<vmem>> -> memref<128xi32, #tpu.memory_space<vmem>>
      %dma_start3A_120 = arith.constant 0 : i32
      %dma_start3A_121 = arith.constant 0 : i32
      %dma_start3A_122 = tpu.memref_slice %arg9[%dma_start3A_120, %dma_start3A_121] : memref<10008x128xf32, #tpu.memory_space<vmem_shared>> -> memref<10008x128xf32, #tpu.memory_space<vmem_shared>>
      %dma_start3A_123 = tpu.memref_slice %arg11[%dma_start3A_112] : memref<2x!tpu.dma_semaphore, #tpu.memory_space<semaphore_mem>> -> memref<1x!tpu.dma_semaphore, #tpu.memory_space<semaphore_mem>>
      %dma_start3A_124 = tpu.memref_squeeze %dma_start3A_123 : memref<1x!tpu.dma_semaphore, #tpu.memory_space<semaphore_mem>> -> memref<!tpu.dma_semaphore, #tpu.memory_space<semaphore_mem>>
      tpu.enqueue_indirect_dma source(%dma_start3A_116 : memref<128x128xf32, #tpu.memory_space<vmem>>) target(%dma_start3A_122 : memref<10008x128xf32, #tpu.memory_space<vmem_shared>>) offsets(%dma_start3A_119 : memref<128xi32, #tpu.memory_space<vmem>>) semaphore(%dma_start3A_124 : memref<!tpu.dma_semaphore, #tpu.memory_space<semaphore_mem>>) {add = true}
      %gt3A = arith.constant 0 : i32
      %gt3A_125 = arith.cmpi sgt, %scan3A_93, %gt3A : i32
      %convert_element_type3A_126 = arith.extui %gt3A_125 : i1 to i32
      %cond3A_127 = arith.constant 0 : i32
      %cond3A_128 = arith.cmpi ne, %convert_element_type3A_126, %cond3A_127 : i32
      scf.if %cond3A_128 {
        %dma_wait3A_199 = arith.constant 1 : i32
        %dma_wait3A_200 = arith.constant 0 : i32
        %dma_wait3A_201 = arith.constant 1 : i32
        %dma_wait3A_202 = arith.constant 0 : i32
        %dma_wait3A_203 = arith.constant 0 : i32
        %dma_wait3A_204 = tpu.memref_slice %arg8[%dma_wait3A_199, %dma_wait3A_202, %dma_wait3A_203] : memref<2x128x128xf32, #tpu.memory_space<vmem>> -> memref<1x128x128xf32, #tpu.memory_space<vmem>>
        %dma_wait3A_205 = tpu.memref_squeeze %dma_wait3A_204 : memref<1x128x128xf32, #tpu.memory_space<vmem>> -> memref<128x128xf32, #tpu.memory_space<vmem>>
        %dma_wait3A_206 = arith.constant 0 : i32
        %dma_wait3A_207 = tpu.memref_slice %arg7[%dma_wait3A_200, %dma_wait3A_206] : memref<40x128xi32, #tpu.memory_space<vmem>> -> memref<1x128xi32, #tpu.memory_space<vmem>>
        %dma_wait3A_208 = tpu.memref_squeeze %dma_wait3A_207 : memref<1x128xi32, #tpu.memory_space<vmem>> -> memref<128xi32, #tpu.memory_space<vmem>>
        %dma_wait3A_209 = arith.constant 0 : i32
        %dma_wait3A_210 = arith.constant 0 : i32
        %dma_wait3A_211 = tpu.memref_slice %arg9[%dma_wait3A_209, %dma_wait3A_210] : memref<10008x128xf32, #tpu.memory_space<vmem_shared>> -> memref<10008x128xf32, #tpu.memory_space<vmem_shared>>
        %dma_wait3A_212 = tpu.memref_slice %arg11[%dma_wait3A_201] : memref<2x!tpu.dma_semaphore, #tpu.memory_space<semaphore_mem>> -> memref<1x!tpu.dma_semaphore, #tpu.memory_space<semaphore_mem>>
        %dma_wait3A_213 = tpu.memref_squeeze %dma_wait3A_212 : memref<1x!tpu.dma_semaphore, #tpu.memory_space<semaphore_mem>> -> memref<!tpu.dma_semaphore, #tpu.memory_space<semaphore_mem>>
        tpu.wait_indirect_dma semaphore(%dma_wait3A_213 : memref<!tpu.dma_semaphore, #tpu.memory_space<semaphore_mem>>) src(%dma_wait3A_205 : memref<128x128xf32, #tpu.memory_space<vmem>>) dst(%dma_wait3A_211 : memref<10008x128xf32, #tpu.memory_space<vmem_shared>>)
      } else {
      }
      %mul3A_129 = arith.constant 2 : i32
      %mul3A_130 = arith.muli %mul3A_129, %scan3A_93 : i32
      %add3A_131 = arith.constant 1 : i32
      %add3A_132 = arith.addi %mul3A_130, %add3A_131 : i32
      %dma_start3A_133 = arith.constant 1 : i32
      %dma_start3A_134 = arith.constant 1 : i32
      %dma_start3A_135 = arith.constant 0 : i32
      %dma_start3A_136 = arith.constant 0 : i32
      %dma_start3A_137 = tpu.memref_slice %arg8[%dma_start3A_133, %dma_start3A_135, %dma_start3A_136] : memref<2x128x128xf32, #tpu.memory_space<vmem>> -> memref<1x128x128xf32, #tpu.memory_space<vmem>>
      %dma_start3A_138 = tpu.memref_squeeze %dma_start3A_137 : memref<1x128x128xf32, #tpu.memory_space<vmem>> -> memref<128x128xf32, #tpu.memory_space<vmem>>
      %dma_start3A_139 = arith.constant 0 : i32
      %dma_start3A_140 = tpu.memref_slice %arg6[%add3A_132, %dma_start3A_139] : memref<40x128xi32, #tpu.memory_space<vmem>> -> memref<1x128xi32, #tpu.memory_space<vmem>>
      %dma_start3A_141 = tpu.memref_squeeze %dma_start3A_140 : memref<1x128xi32, #tpu.memory_space<vmem>> -> memref<128xi32, #tpu.memory_space<vmem>>
      %dma_start3A_142 = arith.constant 0 : i32
      %dma_start3A_143 = arith.constant 0 : i32
      %dma_start3A_144 = tpu.memref_slice %arg2[%dma_start3A_142, %dma_start3A_143] : memref<10000x128xf32, #tpu.memory_space<hbm>> -> memref<10000x128xf32, #tpu.memory_space<hbm>>
      %dma_start3A_145 = tpu.memref_slice %arg10[%dma_start3A_134] : memref<2x!tpu.dma_semaphore, #tpu.memory_space<semaphore_mem>> -> memref<1x!tpu.dma_semaphore, #tpu.memory_space<semaphore_mem>>
      %dma_start3A_146 = tpu.memref_squeeze %dma_start3A_145 : memref<1x!tpu.dma_semaphore, #tpu.memory_space<semaphore_mem>> -> memref<!tpu.dma_semaphore, #tpu.memory_space<semaphore_mem>>
      tpu.enqueue_indirect_dma source(%dma_start3A_144 : memref<10000x128xf32, #tpu.memory_space<hbm>>) target(%dma_start3A_138 : memref<128x128xf32, #tpu.memory_space<vmem>>) offsets(%dma_start3A_141 : memref<128xi32, #tpu.memory_space<vmem>>) semaphore(%dma_start3A_146 : memref<!tpu.dma_semaphore, #tpu.memory_space<semaphore_mem>>)
      %dma_wait3A_147 = arith.constant 0 : i32
      %dma_wait3A_148 = arith.constant 0 : i32
      %dma_wait3A_149 = arith.constant 0 : i32
      %dma_wait3A_150 = arith.constant 0 : i32
      %dma_wait3A_151 = arith.constant 0 : i32
      %dma_wait3A_152 = tpu.memref_slice %arg8[%dma_wait3A_147, %dma_wait3A_150, %dma_wait3A_151] : memref<2x128x128xf32, #tpu.memory_space<vmem>> -> memref<1x128x128xf32, #tpu.memory_space<vmem>>
      %dma_wait3A_153 = tpu.memref_squeeze %dma_wait3A_152 : memref<1x128x128xf32, #tpu.memory_space<vmem>> -> memref<128x128xf32, #tpu.memory_space<vmem>>
      %dma_wait3A_154 = arith.constant 0 : i32
      %dma_wait3A_155 = tpu.memref_slice %arg7[%dma_wait3A_148, %dma_wait3A_154] : memref<40x128xi32, #tpu.memory_space<vmem>> -> memref<1x128xi32, #tpu.memory_space<vmem>>
      %dma_wait3A_156 = tpu.memref_squeeze %dma_wait3A_155 : memref<1x128xi32, #tpu.memory_space<vmem>> -> memref<128xi32, #tpu.memory_space<vmem>>
      %dma_wait3A_157 = arith.constant 0 : i32
      %dma_wait3A_158 = arith.constant 0 : i32
      %dma_wait3A_159 = tpu.memref_slice %arg9[%dma_wait3A_157, %dma_wait3A_158] : memref<10008x128xf32, #tpu.memory_space<vmem_shared>> -> memref<10008x128xf32, #tpu.memory_space<vmem_shared>>
      %dma_wait3A_160 = tpu.memref_slice %arg11[%dma_wait3A_149] : memref<2x!tpu.dma_semaphore, #tpu.memory_space<semaphore_mem>> -> memref<1x!tpu.dma_semaphore, #tpu.memory_space<semaphore_mem>>
      %dma_wait3A_161 = tpu.memref_squeeze %dma_wait3A_160 : memref<1x!tpu.dma_semaphore, #tpu.memory_space<semaphore_mem>> -> memref<!tpu.dma_semaphore, #tpu.memory_space<semaphore_mem>>
      tpu.wait_indirect_dma semaphore(%dma_wait3A_161 : memref<!tpu.dma_semaphore, #tpu.memory_space<semaphore_mem>>) src(%dma_wait3A_153 : memref<128x128xf32, #tpu.memory_space<vmem>>) dst(%dma_wait3A_159 : memref<10008x128xf32, #tpu.memory_space<vmem_shared>>)
      %lt3A = arith.constant 19 : i32
      %lt3A_162 = arith.cmpi slt, %scan3A_93, %lt3A : i32
      %convert_element_type3A_163 = arith.extui %lt3A_162 : i1 to i32
      %cond3A_164 = arith.constant 0 : i32
      %cond3A_165 = arith.cmpi ne, %convert_element_type3A_163, %cond3A_164 : i32
      scf.if %cond3A_165 {
        %mul3A_199 = arith.constant 2 : i32
        %mul3A_200 = arith.muli %mul3A_199, %scan3A_93 : i32
        %add3A_201 = arith.constant 2 : i32
        %add3A_202 = arith.addi %mul3A_200, %add3A_201 : i32
        %dma_start3A_203 = arith.constant 0 : i32
        %dma_start3A_204 = arith.constant 0 : i32
        %dma_start3A_205 = arith.constant 0 : i32
        %dma_start3A_206 = arith.constant 0 : i32
        %dma_start3A_207 = tpu.memref_slice %arg8[%dma_start3A_203, %dma_start3A_205, %dma_start3A_206] : memref<2x128x128xf32, #tpu.memory_space<vmem>> -> memref<1x128x128xf32, #tpu.memory_space<vmem>>
        %dma_start3A_208 = tpu.memref_squeeze %dma_start3A_207 : memref<1x128x128xf32, #tpu.memory_space<vmem>> -> memref<128x128xf32, #tpu.memory_space<vmem>>
        %dma_start3A_209 = arith.constant 0 : i32
        %dma_start3A_210 = tpu.memref_slice %arg6[%add3A_202, %dma_start3A_209] : memref<40x128xi32, #tpu.memory_space<vmem>> -> memref<1x128xi32, #tpu.memory_space<vmem>>
        %dma_start3A_211 = tpu.memref_squeeze %dma_start3A_210 : memref<1x128xi32, #tpu.memory_space<vmem>> -> memref<128xi32, #tpu.memory_space<vmem>>
        %dma_start3A_212 = arith.constant 0 : i32
        %dma_start3A_213 = arith.constant 0 : i32
        %dma_start3A_214 = tpu.memref_slice %arg2[%dma_start3A_212, %dma_start3A_213] : memref<10000x128xf32, #tpu.memory_space<hbm>> -> memref<10000x128xf32, #tpu.memory_space<hbm>>
        %dma_start3A_215 = tpu.memref_slice %arg10[%dma_start3A_204] : memref<2x!tpu.dma_semaphore, #tpu.memory_space<semaphore_mem>> -> memref<1x!tpu.dma_semaphore, #tpu.memory_space<semaphore_mem>>
        %dma_start3A_216 = tpu.memref_squeeze %dma_start3A_215 : memref<1x!tpu.dma_semaphore, #tpu.memory_space<semaphore_mem>> -> memref<!tpu.dma_semaphore, #tpu.memory_space<semaphore_mem>>
        tpu.enqueue_indirect_dma source(%dma_start3A_214 : memref<10000x128xf32, #tpu.memory_space<hbm>>) target(%dma_start3A_208 : memref<128x128xf32, #tpu.memory_space<vmem>>) offsets(%dma_start3A_211 : memref<128xi32, #tpu.memory_space<vmem>>) semaphore(%dma_start3A_216 : memref<!tpu.dma_semaphore, #tpu.memory_space<semaphore_mem>>)
      } else {
      }
      %dma_wait3A_166 = arith.constant 0 : i32
      %dma_wait3A_167 = arith.constant 1 : i32
      %dma_wait3A_168 = arith.constant 1 : i32
      %dma_wait3A_169 = arith.constant 0 : i32
      %dma_wait3A_170 = arith.constant 0 : i32
      %dma_wait3A_171 = tpu.memref_slice %arg8[%dma_wait3A_167, %dma_wait3A_169, %dma_wait3A_170] : memref<2x128x128xf32, #tpu.memory_space<vmem>> -> memref<1x128x128xf32, #tpu.memory_space<vmem>>
      %dma_wait3A_172 = tpu.memref_squeeze %dma_wait3A_171 : memref<1x128x128xf32, #tpu.memory_space<vmem>> -> memref<128x128xf32, #tpu.memory_space<vmem>>
      %dma_wait3A_173 = arith.constant 0 : i32
      %dma_wait3A_174 = tpu.memref_slice %arg6[%dma_wait3A_166, %dma_wait3A_173] : memref<40x128xi32, #tpu.memory_space<vmem>> -> memref<1x128xi32, #tpu.memory_space<vmem>>
      %dma_wait3A_175 = tpu.memref_squeeze %dma_wait3A_174 : memref<1x128xi32, #tpu.memory_space<vmem>> -> memref<128xi32, #tpu.memory_space<vmem>>
      %dma_wait3A_176 = arith.constant 0 : i32
      %dma_wait3A_177 = arith.constant 0 : i32
      %dma_wait3A_178 = tpu.memref_slice %arg2[%dma_wait3A_176, %dma_wait3A_177] : memref<10000x128xf32, #tpu.memory_space<hbm>> -> memref<10000x128xf32, #tpu.memory_space<hbm>>
      %dma_wait3A_179 = tpu.memref_slice %arg10[%dma_wait3A_168] : memref<2x!tpu.dma_semaphore, #tpu.memory_space<semaphore_mem>> -> memref<1x!tpu.dma_semaphore, #tpu.memory_space<semaphore_mem>>
      %dma_wait3A_180 = tpu.memref_squeeze %dma_wait3A_179 : memref<1x!tpu.dma_semaphore, #tpu.memory_space<semaphore_mem>> -> memref<!tpu.dma_semaphore, #tpu.memory_space<semaphore_mem>>
      tpu.wait_indirect_dma semaphore(%dma_wait3A_180 : memref<!tpu.dma_semaphore, #tpu.memory_space<semaphore_mem>>) src(%dma_wait3A_178 : memref<10000x128xf32, #tpu.memory_space<hbm>>) dst(%dma_wait3A_172 : memref<128x128xf32, #tpu.memory_space<vmem>>)
      %mul3A_181 = arith.constant 2 : i32
      %mul3A_182 = arith.muli %mul3A_181, %scan3A_93 : i32
      %add3A_183 = arith.constant 1 : i32
      %add3A_184 = arith.addi %mul3A_182, %add3A_183 : i32
      %dma_start3A_185 = arith.constant 1 : i32
      %dma_start3A_186 = arith.constant 1 : i32
      %dma_start3A_187 = arith.constant 0 : i32
      %dma_start3A_188 = arith.constant 0 : i32
      %dma_start3A_189 = tpu.memref_slice %arg8[%dma_start3A_185, %dma_start3A_187, %dma_start3A_188] : memref<2x128x128xf32, #tpu.memory_space<vmem>> -> memref<1x128x128xf32, #tpu.memory_space<vmem>>
      %dma_start3A_190 = tpu.memref_squeeze %dma_start3A_189 : memref<1x128x128xf32, #tpu.memory_space<vmem>> -> memref<128x128xf32, #tpu.memory_space<vmem>>
      %dma_start3A_191 = arith.constant 0 : i32
      %dma_start3A_192 = tpu.memref_slice %arg7[%add3A_184, %dma_start3A_191] : memref<40x128xi32, #tpu.memory_space<vmem>> -> memref<1x128xi32, #tpu.memory_space<vmem>>
      %dma_start3A_193 = tpu.memref_squeeze %dma_start3A_192 : memref<1x128xi32, #tpu.memory_space<vmem>> -> memref<128xi32, #tpu.memory_space<vmem>>
      %dma_start3A_194 = arith.constant 0 : i32
      %dma_start3A_195 = arith.constant 0 : i32
      %dma_start3A_196 = tpu.memref_slice %arg9[%dma_start3A_194, %dma_start3A_195] : memref<10008x128xf32, #tpu.memory_space<vmem_shared>> -> memref<10008x128xf32, #tpu.memory_space<vmem_shared>>
      %dma_start3A_197 = tpu.memref_slice %arg11[%dma_start3A_186] : memref<2x!tpu.dma_semaphore, #tpu.memory_space<semaphore_mem>> -> memref<1x!tpu.dma_semaphore, #tpu.memory_space<semaphore_mem>>
      %dma_start3A_198 = tpu.memref_squeeze %dma_start3A_197 : memref<1x!tpu.dma_semaphore, #tpu.memory_space<semaphore_mem>> -> memref<!tpu.dma_semaphore, #tpu.memory_space<semaphore_mem>>
      tpu.enqueue_indirect_dma source(%dma_start3A_190 : memref<128x128xf32, #tpu.memory_space<vmem>>) target(%dma_start3A_196 : memref<10008x128xf32, #tpu.memory_space<vmem_shared>>) offsets(%dma_start3A_193 : memref<128xi32, #tpu.memory_space<vmem>>) semaphore(%dma_start3A_198 : memref<!tpu.dma_semaphore, #tpu.memory_space<semaphore_mem>>) {add = true}
    }
    %scan3A_68 = arith.constant 20 : i32
    %dma_wait3A_69 = arith.constant 1 : i32
    %dma_wait3A_70 = arith.constant 0 : i32
    %dma_wait3A_71 = arith.constant 1 : i32
    %dma_wait3A_72 = arith.constant 0 : i32
    %dma_wait3A_73 = arith.constant 0 : i32
    %dma_wait3A_74 = tpu.memref_slice %arg8[%dma_wait3A_69, %dma_wait3A_72, %dma_wait3A_73] : memref<2x128x128xf32, #tpu.memory_space<vmem>> -> memref<1x128x128xf32, #tpu.memory_space<vmem>>
    %dma_wait3A_75 = tpu.memref_squeeze %dma_wait3A_74 : memref<1x128x128xf32, #tpu.memory_space<vmem>> -> memref<128x128xf32, #tpu.memory_space<vmem>>
    %dma_wait3A_76 = arith.constant 0 : i32
    %dma_wait3A_77 = tpu.memref_slice %arg7[%dma_wait3A_70, %dma_wait3A_76] : memref<40x128xi32, #tpu.memory_space<vmem>> -> memref<1x128xi32, #tpu.memory_space<vmem>>
    %dma_wait3A_78 = tpu.memref_squeeze %dma_wait3A_77 : memref<1x128xi32, #tpu.memory_space<vmem>> -> memref<128xi32, #tpu.memory_space<vmem>>
    %dma_wait3A_79 = arith.constant 0 : i32
    %dma_wait3A_80 = arith.constant 0 : i32
    %dma_wait3A_81 = tpu.memref_slice %arg9[%dma_wait3A_79, %dma_wait3A_80] : memref<10008x128xf32, #tpu.memory_space<vmem_shared>> -> memref<10008x128xf32, #tpu.memory_space<vmem_shared>>
    %dma_wait3A_82 = tpu.memref_slice %arg11[%dma_wait3A_71] : memref<2x!tpu.dma_semaphore, #tpu.memory_space<semaphore_mem>> -> memref<1x!tpu.dma_semaphore, #tpu.memory_space<semaphore_mem>>
    %dma_wait3A_83 = tpu.memref_squeeze %dma_wait3A_82 : memref<1x!tpu.dma_semaphore, #tpu.memory_space<semaphore_mem>> -> memref<!tpu.dma_semaphore, #tpu.memory_space<semaphore_mem>>
    tpu.wait_indirect_dma semaphore(%dma_wait3A_83 : memref<!tpu.dma_semaphore, #tpu.memory_space<semaphore_mem>>) src(%dma_wait3A_75 : memref<128x128xf32, #tpu.memory_space<vmem>>) dst(%dma_wait3A_81 : memref<10008x128xf32, #tpu.memory_space<vmem_shared>>)
    %barrier3A_84 = arith.constant 0 : index
    tpu.barrier barrier_id(%barrier3A_84)
    %mul3A_85 = arith.constant 10000 : i32
    %mul3A_86 = arith.muli %arg0, %mul3A_85 : i32
    %add3A_87 = arith.addi %mul3A_86, %mul3A_2 : i32
    "tpu.region"() ({
      %run_scoped3A = tpu.sem_alloc : memref<!tpu.dma_semaphore, #tpu.memory_space<semaphore_mem>>
      %dma_start3A_93 = arith.constant 0 : i32
      %dma_start3A_94 = tpu.memref_slice %arg5[%add3A_87, %dma_start3A_93] : memref<20000x128xf32, #tpu.memory_space<hbm>> -> memref<624x128xf32, #tpu.memory_space<hbm>>
      %dma_start3A_95 = arith.constant 0 : i32
      %dma_start3A_96 = tpu.memref_slice %arg9[%mul3A_2, %dma_start3A_95] : memref<10008x128xf32, #tpu.memory_space<vmem_shared>> -> memref<624x128xf32, #tpu.memory_space<vmem_shared>>
      tpu.enqueue_dma source(%dma_start3A_96 : memref<624x128xf32, #tpu.memory_space<vmem_shared>>) target(%dma_start3A_94 : memref<624x128xf32, #tpu.memory_space<hbm>>) target_semaphore(%run_scoped3A : memref<!tpu.dma_semaphore, #tpu.memory_space<semaphore_mem>>)
      %dma_wait3A_97 = arith.constant 0 : i32
      %dma_wait3A_98 = tpu.memref_slice %arg5[%add3A_87, %dma_wait3A_97] : memref<20000x128xf32, #tpu.memory_space<hbm>> -> memref<624x128xf32, #tpu.memory_space<hbm>>
      %dma_wait3A_99 = arith.constant 0 : i32
      %dma_wait3A_100 = tpu.memref_slice %arg9[%mul3A_2, %dma_wait3A_99] : memref<10008x128xf32, #tpu.memory_space<vmem_shared>> -> memref<624x128xf32, #tpu.memory_space<vmem_shared>>
      tpu.wait_dma2 semaphore(%run_scoped3A : memref<!tpu.dma_semaphore, #tpu.memory_space<semaphore_mem>>) src(%dma_wait3A_100 : memref<624x128xf32, #tpu.memory_space<vmem_shared>>) dst(%dma_wait3A_98 : memref<624x128xf32, #tpu.memory_space<hbm>>)
      tpu.yield
    }) : () -> ()
    %eq3A_88 = arith.constant 15 : i32
    %eq3A_89 = arith.cmpi eq, %arg1, %eq3A_88 : i32
    %convert_element_type3A_90 = arith.extui %eq3A_89 : i1 to i32
    %cond3A_91 = arith.constant 0 : i32
    %cond3A_92 = arith.cmpi ne, %convert_element_type3A_90, %cond3A_91 : i32
    scf.if %cond3A_92 {
      %mul3A_93 = arith.constant 10000 : i32
      %mul3A_94 = arith.muli %arg0, %mul3A_93 : i32
      %add3A_95 = arith.constant 9984 : i32
      %add3A_96 = arith.addi %mul3A_94, %add3A_95 : i32
      "tpu.region"() ({
        %run_scoped3A = tpu.sem_alloc : memref<!tpu.dma_semaphore, #tpu.memory_space<semaphore_mem>>
        %dma_start3A_97 = arith.constant 0 : i32
        %dma_start3A_98 = tpu.memref_slice %arg5[%add3A_96, %dma_start3A_97] : memref<20000x128xf32, #tpu.memory_space<hbm>> -> memref<16x128xf32, #tpu.memory_space<hbm>>
        %dma_start3A_99 = arith.constant 9984 : i32
        %dma_start3A_100 = arith.constant 0 : i32
        %dma_start3A_101 = tpu.memref_slice %arg9[%dma_start3A_99, %dma_start3A_100] : memref<10008x128xf32, #tpu.memory_space<vmem_shared>> -> memref<16x128xf32, #tpu.memory_space<vmem_shared>>
        tpu.enqueue_dma source(%dma_start3A_101 : memref<16x128xf32, #tpu.memory_space<vmem_shared>>) target(%dma_start3A_98 : memref<16x128xf32, #tpu.memory_space<hbm>>) target_semaphore(%run_scoped3A : memref<!tpu.dma_semaphore, #tpu.memory_space<semaphore_mem>>)
        %dma_wait3A_102 = arith.constant 0 : i32
        %dma_wait3A_103 = tpu.memref_slice %arg5[%add3A_96, %dma_wait3A_102] : memref<20000x128xf32, #tpu.memory_space<hbm>> -> memref<16x128xf32, #tpu.memory_space<hbm>>
        %dma_wait3A_104 = arith.constant 9984 : i32
        %dma_wait3A_105 = arith.constant 0 : i32
        %dma_wait3A_106 = tpu.memref_slice %arg9[%dma_wait3A_104, %dma_wait3A_105] : memref<10008x128xf32, #tpu.memory_space<vmem_shared>> -> memref<16x128xf32, #tpu.memory_space<vmem_shared>>
        tpu.wait_dma2 semaphore(%run_scoped3A : memref<!tpu.dma_semaphore, #tpu.memory_space<semaphore_mem>>) src(%dma_wait3A_106 : memref<16x128xf32, #tpu.memory_space<vmem_shared>>) dst(%dma_wait3A_103 : memref<16x128xf32, #tpu.memory_space<hbm>>)
        tpu.yield
      }) : () -> ()
    } else {
    }
    return
  }
}

#map = affine_map<(d0, d1) -> (0, 0)>
module attributes {stable_mosaic.version = 14 : i64} {
  func.func @_agg_body(%arg0: i32, %arg1: i32, %arg2: memref<10000x128xf32, #tpu.memory_space<hbm>>, %arg3: memref<2560x128xi32, #tpu.memory_space<hbm>>, %arg4: memref<2560x128xi32, #tpu.memory_space<hbm>>, %arg5: memref<20000x128xf32, #tpu.memory_space<hbm>>, %arg6: memref<40x128xi32, #tpu.memory_space<vmem>>, %arg7: memref<40x128xi32, #tpu.memory_space<vmem>>, %arg8: memref<2x128x128xf32, #tpu.memory_space<vmem>>, %arg9: memref<10008x128xf32, #tpu.memory_space<vmem_shared>>, %arg10: memref<2x!tpu.dma_semaphore, #tpu.memory_space<semaphore_mem>>, %arg11: memref<2x!tpu.dma_semaphore, #tpu.memory_space<semaphore_mem>>) attributes {dimension_semantics = [#tpu.dimension_semantics<core_parallel>, #tpu.dimension_semantics<subcore_parallel>], iteration_bounds = array<i64: 2, 16>, scalar_prefetch = 0 : i64, scratch_operands = 6 : i64, tpu.core_type = #tpu.core_type<sc_vector_subcore>, window_params = [{transform_indices = #map}, {transform_indices = #map}, {transform_indices = #map}, {transform_indices = #map}]} {
    %mul3A = arith.constant 2 : i32
    %mul3A_0 = arith.muli %arg1, %mul3A : i32
    %add3A = arith.addi %mul3A_0, %arg0 : i32
    %mul3A_1 = arith.constant 624 : i32
    %mul3A_2 = arith.muli %arg1, %mul3A_1 : i32
    "tpu.region"() ({
      %run_scoped3A = tpu.sem_alloc : memref<!tpu.dma_semaphore, #tpu.memory_space<semaphore_mem>>
      %dma_start3A_93 = arith.constant 0 : i32
      %dma_start3A_94 = tpu.memref_slice %arg9[%mul3A_2, %dma_start3A_93] : memref<10008x128xf32, #tpu.memory_space<vmem_shared>> -> memref<624x128xf32, #tpu.memory_space<vmem_shared>>
      %dma_start3A_95 = arith.constant 0 : i32
      %dma_start3A_96 = tpu.memref_slice %arg2[%mul3A_2, %dma_start3A_95] : memref<10000x128xf32, #tpu.memory_space<hbm>> -> memref<624x128xf32, #tpu.memory_space<hbm>>
      tpu.enqueue_dma source(%dma_start3A_96 : memref<624x128xf32, #tpu.memory_space<hbm>>) target(%dma_start3A_94 : memref<624x128xf32, #tpu.memory_space<vmem_shared>>) target_semaphore(%run_scoped3A : memref<!tpu.dma_semaphore, #tpu.memory_space<semaphore_mem>>)
      %dma_wait3A_97 = arith.constant 0 : i32
      %dma_wait3A_98 = tpu.memref_slice %arg9[%mul3A_2, %dma_wait3A_97] : memref<10008x128xf32, #tpu.memory_space<vmem_shared>> -> memref<624x128xf32, #tpu.memory_space<vmem_shared>>
      %dma_wait3A_99 = arith.constant 0 : i32
      %dma_wait3A_100 = tpu.memref_slice %arg2[%mul3A_2, %dma_wait3A_99] : memref<10000x128xf32, #tpu.memory_space<hbm>> -> memref<624x128xf32, #tpu.memory_space<hbm>>
      tpu.wait_dma2 semaphore(%run_scoped3A : memref<!tpu.dma_semaphore, #tpu.memory_space<semaphore_mem>>) src(%dma_wait3A_100 : memref<624x128xf32, #tpu.memory_space<hbm>>) dst(%dma_wait3A_98 : memref<624x128xf32, #tpu.memory_space<vmem_shared>>)
      tpu.yield
    }) : () -> ()
    %eq3A = arith.constant 15 : i32
    %eq3A_3 = arith.cmpi eq, %arg1, %eq3A : i32
    %convert_element_type3A = arith.extui %eq3A_3 : i1 to i32
    %cond3A = arith.constant 0 : i32
    %cond3A_4 = arith.cmpi ne, %convert_element_type3A, %cond3A : i32
    scf.if %cond3A_4 {
      "tpu.region"() ({
        %run_scoped3A = tpu.sem_alloc : memref<!tpu.dma_semaphore, #tpu.memory_space<semaphore_mem>>
        %dma_start3A_93 = arith.constant 9984 : i32
        %dma_start3A_94 = arith.constant 0 : i32
        %dma_start3A_95 = tpu.memref_slice %arg9[%dma_start3A_93, %dma_start3A_94] : memref<10008x128xf32, #tpu.memory_space<vmem_shared>> -> memref<16x128xf32, #tpu.memory_space<vmem_shared>>
        %dma_start3A_96 = arith.constant 9984 : i32
        %dma_start3A_97 = arith.constant 0 : i32
        %dma_start3A_98 = tpu.memref_slice %arg2[%dma_start3A_96, %dma_start3A_97] : memref<10000x128xf32, #tpu.memory_space<hbm>> -> memref<16x128xf32, #tpu.memory_space<hbm>>
        tpu.enqueue_dma source(%dma_start3A_98 : memref<16x128xf32, #tpu.memory_space<hbm>>) target(%dma_start3A_95 : memref<16x128xf32, #tpu.memory_space<vmem_shared>>) target_semaphore(%run_scoped3A : memref<!tpu.dma_semaphore, #tpu.memory_space<semaphore_mem>>)
        %dma_wait3A_99 = arith.constant 9984 : i32
        %dma_wait3A_100 = arith.constant 0 : i32
        %dma_wait3A_101 = tpu.memref_slice %arg9[%dma_wait3A_99, %dma_wait3A_100] : memref<10008x128xf32, #tpu.memory_space<vmem_shared>> -> memref<16x128xf32, #tpu.memory_space<vmem_shared>>
        %dma_wait3A_102 = arith.constant 9984 : i32
        %dma_wait3A_103 = arith.constant 0 : i32
        %dma_wait3A_104 = tpu.memref_slice %arg2[%dma_wait3A_102, %dma_wait3A_103] : memref<10000x128xf32, #tpu.memory_space<hbm>> -> memref<16x128xf32, #tpu.memory_space<hbm>>
        tpu.wait_dma2 semaphore(%run_scoped3A : memref<!tpu.dma_semaphore, #tpu.memory_space<semaphore_mem>>) src(%dma_wait3A_104 : memref<16x128xf32, #tpu.memory_space<hbm>>) dst(%dma_wait3A_101 : memref<16x128xf32, #tpu.memory_space<vmem_shared>>)
        tpu.yield
      }) : () -> ()
    } else {
    }
    %barrier3A = arith.constant 0 : index
    tpu.barrier barrier_id(%barrier3A)
    %mul3A_5 = arith.constant 80 : i32
    %mul3A_6 = arith.muli %add3A, %mul3A_5 : i32
    %add3A_7 = arith.constant 0 : i32
    %add3A_8 = arith.addi %mul3A_6, %add3A_7 : i32
    "tpu.region"() ({
      %run_scoped3A = tpu.sem_alloc : memref<!tpu.dma_semaphore, #tpu.memory_space<semaphore_mem>>
      %dma_start3A_93 = arith.constant 0 : i32
      %dma_start3A_94 = tpu.memref_slice %arg3[%add3A_8, %dma_start3A_93] : memref<2560x128xi32, #tpu.memory_space<hbm>> -> memref<40x128xi32, #tpu.memory_space<hbm>>
      %dma_start3A_95 = arith.constant 0 : i32
      %dma_start3A_96 = tpu.memref_slice %arg3[%add3A_8, %dma_start3A_95] : memref<2560x128xi32, #tpu.memory_space<hbm>> -> memref<40x128xi32, #tpu.memory_space<hbm>>
      tpu.enqueue_dma source(%dma_start3A_96 : memref<40x128xi32, #tpu.memory_space<hbm>>) target(%arg6 : memref<40x128xi32, #tpu.memory_space<vmem>>) target_semaphore(%run_scoped3A : memref<!tpu.dma_semaphore, #tpu.memory_space<semaphore_mem>>)
      %dma_wait3A_97 = arith.constant 0 : i32
      %dma_wait3A_98 = tpu.memref_slice %arg3[%add3A_8, %dma_wait3A_97] : memref<2560x128xi32, #tpu.memory_space<hbm>> -> memref<40x128xi32, #tpu.memory_space<hbm>>
      %dma_wait3A_99 = arith.constant 0 : i32
      %dma_wait3A_100 = tpu.memref_slice %arg3[%add3A_8, %dma_wait3A_99] : memref<2560x128xi32, #tpu.memory_space<hbm>> -> memref<40x128xi32, #tpu.memory_space<hbm>>
      tpu.wait_dma2 semaphore(%run_scoped3A : memref<!tpu.dma_semaphore, #tpu.memory_space<semaphore_mem>>) src(%dma_wait3A_100 : memref<40x128xi32, #tpu.memory_space<hbm>>) dst(%arg6 : memref<40x128xi32, #tpu.memory_space<vmem>>)
      tpu.yield
    }) : () -> ()
    %add3A_9 = arith.constant 0 : i32
    %add3A_10 = arith.addi %mul3A_6, %add3A_9 : i32
    "tpu.region"() ({
      %run_scoped3A = tpu.sem_alloc : memref<!tpu.dma_semaphore, #tpu.memory_space<semaphore_mem>>
      %dma_start3A_93 = arith.constant 0 : i32
      %dma_start3A_94 = tpu.memref_slice %arg4[%add3A_10, %dma_start3A_93] : memref<2560x128xi32, #tpu.memory_space<hbm>> -> memref<40x128xi32, #tpu.memory_space<hbm>>
      %dma_start3A_95 = arith.constant 0 : i32
      %dma_start3A_96 = tpu.memref_slice %arg4[%add3A_10, %dma_start3A_95] : memref<2560x128xi32, #tpu.memory_space<hbm>> -> memref<40x128xi32, #tpu.memory_space<hbm>>
      tpu.enqueue_dma source(%dma_start3A_96 : memref<40x128xi32, #tpu.memory_space<hbm>>) target(%arg7 : memref<40x128xi32, #tpu.memory_space<vmem>>) target_semaphore(%run_scoped3A : memref<!tpu.dma_semaphore, #tpu.memory_space<semaphore_mem>>)
      %dma_wait3A_97 = arith.constant 0 : i32
      %dma_wait3A_98 = tpu.memref_slice %arg4[%add3A_10, %dma_wait3A_97] : memref<2560x128xi32, #tpu.memory_space<hbm>> -> memref<40x128xi32, #tpu.memory_space<hbm>>
      %dma_wait3A_99 = arith.constant 0 : i32
      %dma_wait3A_100 = tpu.memref_slice %arg4[%add3A_10, %dma_wait3A_99] : memref<2560x128xi32, #tpu.memory_space<hbm>> -> memref<40x128xi32, #tpu.memory_space<hbm>>
      tpu.wait_dma2 semaphore(%run_scoped3A : memref<!tpu.dma_semaphore, #tpu.memory_space<semaphore_mem>>) src(%dma_wait3A_100 : memref<40x128xi32, #tpu.memory_space<hbm>>) dst(%arg7 : memref<40x128xi32, #tpu.memory_space<vmem>>)
      tpu.yield
    }) : () -> ()
    %dma_start3A = arith.constant 0 : i32
    %dma_start3A_11 = arith.constant 0 : i32
    %dma_start3A_12 = arith.constant 0 : i32
    %dma_start3A_13 = arith.constant 0 : i32
    %dma_start3A_14 = arith.constant 0 : i32
    %dma_start3A_15 = tpu.memref_slice %arg8[%dma_start3A_11, %dma_start3A_13, %dma_start3A_14] : memref<2x128x128xf32, #tpu.memory_space<vmem>> -> memref<1x128x128xf32, #tpu.memory_space<vmem>>
    %dma_start3A_16 = tpu.memref_squeeze %dma_start3A_15 : memref<1x128x128xf32, #tpu.memory_space<vmem>> -> memref<128x128xf32, #tpu.memory_space<vmem>>
    %dma_start3A_17 = arith.constant 0 : i32
    %dma_start3A_18 = tpu.memref_slice %arg6[%dma_start3A, %dma_start3A_17] : memref<40x128xi32, #tpu.memory_space<vmem>> -> memref<1x128xi32, #tpu.memory_space<vmem>>
    %dma_start3A_19 = tpu.memref_squeeze %dma_start3A_18 : memref<1x128xi32, #tpu.memory_space<vmem>> -> memref<128xi32, #tpu.memory_space<vmem>>
    %dma_start3A_20 = arith.constant 0 : i32
    %dma_start3A_21 = arith.constant 0 : i32
    %dma_start3A_22 = tpu.memref_slice %arg2[%dma_start3A_20, %dma_start3A_21] : memref<10000x128xf32, #tpu.memory_space<hbm>> -> memref<10000x128xf32, #tpu.memory_space<hbm>>
    %dma_start3A_23 = tpu.memref_slice %arg10[%dma_start3A_12] : memref<2x!tpu.dma_semaphore, #tpu.memory_space<semaphore_mem>> -> memref<1x!tpu.dma_semaphore, #tpu.memory_space<semaphore_mem>>
    %dma_start3A_24 = tpu.memref_squeeze %dma_start3A_23 : memref<1x!tpu.dma_semaphore, #tpu.memory_space<semaphore_mem>> -> memref<!tpu.dma_semaphore, #tpu.memory_space<semaphore_mem>>
    tpu.enqueue_indirect_dma source(%dma_start3A_22 : memref<10000x128xf32, #tpu.memory_space<hbm>>) target(%dma_start3A_16 : memref<128x128xf32, #tpu.memory_space<vmem>>) offsets(%dma_start3A_19 : memref<128xi32, #tpu.memory_space<vmem>>) semaphore(%dma_start3A_24 : memref<!tpu.dma_semaphore, #tpu.memory_space<semaphore_mem>>)
    %scan3A = arith.constant 0 : i32
    %scan3A_25 = arith.constant 0 : i32
    %scan3A_26 = arith.constant 20 : i32
    %scan3A_27 = arith.addi %scan3A_25, %scan3A_26 : i32
    %scan3A_28 = arith.constant 1 : i32
    scf.for %scan3A_93 = %scan3A_25 to %scan3A_27 step %scan3A_28  : i32 {
      %dma_wait3A_94 = arith.constant 0 : i32
      %dma_wait3A_95 = arith.constant 0 : i32
      %dma_wait3A_96 = arith.constant 0 : i32
      %dma_wait3A_97 = arith.constant 0 : i32
      %dma_wait3A_98 = arith.constant 0 : i32
      %dma_wait3A_99 = tpu.memref_slice %arg8[%dma_wait3A_95, %dma_wait3A_97, %dma_wait3A_98] : memref<2x128x128xf32, #tpu.memory_space<vmem>> -> memref<1x128x128xf32, #tpu.memory_space<vmem>>
      %dma_wait3A_100 = tpu.memref_squeeze %dma_wait3A_99 : memref<1x128x128xf32, #tpu.memory_space<vmem>> -> memref<128x128xf32, #tpu.memory_space<vmem>>
      %dma_wait3A_101 = arith.constant 0 : i32
      %dma_wait3A_102 = tpu.memref_slice %arg6[%dma_wait3A_94, %dma_wait3A_101] : memref<40x128xi32, #tpu.memory_space<vmem>> -> memref<1x128xi32, #tpu.memory_space<vmem>>
      %dma_wait3A_103 = tpu.memref_squeeze %dma_wait3A_102 : memref<1x128xi32, #tpu.memory_space<vmem>> -> memref<128xi32, #tpu.memory_space<vmem>>
      %dma_wait3A_104 = arith.constant 0 : i32
      %dma_wait3A_105 = arith.constant 0 : i32
      %dma_wait3A_106 = tpu.memref_slice %arg2[%dma_wait3A_104, %dma_wait3A_105] : memref<10000x128xf32, #tpu.memory_space<hbm>> -> memref<10000x128xf32, #tpu.memory_space<hbm>>
      %dma_wait3A_107 = tpu.memref_slice %arg10[%dma_wait3A_96] : memref<2x!tpu.dma_semaphore, #tpu.memory_space<semaphore_mem>> -> memref<1x!tpu.dma_semaphore, #tpu.memory_space<semaphore_mem>>
      %dma_wait3A_108 = tpu.memref_squeeze %dma_wait3A_107 : memref<1x!tpu.dma_semaphore, #tpu.memory_space<semaphore_mem>> -> memref<!tpu.dma_semaphore, #tpu.memory_space<semaphore_mem>>
      tpu.wait_indirect_dma semaphore(%dma_wait3A_108 : memref<!tpu.dma_semaphore, #tpu.memory_space<semaphore_mem>>) src(%dma_wait3A_106 : memref<10000x128xf32, #tpu.memory_space<hbm>>) dst(%dma_wait3A_100 : memref<128x128xf32, #tpu.memory_space<vmem>>)
      %mul3A_109 = arith.constant 2 : i32
      %mul3A_110 = arith.muli %mul3A_109, %scan3A_93 : i32
      %dma_start3A_111 = arith.constant 0 : i32
      %dma_start3A_112 = arith.constant 0 : i32
      %dma_start3A_113 = arith.constant 0 : i32
      %dma_start3A_114 = arith.constant 0 : i32
      %dma_start3A_115 = tpu.memref_slice %arg8[%dma_start3A_111, %dma_start3A_113, %dma_start3A_114] : memref<2x128x128xf32, #tpu.memory_space<vmem>> -> memref<1x128x128xf32, #tpu.memory_space<vmem>>
      %dma_start3A_116 = tpu.memref_squeeze %dma_start3A_115 : memref<1x128x128xf32, #tpu.memory_space<vmem>> -> memref<128x128xf32, #tpu.memory_space<vmem>>
      %dma_start3A_117 = arith.constant 0 : i32
      %dma_start3A_118 = tpu.memref_slice %arg7[%mul3A_110, %dma_start3A_117] : memref<40x128xi32, #tpu.memory_space<vmem>> -> memref<1x128xi32, #tpu.memory_space<vmem>>
      %dma_start3A_119 = tpu.memref_squeeze %dma_start3A_118 : memref<1x128xi32, #tpu.memory_space<vmem>> -> memref<128xi32, #tpu.memory_space<vmem>>
      %dma_start3A_120 = arith.constant 0 : i32
      %dma_start3A_121 = arith.constant 0 : i32
      %dma_start3A_122 = tpu.memref_slice %arg9[%dma_start3A_120, %dma_start3A_121] : memref<10008x128xf32, #tpu.memory_space<vmem_shared>> -> memref<10008x128xf32, #tpu.memory_space<vmem_shared>>
      %dma_start3A_123 = tpu.memref_slice %arg11[%dma_start3A_112] : memref<2x!tpu.dma_semaphore, #tpu.memory_space<semaphore_mem>> -> memref<1x!tpu.dma_semaphore, #tpu.memory_space<semaphore_mem>>
      %dma_start3A_124 = tpu.memref_squeeze %dma_start3A_123 : memref<1x!tpu.dma_semaphore, #tpu.memory_space<semaphore_mem>> -> memref<!tpu.dma_semaphore, #tpu.memory_space<semaphore_mem>>
      tpu.enqueue_indirect_dma source(%dma_start3A_116 : memref<128x128xf32, #tpu.memory_space<vmem>>) target(%dma_start3A_122 : memref<10008x128xf32, #tpu.memory_space<vmem_shared>>) offsets(%dma_start3A_119 : memref<128xi32, #tpu.memory_space<vmem>>) semaphore(%dma_start3A_124 : memref<!tpu.dma_semaphore, #tpu.memory_space<semaphore_mem>>) {add = true}
      %gt3A = arith.constant 0 : i32
      %gt3A_125 = arith.cmpi sgt, %scan3A_93, %gt3A : i32
      %convert_element_type3A_126 = arith.extui %gt3A_125 : i1 to i32
      %cond3A_127 = arith.constant 0 : i32
      %cond3A_128 = arith.cmpi ne, %convert_element_type3A_126, %cond3A_127 : i32
      scf.if %cond3A_128 {
        %dma_wait3A_199 = arith.constant 1 : i32
        %dma_wait3A_200 = arith.constant 0 : i32
        %dma_wait3A_201 = arith.constant 1 : i32
        %dma_wait3A_202 = arith.constant 0 : i32
        %dma_wait3A_203 = arith.constant 0 : i32
        %dma_wait3A_204 = tpu.memref_slice %arg8[%dma_wait3A_199, %dma_wait3A_202, %dma_wait3A_203] : memref<2x128x128xf32, #tpu.memory_space<vmem>> -> memref<1x128x128xf32, #tpu.memory_space<vmem>>
        %dma_wait3A_205 = tpu.memref_squeeze %dma_wait3A_204 : memref<1x128x128xf32, #tpu.memory_space<vmem>> -> memref<128x128xf32, #tpu.memory_space<vmem>>
        %dma_wait3A_206 = arith.constant 0 : i32
        %dma_wait3A_207 = tpu.memref_slice %arg7[%dma_wait3A_200, %dma_wait3A_206] : memref<40x128xi32, #tpu.memory_space<vmem>> -> memref<1x128xi32, #tpu.memory_space<vmem>>
        %dma_wait3A_208 = tpu.memref_squeeze %dma_wait3A_207 : memref<1x128xi32, #tpu.memory_space<vmem>> -> memref<128xi32, #tpu.memory_space<vmem>>
        %dma_wait3A_209 = arith.constant 0 : i32
        %dma_wait3A_210 = arith.constant 0 : i32
        %dma_wait3A_211 = tpu.memref_slice %arg9[%dma_wait3A_209, %dma_wait3A_210] : memref<10008x128xf32, #tpu.memory_space<vmem_shared>> -> memref<10008x128xf32, #tpu.memory_space<vmem_shared>>
        %dma_wait3A_212 = tpu.memref_slice %arg11[%dma_wait3A_201] : memref<2x!tpu.dma_semaphore, #tpu.memory_space<semaphore_mem>> -> memref<1x!tpu.dma_semaphore, #tpu.memory_space<semaphore_mem>>
        %dma_wait3A_213 = tpu.memref_squeeze %dma_wait3A_212 : memref<1x!tpu.dma_semaphore, #tpu.memory_space<semaphore_mem>> -> memref<!tpu.dma_semaphore, #tpu.memory_space<semaphore_mem>>
        tpu.wait_indirect_dma semaphore(%dma_wait3A_213 : memref<!tpu.dma_semaphore, #tpu.memory_space<semaphore_mem>>) src(%dma_wait3A_205 : memref<128x128xf32, #tpu.memory_space<vmem>>) dst(%dma_wait3A_211 : memref<10008x128xf32, #tpu.memory_space<vmem_shared>>)
      } else {
      }
      %mul3A_129 = arith.constant 2 : i32
      %mul3A_130 = arith.muli %mul3A_129, %scan3A_93 : i32
      %add3A_131 = arith.constant 1 : i32
      %add3A_132 = arith.addi %mul3A_130, %add3A_131 : i32
      %dma_start3A_133 = arith.constant 1 : i32
      %dma_start3A_134 = arith.constant 1 : i32
      %dma_start3A_135 = arith.constant 0 : i32
      %dma_start3A_136 = arith.constant 0 : i32
      %dma_start3A_137 = tpu.memref_slice %arg8[%dma_start3A_133, %dma_start3A_135, %dma_start3A_136] : memref<2x128x128xf32, #tpu.memory_space<vmem>> -> memref<1x128x128xf32, #tpu.memory_space<vmem>>
      %dma_start3A_138 = tpu.memref_squeeze %dma_start3A_137 : memref<1x128x128xf32, #tpu.memory_space<vmem>> -> memref<128x128xf32, #tpu.memory_space<vmem>>
      %dma_start3A_139 = arith.constant 0 : i32
      %dma_start3A_140 = tpu.memref_slice %arg6[%add3A_132, %dma_start3A_139] : memref<40x128xi32, #tpu.memory_space<vmem>> -> memref<1x128xi32, #tpu.memory_space<vmem>>
      %dma_start3A_141 = tpu.memref_squeeze %dma_start3A_140 : memref<1x128xi32, #tpu.memory_space<vmem>> -> memref<128xi32, #tpu.memory_space<vmem>>
      %dma_start3A_142 = arith.constant 0 : i32
      %dma_start3A_143 = arith.constant 0 : i32
      %dma_start3A_144 = tpu.memref_slice %arg2[%dma_start3A_142, %dma_start3A_143] : memref<10000x128xf32, #tpu.memory_space<hbm>> -> memref<10000x128xf32, #tpu.memory_space<hbm>>
      %dma_start3A_145 = tpu.memref_slice %arg10[%dma_start3A_134] : memref<2x!tpu.dma_semaphore, #tpu.memory_space<semaphore_mem>> -> memref<1x!tpu.dma_semaphore, #tpu.memory_space<semaphore_mem>>
      %dma_start3A_146 = tpu.memref_squeeze %dma_start3A_145 : memref<1x!tpu.dma_semaphore, #tpu.memory_space<semaphore_mem>> -> memref<!tpu.dma_semaphore, #tpu.memory_space<semaphore_mem>>
      tpu.enqueue_indirect_dma source(%dma_start3A_144 : memref<10000x128xf32, #tpu.memory_space<hbm>>) target(%dma_start3A_138 : memref<128x128xf32, #tpu.memory_space<vmem>>) offsets(%dma_start3A_141 : memref<128xi32, #tpu.memory_space<vmem>>) semaphore(%dma_start3A_146 : memref<!tpu.dma_semaphore, #tpu.memory_space<semaphore_mem>>)
      %dma_wait3A_147 = arith.constant 0 : i32
      %dma_wait3A_148 = arith.constant 0 : i32
      %dma_wait3A_149 = arith.constant 0 : i32
      %dma_wait3A_150 = arith.constant 0 : i32
      %dma_wait3A_151 = arith.constant 0 : i32
      %dma_wait3A_152 = tpu.memref_slice %arg8[%dma_wait3A_147, %dma_wait3A_150, %dma_wait3A_151] : memref<2x128x128xf32, #tpu.memory_space<vmem>> -> memref<1x128x128xf32, #tpu.memory_space<vmem>>
      %dma_wait3A_153 = tpu.memref_squeeze %dma_wait3A_152 : memref<1x128x128xf32, #tpu.memory_space<vmem>> -> memref<128x128xf32, #tpu.memory_space<vmem>>
      %dma_wait3A_154 = arith.constant 0 : i32
      %dma_wait3A_155 = tpu.memref_slice %arg7[%dma_wait3A_148, %dma_wait3A_154] : memref<40x128xi32, #tpu.memory_space<vmem>> -> memref<1x128xi32, #tpu.memory_space<vmem>>
      %dma_wait3A_156 = tpu.memref_squeeze %dma_wait3A_155 : memref<1x128xi32, #tpu.memory_space<vmem>> -> memref<128xi32, #tpu.memory_space<vmem>>
      %dma_wait3A_157 = arith.constant 0 : i32
      %dma_wait3A_158 = arith.constant 0 : i32
      %dma_wait3A_159 = tpu.memref_slice %arg9[%dma_wait3A_157, %dma_wait3A_158] : memref<10008x128xf32, #tpu.memory_space<vmem_shared>> -> memref<10008x128xf32, #tpu.memory_space<vmem_shared>>
      %dma_wait3A_160 = tpu.memref_slice %arg11[%dma_wait3A_149] : memref<2x!tpu.dma_semaphore, #tpu.memory_space<semaphore_mem>> -> memref<1x!tpu.dma_semaphore, #tpu.memory_space<semaphore_mem>>
      %dma_wait3A_161 = tpu.memref_squeeze %dma_wait3A_160 : memref<1x!tpu.dma_semaphore, #tpu.memory_space<semaphore_mem>> -> memref<!tpu.dma_semaphore, #tpu.memory_space<semaphore_mem>>
      tpu.wait_indirect_dma semaphore(%dma_wait3A_161 : memref<!tpu.dma_semaphore, #tpu.memory_space<semaphore_mem>>) src(%dma_wait3A_153 : memref<128x128xf32, #tpu.memory_space<vmem>>) dst(%dma_wait3A_159 : memref<10008x128xf32, #tpu.memory_space<vmem_shared>>)
      %lt3A = arith.constant 19 : i32
      %lt3A_162 = arith.cmpi slt, %scan3A_93, %lt3A : i32
      %convert_element_type3A_163 = arith.extui %lt3A_162 : i1 to i32
      %cond3A_164 = arith.constant 0 : i32
      %cond3A_165 = arith.cmpi ne, %convert_element_type3A_163, %cond3A_164 : i32
      scf.if %cond3A_165 {
        %mul3A_199 = arith.constant 2 : i32
        %mul3A_200 = arith.muli %mul3A_199, %scan3A_93 : i32
        %add3A_201 = arith.constant 2 : i32
        %add3A_202 = arith.addi %mul3A_200, %add3A_201 : i32
        %dma_start3A_203 = arith.constant 0 : i32
        %dma_start3A_204 = arith.constant 0 : i32
        %dma_start3A_205 = arith.constant 0 : i32
        %dma_start3A_206 = arith.constant 0 : i32
        %dma_start3A_207 = tpu.memref_slice %arg8[%dma_start3A_203, %dma_start3A_205, %dma_start3A_206] : memref<2x128x128xf32, #tpu.memory_space<vmem>> -> memref<1x128x128xf32, #tpu.memory_space<vmem>>
        %dma_start3A_208 = tpu.memref_squeeze %dma_start3A_207 : memref<1x128x128xf32, #tpu.memory_space<vmem>> -> memref<128x128xf32, #tpu.memory_space<vmem>>
        %dma_start3A_209 = arith.constant 0 : i32
        %dma_start3A_210 = tpu.memref_slice %arg6[%add3A_202, %dma_start3A_209] : memref<40x128xi32, #tpu.memory_space<vmem>> -> memref<1x128xi32, #tpu.memory_space<vmem>>
        %dma_start3A_211 = tpu.memref_squeeze %dma_start3A_210 : memref<1x128xi32, #tpu.memory_space<vmem>> -> memref<128xi32, #tpu.memory_space<vmem>>
        %dma_start3A_212 = arith.constant 0 : i32
        %dma_start3A_213 = arith.constant 0 : i32
        %dma_start3A_214 = tpu.memref_slice %arg2[%dma_start3A_212, %dma_start3A_213] : memref<10000x128xf32, #tpu.memory_space<hbm>> -> memref<10000x128xf32, #tpu.memory_space<hbm>>
        %dma_start3A_215 = tpu.memref_slice %arg10[%dma_start3A_204] : memref<2x!tpu.dma_semaphore, #tpu.memory_space<semaphore_mem>> -> memref<1x!tpu.dma_semaphore, #tpu.memory_space<semaphore_mem>>
        %dma_start3A_216 = tpu.memref_squeeze %dma_start3A_215 : memref<1x!tpu.dma_semaphore, #tpu.memory_space<semaphore_mem>> -> memref<!tpu.dma_semaphore, #tpu.memory_space<semaphore_mem>>
        tpu.enqueue_indirect_dma source(%dma_start3A_214 : memref<10000x128xf32, #tpu.memory_space<hbm>>) target(%dma_start3A_208 : memref<128x128xf32, #tpu.memory_space<vmem>>) offsets(%dma_start3A_211 : memref<128xi32, #tpu.memory_space<vmem>>) semaphore(%dma_start3A_216 : memref<!tpu.dma_semaphore, #tpu.memory_space<semaphore_mem>>)
      } else {
      }
      %dma_wait3A_166 = arith.constant 0 : i32
      %dma_wait3A_167 = arith.constant 1 : i32
      %dma_wait3A_168 = arith.constant 1 : i32
      %dma_wait3A_169 = arith.constant 0 : i32
      %dma_wait3A_170 = arith.constant 0 : i32
      %dma_wait3A_171 = tpu.memref_slice %arg8[%dma_wait3A_167, %dma_wait3A_169, %dma_wait3A_170] : memref<2x128x128xf32, #tpu.memory_space<vmem>> -> memref<1x128x128xf32, #tpu.memory_space<vmem>>
      %dma_wait3A_172 = tpu.memref_squeeze %dma_wait3A_171 : memref<1x128x128xf32, #tpu.memory_space<vmem>> -> memref<128x128xf32, #tpu.memory_space<vmem>>
      %dma_wait3A_173 = arith.constant 0 : i32
      %dma_wait3A_174 = tpu.memref_slice %arg6[%dma_wait3A_166, %dma_wait3A_173] : memref<40x128xi32, #tpu.memory_space<vmem>> -> memref<1x128xi32, #tpu.memory_space<vmem>>
      %dma_wait3A_175 = tpu.memref_squeeze %dma_wait3A_174 : memref<1x128xi32, #tpu.memory_space<vmem>> -> memref<128xi32, #tpu.memory_space<vmem>>
      %dma_wait3A_176 = arith.constant 0 : i32
      %dma_wait3A_177 = arith.constant 0 : i32
      %dma_wait3A_178 = tpu.memref_slice %arg2[%dma_wait3A_176, %dma_wait3A_177] : memref<10000x128xf32, #tpu.memory_space<hbm>> -> memref<10000x128xf32, #tpu.memory_space<hbm>>
      %dma_wait3A_179 = tpu.memref_slice %arg10[%dma_wait3A_168] : memref<2x!tpu.dma_semaphore, #tpu.memory_space<semaphore_mem>> -> memref<1x!tpu.dma_semaphore, #tpu.memory_space<semaphore_mem>>
      %dma_wait3A_180 = tpu.memref_squeeze %dma_wait3A_179 : memref<1x!tpu.dma_semaphore, #tpu.memory_space<semaphore_mem>> -> memref<!tpu.dma_semaphore, #tpu.memory_space<semaphore_mem>>
      tpu.wait_indirect_dma semaphore(%dma_wait3A_180 : memref<!tpu.dma_semaphore, #tpu.memory_space<semaphore_mem>>) src(%dma_wait3A_178 : memref<10000x128xf32, #tpu.memory_space<hbm>>) dst(%dma_wait3A_172 : memref<128x128xf32, #tpu.memory_space<vmem>>)
      %mul3A_181 = arith.constant 2 : i32
      %mul3A_182 = arith.muli %mul3A_181, %scan3A_93 : i32
      %add3A_183 = arith.constant 1 : i32
      %add3A_184 = arith.addi %mul3A_182, %add3A_183 : i32
      %dma_start3A_185 = arith.constant 1 : i32
      %dma_start3A_186 = arith.constant 1 : i32
      %dma_start3A_187 = arith.constant 0 : i32
      %dma_start3A_188 = arith.constant 0 : i32
      %dma_start3A_189 = tpu.memref_slice %arg8[%dma_start3A_185, %dma_start3A_187, %dma_start3A_188] : memref<2x128x128xf32, #tpu.memory_space<vmem>> -> memref<1x128x128xf32, #tpu.memory_space<vmem>>
      %dma_start3A_190 = tpu.memref_squeeze %dma_start3A_189 : memref<1x128x128xf32, #tpu.memory_space<vmem>> -> memref<128x128xf32, #tpu.memory_space<vmem>>
      %dma_start3A_191 = arith.constant 0 : i32
      %dma_start3A_192 = tpu.memref_slice %arg7[%add3A_184, %dma_start3A_191] : memref<40x128xi32, #tpu.memory_space<vmem>> -> memref<1x128xi32, #tpu.memory_space<vmem>>
      %dma_start3A_193 = tpu.memref_squeeze %dma_start3A_192 : memref<1x128xi32, #tpu.memory_space<vmem>> -> memref<128xi32, #tpu.memory_space<vmem>>
      %dma_start3A_194 = arith.constant 0 : i32
      %dma_start3A_195 = arith.constant 0 : i32
      %dma_start3A_196 = tpu.memref_slice %arg9[%dma_start3A_194, %dma_start3A_195] : memref<10008x128xf32, #tpu.memory_space<vmem_shared>> -> memref<10008x128xf32, #tpu.memory_space<vmem_shared>>
      %dma_start3A_197 = tpu.memref_slice %arg11[%dma_start3A_186] : memref<2x!tpu.dma_semaphore, #tpu.memory_space<semaphore_mem>> -> memref<1x!tpu.dma_semaphore, #tpu.memory_space<semaphore_mem>>
      %dma_start3A_198 = tpu.memref_squeeze %dma_start3A_197 : memref<1x!tpu.dma_semaphore, #tpu.memory_space<semaphore_mem>> -> memref<!tpu.dma_semaphore, #tpu.memory_space<semaphore_mem>>
      tpu.enqueue_indirect_dma source(%dma_start3A_190 : memref<128x128xf32, #tpu.memory_space<vmem>>) target(%dma_start3A_196 : memref<10008x128xf32, #tpu.memory_space<vmem_shared>>) offsets(%dma_start3A_193 : memref<128xi32, #tpu.memory_space<vmem>>) semaphore(%dma_start3A_198 : memref<!tpu.dma_semaphore, #tpu.memory_space<semaphore_mem>>) {add = true}
    }
    %scan3A_29 = arith.constant 20 : i32
    %dma_wait3A = arith.constant 1 : i32
    %dma_wait3A_30 = arith.constant 0 : i32
    %dma_wait3A_31 = arith.constant 1 : i32
    %dma_wait3A_32 = arith.constant 0 : i32
    %dma_wait3A_33 = arith.constant 0 : i32
    %dma_wait3A_34 = tpu.memref_slice %arg8[%dma_wait3A, %dma_wait3A_32, %dma_wait3A_33] : memref<2x128x128xf32, #tpu.memory_space<vmem>> -> memref<1x128x128xf32, #tpu.memory_space<vmem>>
    %dma_wait3A_35 = tpu.memref_squeeze %dma_wait3A_34 : memref<1x128x128xf32, #tpu.memory_space<vmem>> -> memref<128x128xf32, #tpu.memory_space<vmem>>
    %dma_wait3A_36 = arith.constant 0 : i32
    %dma_wait3A_37 = tpu.memref_slice %arg7[%dma_wait3A_30, %dma_wait3A_36] : memref<40x128xi32, #tpu.memory_space<vmem>> -> memref<1x128xi32, #tpu.memory_space<vmem>>
    %dma_wait3A_38 = tpu.memref_squeeze %dma_wait3A_37 : memref<1x128xi32, #tpu.memory_space<vmem>> -> memref<128xi32, #tpu.memory_space<vmem>>
    %dma_wait3A_39 = arith.constant 0 : i32
    %dma_wait3A_40 = arith.constant 0 : i32
    %dma_wait3A_41 = tpu.memref_slice %arg9[%dma_wait3A_39, %dma_wait3A_40] : memref<10008x128xf32, #tpu.memory_space<vmem_shared>> -> memref<10008x128xf32, #tpu.memory_space<vmem_shared>>
    %dma_wait3A_42 = tpu.memref_slice %arg11[%dma_wait3A_31] : memref<2x!tpu.dma_semaphore, #tpu.memory_space<semaphore_mem>> -> memref<1x!tpu.dma_semaphore, #tpu.memory_space<semaphore_mem>>
    %dma_wait3A_43 = tpu.memref_squeeze %dma_wait3A_42 : memref<1x!tpu.dma_semaphore, #tpu.memory_space<semaphore_mem>> -> memref<!tpu.dma_semaphore, #tpu.memory_space<semaphore_mem>>
    tpu.wait_indirect_dma semaphore(%dma_wait3A_43 : memref<!tpu.dma_semaphore, #tpu.memory_space<semaphore_mem>>) src(%dma_wait3A_35 : memref<128x128xf32, #tpu.memory_space<vmem>>) dst(%dma_wait3A_41 : memref<10008x128xf32, #tpu.memory_space<vmem_shared>>)
    %add3A_44 = arith.constant 40 : i32
    %add3A_45 = arith.addi %mul3A_6, %add3A_44 : i32
    "tpu.region"() ({
      %run_scoped3A = tpu.sem_alloc : memref<!tpu.dma_semaphore, #tpu.memory_space<semaphore_mem>>
      %dma_start3A_93 = arith.constant 0 : i32
      %dma_start3A_94 = tpu.memref_slice %arg3[%add3A_45, %dma_start3A_93] : memref<2560x128xi32, #tpu.memory_space<hbm>> -> memref<40x128xi32, #tpu.memory_space<hbm>>
      %dma_start3A_95 = arith.constant 0 : i32
      %dma_start3A_96 = tpu.memref_slice %arg3[%add3A_45, %dma_start3A_95] : memref<2560x128xi32, #tpu.memory_space<hbm>> -> memref<40x128xi32, #tpu.memory_space<hbm>>
      tpu.enqueue_dma source(%dma_start3A_96 : memref<40x128xi32, #tpu.memory_space<hbm>>) target(%arg6 : memref<40x128xi32, #tpu.memory_space<vmem>>) target_semaphore(%run_scoped3A : memref<!tpu.dma_semaphore, #tpu.memory_space<semaphore_mem>>)
      %dma_wait3A_97 = arith.constant 0 : i32
      %dma_wait3A_98 = tpu.memref_slice %arg3[%add3A_45, %dma_wait3A_97] : memref<2560x128xi32, #tpu.memory_space<hbm>> -> memref<40x128xi32, #tpu.memory_space<hbm>>
      %dma_wait3A_99 = arith.constant 0 : i32
      %dma_wait3A_100 = tpu.memref_slice %arg3[%add3A_45, %dma_wait3A_99] : memref<2560x128xi32, #tpu.memory_space<hbm>> -> memref<40x128xi32, #tpu.memory_space<hbm>>
      tpu.wait_dma2 semaphore(%run_scoped3A : memref<!tpu.dma_semaphore, #tpu.memory_space<semaphore_mem>>) src(%dma_wait3A_100 : memref<40x128xi32, #tpu.memory_space<hbm>>) dst(%arg6 : memref<40x128xi32, #tpu.memory_space<vmem>>)
      tpu.yield
    }) : () -> ()
    %add3A_46 = arith.constant 40 : i32
    %add3A_47 = arith.addi %mul3A_6, %add3A_46 : i32
    "tpu.region"() ({
      %run_scoped3A = tpu.sem_alloc : memref<!tpu.dma_semaphore, #tpu.memory_space<semaphore_mem>>
      %dma_start3A_93 = arith.constant 0 : i32
      %dma_start3A_94 = tpu.memref_slice %arg4[%add3A_47, %dma_start3A_93] : memref<2560x128xi32, #tpu.memory_space<hbm>> -> memref<40x128xi32, #tpu.memory_space<hbm>>
      %dma_start3A_95 = arith.constant 0 : i32
      %dma_start3A_96 = tpu.memref_slice %arg4[%add3A_47, %dma_start3A_95] : memref<2560x128xi32, #tpu.memory_space<hbm>> -> memref<40x128xi32, #tpu.memory_space<hbm>>
      tpu.enqueue_dma source(%dma_start3A_96 : memref<40x128xi32, #tpu.memory_space<hbm>>) target(%arg7 : memref<40x128xi32, #tpu.memory_space<vmem>>) target_semaphore(%run_scoped3A : memref<!tpu.dma_semaphore, #tpu.memory_space<semaphore_mem>>)
      %dma_wait3A_97 = arith.constant 0 : i32
      %dma_wait3A_98 = tpu.memref_slice %arg4[%add3A_47, %dma_wait3A_97] : memref<2560x128xi32, #tpu.memory_space<hbm>> -> memref<40x128xi32, #tpu.memory_space<hbm>>
      %dma_wait3A_99 = arith.constant 0 : i32
      %dma_wait3A_100 = tpu.memref_slice %arg4[%add3A_47, %dma_wait3A_99] : memref<2560x128xi32, #tpu.memory_space<hbm>> -> memref<40x128xi32, #tpu.memory_space<hbm>>
      tpu.wait_dma2 semaphore(%run_scoped3A : memref<!tpu.dma_semaphore, #tpu.memory_space<semaphore_mem>>) src(%dma_wait3A_100 : memref<40x128xi32, #tpu.memory_space<hbm>>) dst(%arg7 : memref<40x128xi32, #tpu.memory_space<vmem>>)
      tpu.yield
    }) : () -> ()
    %dma_start3A_48 = arith.constant 0 : i32
    %dma_start3A_49 = arith.constant 0 : i32
    %dma_start3A_50 = arith.constant 0 : i32
    %dma_start3A_51 = arith.constant 0 : i32
    %dma_start3A_52 = arith.constant 0 : i32
    %dma_start3A_53 = tpu.memref_slice %arg8[%dma_start3A_49, %dma_start3A_51, %dma_start3A_52] : memref<2x128x128xf32, #tpu.memory_space<vmem>> -> memref<1x128x128xf32, #tpu.memory_space<vmem>>
    %dma_start3A_54 = tpu.memref_squeeze %dma_start3A_53 : memref<1x128x128xf32, #tpu.memory_space<vmem>> -> memref<128x128xf32, #tpu.memory_space<vmem>>
    %dma_start3A_55 = arith.constant 0 : i32
    %dma_start3A_56 = tpu.memref_slice %arg6[%dma_start3A_48, %dma_start3A_55] : memref<40x128xi32, #tpu.memory_space<vmem>> -> memref<1x128xi32, #tpu.memory_space<vmem>>
    %dma_start3A_57 = tpu.memref_squeeze %dma_start3A_56 : memref<1x128xi32, #tpu.memory_space<vmem>> -> memref<128xi32, #tpu.memory_space<vmem>>
    %dma_start3A_58 = arith.constant 0 : i32
    %dma_start3A_59 = arith.constant 0 : i32
    %dma_start3A_60 = tpu.memref_slice %arg2[%dma_start3A_58, %dma_start3A_59] : memref<10000x128xf32, #tpu.memory_space<hbm>> -> memref<10000x128xf32, #tpu.memory_space<hbm>>
    %dma_start3A_61 = tpu.memref_slice %arg10[%dma_start3A_50] : memref<2x!tpu.dma_semaphore, #tpu.memory_space<semaphore_mem>> -> memref<1x!tpu.dma_semaphore, #tpu.memory_space<semaphore_mem>>
    %dma_start3A_62 = tpu.memref_squeeze %dma_start3A_61 : memref<1x!tpu.dma_semaphore, #tpu.memory_space<semaphore_mem>> -> memref<!tpu.dma_semaphore, #tpu.memory_space<semaphore_mem>>
    tpu.enqueue_indirect_dma source(%dma_start3A_60 : memref<10000x128xf32, #tpu.memory_space<hbm>>) target(%dma_start3A_54 : memref<128x128xf32, #tpu.memory_space<vmem>>) offsets(%dma_start3A_57 : memref<128xi32, #tpu.memory_space<vmem>>) semaphore(%dma_start3A_62 : memref<!tpu.dma_semaphore, #tpu.memory_space<semaphore_mem>>)
    %scan3A_63 = arith.constant 0 : i32
    %scan3A_64 = arith.constant 0 : i32
    %scan3A_65 = arith.constant 20 : i32
    %scan3A_66 = arith.addi %scan3A_64, %scan3A_65 : i32
    %scan3A_67 = arith.constant 1 : i32
    scf.for %scan3A_93 = %scan3A_64 to %scan3A_66 step %scan3A_67  : i32 {
      %dma_wait3A_94 = arith.constant 0 : i32
      %dma_wait3A_95 = arith.constant 0 : i32
      %dma_wait3A_96 = arith.constant 0 : i32
      %dma_wait3A_97 = arith.constant 0 : i32
      %dma_wait3A_98 = arith.constant 0 : i32
      %dma_wait3A_99 = tpu.memref_slice %arg8[%dma_wait3A_95, %dma_wait3A_97, %dma_wait3A_98] : memref<2x128x128xf32, #tpu.memory_space<vmem>> -> memref<1x128x128xf32, #tpu.memory_space<vmem>>
      %dma_wait3A_100 = tpu.memref_squeeze %dma_wait3A_99 : memref<1x128x128xf32, #tpu.memory_space<vmem>> -> memref<128x128xf32, #tpu.memory_space<vmem>>
      %dma_wait3A_101 = arith.constant 0 : i32
      %dma_wait3A_102 = tpu.memref_slice %arg6[%dma_wait3A_94, %dma_wait3A_101] : memref<40x128xi32, #tpu.memory_space<vmem>> -> memref<1x128xi32, #tpu.memory_space<vmem>>
      %dma_wait3A_103 = tpu.memref_squeeze %dma_wait3A_102 : memref<1x128xi32, #tpu.memory_space<vmem>> -> memref<128xi32, #tpu.memory_space<vmem>>
      %dma_wait3A_104 = arith.constant 0 : i32
      %dma_wait3A_105 = arith.constant 0 : i32
      %dma_wait3A_106 = tpu.memref_slice %arg2[%dma_wait3A_104, %dma_wait3A_105] : memref<10000x128xf32, #tpu.memory_space<hbm>> -> memref<10000x128xf32, #tpu.memory_space<hbm>>
      %dma_wait3A_107 = tpu.memref_slice %arg10[%dma_wait3A_96] : memref<2x!tpu.dma_semaphore, #tpu.memory_space<semaphore_mem>> -> memref<1x!tpu.dma_semaphore, #tpu.memory_space<semaphore_mem>>
      %dma_wait3A_108 = tpu.memref_squeeze %dma_wait3A_107 : memref<1x!tpu.dma_semaphore, #tpu.memory_space<semaphore_mem>> -> memref<!tpu.dma_semaphore, #tpu.memory_space<semaphore_mem>>
      tpu.wait_indirect_dma semaphore(%dma_wait3A_108 : memref<!tpu.dma_semaphore, #tpu.memory_space<semaphore_mem>>) src(%dma_wait3A_106 : memref<10000x128xf32, #tpu.memory_space<hbm>>) dst(%dma_wait3A_100 : memref<128x128xf32, #tpu.memory_space<vmem>>)
      %mul3A_109 = arith.constant 2 : i32
      %mul3A_110 = arith.muli %mul3A_109, %scan3A_93 : i32
      %dma_start3A_111 = arith.constant 0 : i32
      %dma_start3A_112 = arith.constant 0 : i32
      %dma_start3A_113 = arith.constant 0 : i32
      %dma_start3A_114 = arith.constant 0 : i32
      %dma_start3A_115 = tpu.memref_slice %arg8[%dma_start3A_111, %dma_start3A_113, %dma_start3A_114] : memref<2x128x128xf32, #tpu.memory_space<vmem>> -> memref<1x128x128xf32, #tpu.memory_space<vmem>>
      %dma_start3A_116 = tpu.memref_squeeze %dma_start3A_115 : memref<1x128x128xf32, #tpu.memory_space<vmem>> -> memref<128x128xf32, #tpu.memory_space<vmem>>
      %dma_start3A_117 = arith.constant 0 : i32
      %dma_start3A_118 = tpu.memref_slice %arg7[%mul3A_110, %dma_start3A_117] : memref<40x128xi32, #tpu.memory_space<vmem>> -> memref<1x128xi32, #tpu.memory_space<vmem>>
      %dma_start3A_119 = tpu.memref_squeeze %dma_start3A_118 : memref<1x128xi32, #tpu.memory_space<vmem>> -> memref<128xi32, #tpu.memory_space<vmem>>
      %dma_start3A_120 = arith.constant 0 : i32
      %dma_start3A_121 = arith.constant 0 : i32
      %dma_start3A_122 = tpu.memref_slice %arg9[%dma_start3A_120, %dma_start3A_121] : memref<10008x128xf32, #tpu.memory_space<vmem_shared>> -> memref<10008x128xf32, #tpu.memory_space<vmem_shared>>
      %dma_start3A_123 = tpu.memref_slice %arg11[%dma_start3A_112] : memref<2x!tpu.dma_semaphore, #tpu.memory_space<semaphore_mem>> -> memref<1x!tpu.dma_semaphore, #tpu.memory_space<semaphore_mem>>
      %dma_start3A_124 = tpu.memref_squeeze %dma_start3A_123 : memref<1x!tpu.dma_semaphore, #tpu.memory_space<semaphore_mem>> -> memref<!tpu.dma_semaphore, #tpu.memory_space<semaphore_mem>>
      tpu.enqueue_indirect_dma source(%dma_start3A_116 : memref<128x128xf32, #tpu.memory_space<vmem>>) target(%dma_start3A_122 : memref<10008x128xf32, #tpu.memory_space<vmem_shared>>) offsets(%dma_start3A_119 : memref<128xi32, #tpu.memory_space<vmem>>) semaphore(%dma_start3A_124 : memref<!tpu.dma_semaphore, #tpu.memory_space<semaphore_mem>>) {add = true}
      %gt3A = arith.constant 0 : i32
      %gt3A_125 = arith.cmpi sgt, %scan3A_93, %gt3A : i32
      %convert_element_type3A_126 = arith.extui %gt3A_125 : i1 to i32
      %cond3A_127 = arith.constant 0 : i32
      %cond3A_128 = arith.cmpi ne, %convert_element_type3A_126, %cond3A_127 : i32
      scf.if %cond3A_128 {
        %dma_wait3A_199 = arith.constant 1 : i32
        %dma_wait3A_200 = arith.constant 0 : i32
        %dma_wait3A_201 = arith.constant 1 : i32
        %dma_wait3A_202 = arith.constant 0 : i32
        %dma_wait3A_203 = arith.constant 0 : i32
        %dma_wait3A_204 = tpu.memref_slice %arg8[%dma_wait3A_199, %dma_wait3A_202, %dma_wait3A_203] : memref<2x128x128xf32, #tpu.memory_space<vmem>> -> memref<1x128x128xf32, #tpu.memory_space<vmem>>
        %dma_wait3A_205 = tpu.memref_squeeze %dma_wait3A_204 : memref<1x128x128xf32, #tpu.memory_space<vmem>> -> memref<128x128xf32, #tpu.memory_space<vmem>>
        %dma_wait3A_206 = arith.constant 0 : i32
        %dma_wait3A_207 = tpu.memref_slice %arg7[%dma_wait3A_200, %dma_wait3A_206] : memref<40x128xi32, #tpu.memory_space<vmem>> -> memref<1x128xi32, #tpu.memory_space<vmem>>
        %dma_wait3A_208 = tpu.memref_squeeze %dma_wait3A_207 : memref<1x128xi32, #tpu.memory_space<vmem>> -> memref<128xi32, #tpu.memory_space<vmem>>
        %dma_wait3A_209 = arith.constant 0 : i32
        %dma_wait3A_210 = arith.constant 0 : i32
        %dma_wait3A_211 = tpu.memref_slice %arg9[%dma_wait3A_209, %dma_wait3A_210] : memref<10008x128xf32, #tpu.memory_space<vmem_shared>> -> memref<10008x128xf32, #tpu.memory_space<vmem_shared>>
        %dma_wait3A_212 = tpu.memref_slice %arg11[%dma_wait3A_201] : memref<2x!tpu.dma_semaphore, #tpu.memory_space<semaphore_mem>> -> memref<1x!tpu.dma_semaphore, #tpu.memory_space<semaphore_mem>>
        %dma_wait3A_213 = tpu.memref_squeeze %dma_wait3A_212 : memref<1x!tpu.dma_semaphore, #tpu.memory_space<semaphore_mem>> -> memref<!tpu.dma_semaphore, #tpu.memory_space<semaphore_mem>>
        tpu.wait_indirect_dma semaphore(%dma_wait3A_213 : memref<!tpu.dma_semaphore, #tpu.memory_space<semaphore_mem>>) src(%dma_wait3A_205 : memref<128x128xf32, #tpu.memory_space<vmem>>) dst(%dma_wait3A_211 : memref<10008x128xf32, #tpu.memory_space<vmem_shared>>)
      } else {
      }
      %mul3A_129 = arith.constant 2 : i32
      %mul3A_130 = arith.muli %mul3A_129, %scan3A_93 : i32
      %add3A_131 = arith.constant 1 : i32
      %add3A_132 = arith.addi %mul3A_130, %add3A_131 : i32
      %dma_start3A_133 = arith.constant 1 : i32
      %dma_start3A_134 = arith.constant 1 : i32
      %dma_start3A_135 = arith.constant 0 : i32
      %dma_start3A_136 = arith.constant 0 : i32
      %dma_start3A_137 = tpu.memref_slice %arg8[%dma_start3A_133, %dma_start3A_135, %dma_start3A_136] : memref<2x128x128xf32, #tpu.memory_space<vmem>> -> memref<1x128x128xf32, #tpu.memory_space<vmem>>
      %dma_start3A_138 = tpu.memref_squeeze %dma_start3A_137 : memref<1x128x128xf32, #tpu.memory_space<vmem>> -> memref<128x128xf32, #tpu.memory_space<vmem>>
      %dma_start3A_139 = arith.constant 0 : i32
      %dma_start3A_140 = tpu.memref_slice %arg6[%add3A_132, %dma_start3A_139] : memref<40x128xi32, #tpu.memory_space<vmem>> -> memref<1x128xi32, #tpu.memory_space<vmem>>
      %dma_start3A_141 = tpu.memref_squeeze %dma_start3A_140 : memref<1x128xi32, #tpu.memory_space<vmem>> -> memref<128xi32, #tpu.memory_space<vmem>>
      %dma_start3A_142 = arith.constant 0 : i32
      %dma_start3A_143 = arith.constant 0 : i32
      %dma_start3A_144 = tpu.memref_slice %arg2[%dma_start3A_142, %dma_start3A_143] : memref<10000x128xf32, #tpu.memory_space<hbm>> -> memref<10000x128xf32, #tpu.memory_space<hbm>>
      %dma_start3A_145 = tpu.memref_slice %arg10[%dma_start3A_134] : memref<2x!tpu.dma_semaphore, #tpu.memory_space<semaphore_mem>> -> memref<1x!tpu.dma_semaphore, #tpu.memory_space<semaphore_mem>>
      %dma_start3A_146 = tpu.memref_squeeze %dma_start3A_145 : memref<1x!tpu.dma_semaphore, #tpu.memory_space<semaphore_mem>> -> memref<!tpu.dma_semaphore, #tpu.memory_space<semaphore_mem>>
      tpu.enqueue_indirect_dma source(%dma_start3A_144 : memref<10000x128xf32, #tpu.memory_space<hbm>>) target(%dma_start3A_138 : memref<128x128xf32, #tpu.memory_space<vmem>>) offsets(%dma_start3A_141 : memref<128xi32, #tpu.memory_space<vmem>>) semaphore(%dma_start3A_146 : memref<!tpu.dma_semaphore, #tpu.memory_space<semaphore_mem>>)
      %dma_wait3A_147 = arith.constant 0 : i32
      %dma_wait3A_148 = arith.constant 0 : i32
      %dma_wait3A_149 = arith.constant 0 : i32
      %dma_wait3A_150 = arith.constant 0 : i32
      %dma_wait3A_151 = arith.constant 0 : i32
      %dma_wait3A_152 = tpu.memref_slice %arg8[%dma_wait3A_147, %dma_wait3A_150, %dma_wait3A_151] : memref<2x128x128xf32, #tpu.memory_space<vmem>> -> memref<1x128x128xf32, #tpu.memory_space<vmem>>
      %dma_wait3A_153 = tpu.memref_squeeze %dma_wait3A_152 : memref<1x128x128xf32, #tpu.memory_space<vmem>> -> memref<128x128xf32, #tpu.memory_space<vmem>>
      %dma_wait3A_154 = arith.constant 0 : i32
      %dma_wait3A_155 = tpu.memref_slice %arg7[%dma_wait3A_148, %dma_wait3A_154] : memref<40x128xi32, #tpu.memory_space<vmem>> -> memref<1x128xi32, #tpu.memory_space<vmem>>
      %dma_wait3A_156 = tpu.memref_squeeze %dma_wait3A_155 : memref<1x128xi32, #tpu.memory_space<vmem>> -> memref<128xi32, #tpu.memory_space<vmem>>
      %dma_wait3A_157 = arith.constant 0 : i32
      %dma_wait3A_158 = arith.constant 0 : i32
      %dma_wait3A_159 = tpu.memref_slice %arg9[%dma_wait3A_157, %dma_wait3A_158] : memref<10008x128xf32, #tpu.memory_space<vmem_shared>> -> memref<10008x128xf32, #tpu.memory_space<vmem_shared>>
      %dma_wait3A_160 = tpu.memref_slice %arg11[%dma_wait3A_149] : memref<2x!tpu.dma_semaphore, #tpu.memory_space<semaphore_mem>> -> memref<1x!tpu.dma_semaphore, #tpu.memory_space<semaphore_mem>>
      %dma_wait3A_161 = tpu.memref_squeeze %dma_wait3A_160 : memref<1x!tpu.dma_semaphore, #tpu.memory_space<semaphore_mem>> -> memref<!tpu.dma_semaphore, #tpu.memory_space<semaphore_mem>>
      tpu.wait_indirect_dma semaphore(%dma_wait3A_161 : memref<!tpu.dma_semaphore, #tpu.memory_space<semaphore_mem>>) src(%dma_wait3A_153 : memref<128x128xf32, #tpu.memory_space<vmem>>) dst(%dma_wait3A_159 : memref<10008x128xf32, #tpu.memory_space<vmem_shared>>)
      %lt3A = arith.constant 19 : i32
      %lt3A_162 = arith.cmpi slt, %scan3A_93, %lt3A : i32
      %convert_element_type3A_163 = arith.extui %lt3A_162 : i1 to i32
      %cond3A_164 = arith.constant 0 : i32
      %cond3A_165 = arith.cmpi ne, %convert_element_type3A_163, %cond3A_164 : i32
      scf.if %cond3A_165 {
        %mul3A_199 = arith.constant 2 : i32
        %mul3A_200 = arith.muli %mul3A_199, %scan3A_93 : i32
        %add3A_201 = arith.constant 2 : i32
        %add3A_202 = arith.addi %mul3A_200, %add3A_201 : i32
        %dma_start3A_203 = arith.constant 0 : i32
        %dma_start3A_204 = arith.constant 0 : i32
        %dma_start3A_205 = arith.constant 0 : i32
        %dma_start3A_206 = arith.constant 0 : i32
        %dma_start3A_207 = tpu.memref_slice %arg8[%dma_start3A_203, %dma_start3A_205, %dma_start3A_206] : memref<2x128x128xf32, #tpu.memory_space<vmem>> -> memref<1x128x128xf32, #tpu.memory_space<vmem>>
        %dma_start3A_208 = tpu.memref_squeeze %dma_start3A_207 : memref<1x128x128xf32, #tpu.memory_space<vmem>> -> memref<128x128xf32, #tpu.memory_space<vmem>>
        %dma_start3A_209 = arith.constant 0 : i32
        %dma_start3A_210 = tpu.memref_slice %arg6[%add3A_202, %dma_start3A_209] : memref<40x128xi32, #tpu.memory_space<vmem>> -> memref<1x128xi32, #tpu.memory_space<vmem>>
        %dma_start3A_211 = tpu.memref_squeeze %dma_start3A_210 : memref<1x128xi32, #tpu.memory_space<vmem>> -> memref<128xi32, #tpu.memory_space<vmem>>
        %dma_start3A_212 = arith.constant 0 : i32
        %dma_start3A_213 = arith.constant 0 : i32
        %dma_start3A_214 = tpu.memref_slice %arg2[%dma_start3A_212, %dma_start3A_213] : memref<10000x128xf32, #tpu.memory_space<hbm>> -> memref<10000x128xf32, #tpu.memory_space<hbm>>
        %dma_start3A_215 = tpu.memref_slice %arg10[%dma_start3A_204] : memref<2x!tpu.dma_semaphore, #tpu.memory_space<semaphore_mem>> -> memref<1x!tpu.dma_semaphore, #tpu.memory_space<semaphore_mem>>
        %dma_start3A_216 = tpu.memref_squeeze %dma_start3A_215 : memref<1x!tpu.dma_semaphore, #tpu.memory_space<semaphore_mem>> -> memref<!tpu.dma_semaphore, #tpu.memory_space<semaphore_mem>>
        tpu.enqueue_indirect_dma source(%dma_start3A_214 : memref<10000x128xf32, #tpu.memory_space<hbm>>) target(%dma_start3A_208 : memref<128x128xf32, #tpu.memory_space<vmem>>) offsets(%dma_start3A_211 : memref<128xi32, #tpu.memory_space<vmem>>) semaphore(%dma_start3A_216 : memref<!tpu.dma_semaphore, #tpu.memory_space<semaphore_mem>>)
      } else {
      }
      %dma_wait3A_166 = arith.constant 0 : i32
      %dma_wait3A_167 = arith.constant 1 : i32
      %dma_wait3A_168 = arith.constant 1 : i32
      %dma_wait3A_169 = arith.constant 0 : i32
      %dma_wait3A_170 = arith.constant 0 : i32
      %dma_wait3A_171 = tpu.memref_slice %arg8[%dma_wait3A_167, %dma_wait3A_169, %dma_wait3A_170] : memref<2x128x128xf32, #tpu.memory_space<vmem>> -> memref<1x128x128xf32, #tpu.memory_space<vmem>>
      %dma_wait3A_172 = tpu.memref_squeeze %dma_wait3A_171 : memref<1x128x128xf32, #tpu.memory_space<vmem>> -> memref<128x128xf32, #tpu.memory_space<vmem>>
      %dma_wait3A_173 = arith.constant 0 : i32
      %dma_wait3A_174 = tpu.memref_slice %arg6[%dma_wait3A_166, %dma_wait3A_173] : memref<40x128xi32, #tpu.memory_space<vmem>> -> memref<1x128xi32, #tpu.memory_space<vmem>>
      %dma_wait3A_175 = tpu.memref_squeeze %dma_wait3A_174 : memref<1x128xi32, #tpu.memory_space<vmem>> -> memref<128xi32, #tpu.memory_space<vmem>>
      %dma_wait3A_176 = arith.constant 0 : i32
      %dma_wait3A_177 = arith.constant 0 : i32
      %dma_wait3A_178 = tpu.memref_slice %arg2[%dma_wait3A_176, %dma_wait3A_177] : memref<10000x128xf32, #tpu.memory_space<hbm>> -> memref<10000x128xf32, #tpu.memory_space<hbm>>
      %dma_wait3A_179 = tpu.memref_slice %arg10[%dma_wait3A_168] : memref<2x!tpu.dma_semaphore, #tpu.memory_space<semaphore_mem>> -> memref<1x!tpu.dma_semaphore, #tpu.memory_space<semaphore_mem>>
      %dma_wait3A_180 = tpu.memref_squeeze %dma_wait3A_179 : memref<1x!tpu.dma_semaphore, #tpu.memory_space<semaphore_mem>> -> memref<!tpu.dma_semaphore, #tpu.memory_space<semaphore_mem>>
      tpu.wait_indirect_dma semaphore(%dma_wait3A_180 : memref<!tpu.dma_semaphore, #tpu.memory_space<semaphore_mem>>) src(%dma_wait3A_178 : memref<10000x128xf32, #tpu.memory_space<hbm>>) dst(%dma_wait3A_172 : memref<128x128xf32, #tpu.memory_space<vmem>>)
      %mul3A_181 = arith.constant 2 : i32
      %mul3A_182 = arith.muli %mul3A_181, %scan3A_93 : i32
      %add3A_183 = arith.constant 1 : i32
      %add3A_184 = arith.addi %mul3A_182, %add3A_183 : i32
      %dma_start3A_185 = arith.constant 1 : i32
      %dma_start3A_186 = arith.constant 1 : i32
      %dma_start3A_187 = arith.constant 0 : i32
      %dma_start3A_188 = arith.constant 0 : i32
      %dma_start3A_189 = tpu.memref_slice %arg8[%dma_start3A_185, %dma_start3A_187, %dma_start3A_188] : memref<2x128x128xf32, #tpu.memory_space<vmem>> -> memref<1x128x128xf32, #tpu.memory_space<vmem>>
      %dma_start3A_190 = tpu.memref_squeeze %dma_start3A_189 : memref<1x128x128xf32, #tpu.memory_space<vmem>> -> memref<128x128xf32, #tpu.memory_space<vmem>>
      %dma_start3A_191 = arith.constant 0 : i32
      %dma_start3A_192 = tpu.memref_slice %arg7[%add3A_184, %dma_start3A_191] : memref<40x128xi32, #tpu.memory_space<vmem>> -> memref<1x128xi32, #tpu.memory_space<vmem>>
      %dma_start3A_193 = tpu.memref_squeeze %dma_start3A_192 : memref<1x128xi32, #tpu.memory_space<vmem>> -> memref<128xi32, #tpu.memory_space<vmem>>
      %dma_start3A_194 = arith.constant 0 : i32
      %dma_start3A_195 = arith.constant 0 : i32
      %dma_start3A_196 = tpu.memref_slice %arg9[%dma_start3A_194, %dma_start3A_195] : memref<10008x128xf32, #tpu.memory_space<vmem_shared>> -> memref<10008x128xf32, #tpu.memory_space<vmem_shared>>
      %dma_start3A_197 = tpu.memref_slice %arg11[%dma_start3A_186] : memref<2x!tpu.dma_semaphore, #tpu.memory_space<semaphore_mem>> -> memref<1x!tpu.dma_semaphore, #tpu.memory_space<semaphore_mem>>
      %dma_start3A_198 = tpu.memref_squeeze %dma_start3A_197 : memref<1x!tpu.dma_semaphore, #tpu.memory_space<semaphore_mem>> -> memref<!tpu.dma_semaphore, #tpu.memory_space<semaphore_mem>>
      tpu.enqueue_indirect_dma source(%dma_start3A_190 : memref<128x128xf32, #tpu.memory_space<vmem>>) target(%dma_start3A_196 : memref<10008x128xf32, #tpu.memory_space<vmem_shared>>) offsets(%dma_start3A_193 : memref<128xi32, #tpu.memory_space<vmem>>) semaphore(%dma_start3A_198 : memref<!tpu.dma_semaphore, #tpu.memory_space<semaphore_mem>>) {add = true}
    }
    %scan3A_68 = arith.constant 20 : i32
    %dma_wait3A_69 = arith.constant 1 : i32
    %dma_wait3A_70 = arith.constant 0 : i32
    %dma_wait3A_71 = arith.constant 1 : i32
    %dma_wait3A_72 = arith.constant 0 : i32
    %dma_wait3A_73 = arith.constant 0 : i32
    %dma_wait3A_74 = tpu.memref_slice %arg8[%dma_wait3A_69, %dma_wait3A_72, %dma_wait3A_73] : memref<2x128x128xf32, #tpu.memory_space<vmem>> -> memref<1x128x128xf32, #tpu.memory_space<vmem>>
    %dma_wait3A_75 = tpu.memref_squeeze %dma_wait3A_74 : memref<1x128x128xf32, #tpu.memory_space<vmem>> -> memref<128x128xf32, #tpu.memory_space<vmem>>
    %dma_wait3A_76 = arith.constant 0 : i32
    %dma_wait3A_77 = tpu.memref_slice %arg7[%dma_wait3A_70, %dma_wait3A_76] : memref<40x128xi32, #tpu.memory_space<vmem>> -> memref<1x128xi32, #tpu.memory_space<vmem>>
    %dma_wait3A_78 = tpu.memref_squeeze %dma_wait3A_77 : memref<1x128xi32, #tpu.memory_space<vmem>> -> memref<128xi32, #tpu.memory_space<vmem>>
    %dma_wait3A_79 = arith.constant 0 : i32
    %dma_wait3A_80 = arith.constant 0 : i32
    %dma_wait3A_81 = tpu.memref_slice %arg9[%dma_wait3A_79, %dma_wait3A_80] : memref<10008x128xf32, #tpu.memory_space<vmem_shared>> -> memref<10008x128xf32, #tpu.memory_space<vmem_shared>>
    %dma_wait3A_82 = tpu.memref_slice %arg11[%dma_wait3A_71] : memref<2x!tpu.dma_semaphore, #tpu.memory_space<semaphore_mem>> -> memref<1x!tpu.dma_semaphore, #tpu.memory_space<semaphore_mem>>
    %dma_wait3A_83 = tpu.memref_squeeze %dma_wait3A_82 : memref<1x!tpu.dma_semaphore, #tpu.memory_space<semaphore_mem>> -> memref<!tpu.dma_semaphore, #tpu.memory_space<semaphore_mem>>
    tpu.wait_indirect_dma semaphore(%dma_wait3A_83 : memref<!tpu.dma_semaphore, #tpu.memory_space<semaphore_mem>>) src(%dma_wait3A_75 : memref<128x128xf32, #tpu.memory_space<vmem>>) dst(%dma_wait3A_81 : memref<10008x128xf32, #tpu.memory_space<vmem_shared>>)
    %barrier3A_84 = arith.constant 0 : index
    tpu.barrier barrier_id(%barrier3A_84)
    %mul3A_85 = arith.constant 10000 : i32
    %mul3A_86 = arith.muli %arg0, %mul3A_85 : i32
    %add3A_87 = arith.addi %mul3A_86, %mul3A_2 : i32
    "tpu.region"() ({
      %run_scoped3A = tpu.sem_alloc : memref<!tpu.dma_semaphore, #tpu.memory_space<semaphore_mem>>
      %dma_start3A_93 = arith.constant 0 : i32
      %dma_start3A_94 = tpu.memref_slice %arg5[%add3A_87, %dma_start3A_93] : memref<20000x128xf32, #tpu.memory_space<hbm>> -> memref<624x128xf32, #tpu.memory_space<hbm>>
      %dma_start3A_95 = arith.constant 0 : i32
      %dma_start3A_96 = tpu.memref_slice %arg9[%mul3A_2, %dma_start3A_95] : memref<10008x128xf32, #tpu.memory_space<vmem_shared>> -> memref<624x128xf32, #tpu.memory_space<vmem_shared>>
      tpu.enqueue_dma source(%dma_start3A_96 : memref<624x128xf32, #tpu.memory_space<vmem_shared>>) target(%dma_start3A_94 : memref<624x128xf32, #tpu.memory_space<hbm>>) target_semaphore(%run_scoped3A : memref<!tpu.dma_semaphore, #tpu.memory_space<semaphore_mem>>)
      %dma_wait3A_97 = arith.constant 0 : i32
      %dma_wait3A_98 = tpu.memref_slice %arg5[%add3A_87, %dma_wait3A_97] : memref<20000x128xf32, #tpu.memory_space<hbm>> -> memref<624x128xf32, #tpu.memory_space<hbm>>
      %dma_wait3A_99 = arith.constant 0 : i32
      %dma_wait3A_100 = tpu.memref_slice %arg9[%mul3A_2, %dma_wait3A_99] : memref<10008x128xf32, #tpu.memory_space<vmem_shared>> -> memref<624x128xf32, #tpu.memory_space<vmem_shared>>
      tpu.wait_dma2 semaphore(%run_scoped3A : memref<!tpu.dma_semaphore, #tpu.memory_space<semaphore_mem>>) src(%dma_wait3A_100 : memref<624x128xf32, #tpu.memory_space<vmem_shared>>) dst(%dma_wait3A_98 : memref<624x128xf32, #tpu.memory_space<hbm>>)
      tpu.yield
    }) : () -> ()
    %eq3A_88 = arith.constant 15 : i32
    %eq3A_89 = arith.cmpi eq, %arg1, %eq3A_88 : i32
    %convert_element_type3A_90 = arith.extui %eq3A_89 : i1 to i32
    %cond3A_91 = arith.constant 0 : i32
    %cond3A_92 = arith.cmpi ne, %convert_element_type3A_90, %cond3A_91 : i32
    scf.if %cond3A_92 {
      %mul3A_93 = arith.constant 10000 : i32
      %mul3A_94 = arith.muli %arg0, %mul3A_93 : i32
      %add3A_95 = arith.constant 9984 : i32
      %add3A_96 = arith.addi %mul3A_94, %add3A_95 : i32
      "tpu.region"() ({
        %run_scoped3A = tpu.sem_alloc : memref<!tpu.dma_semaphore, #tpu.memory_space<semaphore_mem>>
        %dma_start3A_97 = arith.constant 0 : i32
        %dma_start3A_98 = tpu.memref_slice %arg5[%add3A_96, %dma_start3A_97] : memref<20000x128xf32, #tpu.memory_space<hbm>> -> memref<16x128xf32, #tpu.memory_space<hbm>>
        %dma_start3A_99 = arith.constant 9984 : i32
        %dma_start3A_100 = arith.constant 0 : i32
        %dma_start3A_101 = tpu.memref_slice %arg9[%dma_start3A_99, %dma_start3A_100] : memref<10008x128xf32, #tpu.memory_space<vmem_shared>> -> memref<16x128xf32, #tpu.memory_space<vmem_shared>>
        tpu.enqueue_dma source(%dma_start3A_101 : memref<16x128xf32, #tpu.memory_space<vmem_shared>>) target(%dma_start3A_98 : memref<16x128xf32, #tpu.memory_space<hbm>>) target_semaphore(%run_scoped3A : memref<!tpu.dma_semaphore, #tpu.memory_space<semaphore_mem>>)
        %dma_wait3A_102 = arith.constant 0 : i32
        %dma_wait3A_103 = tpu.memref_slice %arg5[%add3A_96, %dma_wait3A_102] : memref<20000x128xf32, #tpu.memory_space<hbm>> -> memref<16x128xf32, #tpu.memory_space<hbm>>
        %dma_wait3A_104 = arith.constant 9984 : i32
        %dma_wait3A_105 = arith.constant 0 : i32
        %dma_wait3A_106 = tpu.memref_slice %arg9[%dma_wait3A_104, %dma_wait3A_105] : memref<10008x128xf32, #tpu.memory_space<vmem_shared>> -> memref<16x128xf32, #tpu.memory_space<vmem_shared>>
        tpu.wait_dma2 semaphore(%run_scoped3A : memref<!tpu.dma_semaphore, #tpu.memory_space<semaphore_mem>>) src(%dma_wait3A_106 : memref<16x128xf32, #tpu.memory_space<vmem_shared>>) dst(%dma_wait3A_103 : memref<16x128xf32, #tpu.memory_space<hbm>>)
        tpu.yield
      }) : () -> ()
    } else {
    }
    return
  }
}

module attributes {stable_mosaic.version = 14 : i64} {
  func.func @_enc_body(%arg0: memref<10000x128xf32, #tpu.memory_space<vmem>>, %arg1: memref<128x128xf32, #tpu.memory_space<vmem>>, %arg2: memref<1x128xf32, #tpu.memory_space<vmem>>, %arg3: memref<10000x128xf32, #tpu.memory_space<vmem>>) attributes {dimension_semantics = [], scalar_prefetch = 0 : i64, scratch_operands = 0 : i64, tpu.core_type = #tpu.core_type<tc>} {
    %get3A = arith.constant 0 : index
    %get3A_0 = arith.constant 0 : index
    %get3A_1 = vector.load %arg0[%get3A, %get3A_0] : memref<10000x128xf32, #tpu.memory_space<vmem>>, vector<10000x128xf32>
    %get3A_2 = arith.constant 0 : index
    %get3A_3 = arith.constant 0 : index
    %get3A_4 = vector.load %arg1[%get3A_2, %get3A_3] : memref<128x128xf32, #tpu.memory_space<vmem>>, vector<128x128xf32>
    %dot_general3A = arith.constant dense<0.000000e+00> : vector<10000x128xf32>
    %dot_general3A_5 = tpu.matmul %get3A_1, %get3A_4, %dot_general3A {dimension_numbers = #tpu.dot_dimension_numbers<[1], [0], [0], [1], [0, 0, 1, 1], [], []>, transpose_lhs_hint = false} : vector<10000x128xf32>, vector<128x128xf32>, vector<10000x128xf32> -> vector<10000x128xf32>
    %get3A_6 = arith.constant 0 : index
    %get3A_7 = arith.constant 0 : index
    %get3A_8 = vector.load %arg2[%get3A_6, %get3A_7] : memref<1x128xf32, #tpu.memory_space<vmem>>, vector<1x128xf32>
    %add3A = vector.broadcast %get3A_8 : vector<1x128xf32> to vector<10000x128xf32>
    %add3A_9 = arith.addf %dot_general3A_5, %add3A : vector<10000x128xf32>
    %swap3A = arith.constant 0 : index
    %swap3A_10 = arith.constant 0 : index
    %swap3A_11 = vector.load %arg3[%swap3A, %swap3A_10] : memref<10000x128xf32, #tpu.memory_space<vmem>>, vector<10000x128xf32>
    tpu.vector_store %arg3[%swap3A, %swap3A_10], %add3A_9 {strides = array<i32>} : memref<10000x128xf32, #tpu.memory_space<vmem>>, vector<10000x128xf32>,
    return
  }
}

module attributes {stable_mosaic.version = 14 : i64} {
  func.func @_mlp_body(%arg0: memref<20000x128xf32, #tpu.memory_space<vmem>>, %arg1: memref<10000x128xf32, #tpu.memory_space<vmem>>, %arg2: memref<128x256xf32, #tpu.memory_space<vmem>>, %arg3: memref<1x256xf32, #tpu.memory_space<vmem>>, %arg4: memref<1x256xf32, #tpu.memory_space<vmem>>, %arg5: memref<1x256xf32, #tpu.memory_space<vmem>>, %arg6: memref<256x128xf32, #tpu.memory_space<vmem>>, %arg7: memref<1x128xf32, #tpu.memory_space<vmem>>, %arg8: memref<1x128xf32, #tpu.memory_space<vmem>>, %arg9: memref<1x128xf32, #tpu.memory_space<vmem>>, %arg10: memref<10000x128xf32, #tpu.memory_space<vmem>>) attributes {dimension_semantics = [], scalar_prefetch = 0 : i64, scratch_operands = 0 : i64, tpu.core_type = #tpu.core_type<tc>} {
    %get3A = arith.constant 0 : index
    %get3A_0 = arith.constant 0 : index
    %get3A_1 = vector.load %arg0[%get3A, %get3A_0] : memref<20000x128xf32, #tpu.memory_space<vmem>>, vector<10000x128xf32>
    %get3A_2 = arith.constant 10000 : index
    %get3A_3 = arith.constant 0 : index
    %get3A_4 = vector.load %arg0[%get3A_2, %get3A_3] : memref<20000x128xf32, #tpu.memory_space<vmem>>, vector<10000x128xf32>
    %add3A = arith.addf %get3A_1, %get3A_4 : vector<10000x128xf32>
    %get3A_5 = arith.constant 0 : index
    %get3A_6 = arith.constant 0 : index
    %get3A_7 = vector.load %arg1[%get3A_5, %get3A_6] : memref<10000x128xf32, #tpu.memory_space<vmem>>, vector<10000x128xf32>
    %sub3A = arith.subf %add3A, %get3A_7 : vector<10000x128xf32>
    %get3A_8 = arith.constant 0 : index
    %get3A_9 = arith.constant 0 : index
    %get3A_10 = vector.load %arg2[%get3A_8, %get3A_9] : memref<128x256xf32, #tpu.memory_space<vmem>>, vector<128x256xf32>
    %dot_general3A = arith.constant dense<0.000000e+00> : vector<10000x256xf32>
    %dot_general3A_11 = tpu.matmul %sub3A, %get3A_10, %dot_general3A {dimension_numbers = #tpu.dot_dimension_numbers<[1], [0], [0], [1], [0, 0, 1, 1], [], []>, transpose_lhs_hint = false} : vector<10000x128xf32>, vector<128x256xf32>, vector<10000x256xf32> -> vector<10000x256xf32>
    %get3A_12 = arith.constant 0 : index
    %get3A_13 = arith.constant 0 : index
    %get3A_14 = vector.load %arg3[%get3A_12, %get3A_13] : memref<1x256xf32, #tpu.memory_space<vmem>>, vector<1x256xf32>
    %add3A_15 = vector.broadcast %get3A_14 : vector<1x256xf32> to vector<10000x256xf32>
    %add3A_16 = arith.addf %dot_general3A_11, %add3A_15 : vector<10000x256xf32>
    %get3A_17 = arith.constant 0 : index
    %get3A_18 = arith.constant 0 : index
    %get3A_19 = vector.load %arg4[%get3A_17, %get3A_18] : memref<1x256xf32, #tpu.memory_space<vmem>>, vector<1x256xf32>
    %get3A_20 = arith.constant 0 : index
    %get3A_21 = arith.constant 0 : index
    %get3A_22 = vector.load %arg5[%get3A_20, %get3A_21] : memref<1x256xf32, #tpu.memory_space<vmem>>, vector<1x256xf32>
    %reduce_sum3A = arith.constant dense<0.000000e+00> : vector<256xf32>
    %reduce_sum3A_23 = vector.multi_reduction <add>, %add3A_16, %reduce_sum3A [0] : vector<10000x256xf32> to vector<256xf32>
    %div3A = arith.constant 1.000000e+04 : f32
    %div3A_24 = vector.broadcast %div3A : f32 to vector<256xf32>
    %div3A_25 = arith.divf %reduce_sum3A_23, %div3A_24 : vector<256xf32>
    %jit3A = arith.constant 0 : i32
    %reduce_sum3A_26 = arith.constant dense<0.000000e+00> : vector<256xf32>
    %reduce_sum3A_27 = vector.multi_reduction <add>, %add3A_16, %reduce_sum3A_26 [0] : vector<10000x256xf32> to vector<256xf32>
    %broadcast_in_dim3A = vector.shape_cast %reduce_sum3A_27 : vector<256xf32> to vector<1x256xf32>
    %div3A_28 = arith.constant 1.000000e+04 : f32
    %div3A_29 = vector.broadcast %div3A_28 : f32 to vector<1x256xf32>
    %div3A_30 = arith.divf %broadcast_in_dim3A, %div3A_29 : vector<1x256xf32>
    %sub3A_31 = vector.broadcast %div3A_30 : vector<1x256xf32> to vector<10000x256xf32>
    %sub3A_32 = arith.subf %add3A_16, %sub3A_31 : vector<10000x256xf32>
    %square3A = arith.mulf %sub3A_32, %sub3A_32 : vector<10000x256xf32>
    %convert_element_type3A = arith.sitofp %jit3A : i32 to f32
    %sub3A_33 = arith.constant 1.000000e+04 : f32
    %sub3A_34 = arith.subf %sub3A_33, %convert_element_type3A : f32
    %reduce_sum3A_35 = arith.constant dense<0.000000e+00> : vector<256xf32>
    %reduce_sum3A_36 = vector.multi_reduction <add>, %square3A, %reduce_sum3A_35 [0] : vector<10000x256xf32> to vector<256xf32>
    %div3A_37 = vector.broadcast %sub3A_34 : f32 to vector<256xf32>
    %div3A_38 = arith.divf %reduce_sum3A_36, %div3A_37 : vector<256xf32>
    %gt3A = arith.constant 0.000000e+00 : f32
    %gt3A_39 = arith.cmpf ogt, %sub3A_34, %gt3A : f32
    %jit3A_40 = arith.constant 0x7FC00000 : f32
    %broadcast_in_dim3A_41 = vector.broadcast %jit3A_40 : f32 to vector<256xf32>
    %select_n3A = arith.select %gt3A_39, %div3A_38, %broadcast_in_dim3A_41 : vector<256xf32>
    %broadcast_in_dim3A_42 = vector.shape_cast %div3A_25 : vector<256xf32> to vector<1x256xf32>
    %sub3A_43 = vector.broadcast %broadcast_in_dim3A_42 : vector<1x256xf32> to vector<10000x256xf32>
    %sub3A_44 = arith.subf %add3A_16, %sub3A_43 : vector<10000x256xf32>
    %mul3A = vector.broadcast %get3A_19 : vector<1x256xf32> to vector<10000x256xf32>
    %mul3A_45 = arith.mulf %mul3A, %sub3A_44 : vector<10000x256xf32>
    %add3A_46 = arith.constant 9.99999974E-6 : f32
    %add3A_47 = vector.broadcast %add3A_46 : f32 to vector<256xf32>
    %add3A_48 = arith.addf %select_n3A, %add3A_47 : vector<256xf32>
    %sqrt3A = math.sqrt %add3A_48 : vector<256xf32>
    %broadcast_in_dim3A_49 = vector.shape_cast %sqrt3A : vector<256xf32> to vector<1x256xf32>
    %div3A_50 = vector.broadcast %broadcast_in_dim3A_49 : vector<1x256xf32> to vector<10000x256xf32>
    %div3A_51 = arith.divf %mul3A_45, %div3A_50 : vector<10000x256xf32>
    %add3A_52 = vector.broadcast %get3A_22 : vector<1x256xf32> to vector<10000x256xf32>
    %add3A_53 = arith.addf %div3A_51, %add3A_52 : vector<10000x256xf32>
    %max3A = arith.constant 0.000000e+00 : f32
    %max3A_54 = vector.broadcast %max3A : f32 to vector<10000x256xf32>
    %max3A_55 = arith.maximumf %add3A_53, %max3A_54 : vector<10000x256xf32>
    %get3A_56 = arith.constant 0 : index
    %get3A_57 = arith.constant 0 : index
    %get3A_58 = vector.load %arg6[%get3A_56, %get3A_57] : memref<256x128xf32, #tpu.memory_space<vmem>>, vector<256x128xf32>
    %dot_general3A_59 = arith.constant dense<0.000000e+00> : vector<10000x128xf32>
    %dot_general3A_60 = tpu.matmul %max3A_55, %get3A_58, %dot_general3A_59 {dimension_numbers = #tpu.dot_dimension_numbers<[1], [0], [0], [1], [0, 0, 1, 1], [], []>, transpose_lhs_hint = false} : vector<10000x256xf32>, vector<256x128xf32>, vector<10000x128xf32> -> vector<10000x128xf32>
    %get3A_61 = arith.constant 0 : index
    %get3A_62 = arith.constant 0 : index
    %get3A_63 = vector.load %arg7[%get3A_61, %get3A_62] : memref<1x128xf32, #tpu.memory_space<vmem>>, vector<1x128xf32>
    %add3A_64 = vector.broadcast %get3A_63 : vector<1x128xf32> to vector<10000x128xf32>
    %add3A_65 = arith.addf %dot_general3A_60, %add3A_64 : vector<10000x128xf32>
    %get3A_66 = arith.constant 0 : index
    %get3A_67 = arith.constant 0 : index
    %get3A_68 = vector.load %arg8[%get3A_66, %get3A_67] : memref<1x128xf32, #tpu.memory_space<vmem>>, vector<1x128xf32>
    %get3A_69 = arith.constant 0 : index
    %get3A_70 = arith.constant 0 : index
    %get3A_71 = vector.load %arg9[%get3A_69, %get3A_70] : memref<1x128xf32, #tpu.memory_space<vmem>>, vector<1x128xf32>
    %reduce_sum3A_72 = arith.constant dense<0.000000e+00> : vector<128xf32>
    %reduce_sum3A_73 = vector.multi_reduction <add>, %add3A_65, %reduce_sum3A_72 [0] : vector<10000x128xf32> to vector<128xf32>
    %div3A_74 = arith.constant 1.000000e+04 : f32
    %div3A_75 = vector.broadcast %div3A_74 : f32 to vector<128xf32>
    %div3A_76 = arith.divf %reduce_sum3A_73, %div3A_75 : vector<128xf32>
    %jit3A_77 = arith.constant 0 : i32
    %reduce_sum3A_78 = arith.constant dense<0.000000e+00> : vector<128xf32>
    %reduce_sum3A_79 = vector.multi_reduction <add>, %add3A_65, %reduce_sum3A_78 [0] : vector<10000x128xf32> to vector<128xf32>
    %broadcast_in_dim3A_80 = vector.shape_cast %reduce_sum3A_79 : vector<128xf32> to vector<1x128xf32>
    %div3A_81 = arith.constant 1.000000e+04 : f32
    %div3A_82 = vector.broadcast %div3A_81 : f32 to vector<1x128xf32>
    %div3A_83 = arith.divf %broadcast_in_dim3A_80, %div3A_82 : vector<1x128xf32>
    %sub3A_84 = vector.broadcast %div3A_83 : vector<1x128xf32> to vector<10000x128xf32>
    %sub3A_85 = arith.subf %add3A_65, %sub3A_84 : vector<10000x128xf32>
    %square3A_86 = arith.mulf %sub3A_85, %sub3A_85 : vector<10000x128xf32>
    %convert_element_type3A_87 = arith.sitofp %jit3A_77 : i32 to f32
    %sub3A_88 = arith.constant 1.000000e+04 : f32
    %sub3A_89 = arith.subf %sub3A_88, %convert_element_type3A_87 : f32
    %reduce_sum3A_90 = arith.constant dense<0.000000e+00> : vector<128xf32>
    %reduce_sum3A_91 = vector.multi_reduction <add>, %square3A_86, %reduce_sum3A_90 [0] : vector<10000x128xf32> to vector<128xf32>
    %div3A_92 = vector.broadcast %sub3A_89 : f32 to vector<128xf32>
    %div3A_93 = arith.divf %reduce_sum3A_91, %div3A_92 : vector<128xf32>
    %gt3A_94 = arith.constant 0.000000e+00 : f32
    %gt3A_95 = arith.cmpf ogt, %sub3A_89, %gt3A_94 : f32
    %jit3A_96 = arith.constant 0x7FC00000 : f32
    %broadcast_in_dim3A_97 = vector.broadcast %jit3A_96 : f32 to vector<128xf32>
    %select_n3A_98 = arith.select %gt3A_95, %div3A_93, %broadcast_in_dim3A_97 : vector<128xf32>
    %broadcast_in_dim3A_99 = vector.shape_cast %div3A_76 : vector<128xf32> to vector<1x128xf32>
    %sub3A_100 = vector.broadcast %broadcast_in_dim3A_99 : vector<1x128xf32> to vector<10000x128xf32>
    %sub3A_101 = arith.subf %add3A_65, %sub3A_100 : vector<10000x128xf32>
    %mul3A_102 = vector.broadcast %get3A_68 : vector<1x128xf32> to vector<10000x128xf32>
    %mul3A_103 = arith.mulf %mul3A_102, %sub3A_101 : vector<10000x128xf32>
    %add3A_104 = arith.constant 9.99999974E-6 : f32
    %add3A_105 = vector.broadcast %add3A_104 : f32 to vector<128xf32>
    %add3A_106 = arith.addf %select_n3A_98, %add3A_105 : vector<128xf32>
    %sqrt3A_107 = math.sqrt %add3A_106 : vector<128xf32>
    %broadcast_in_dim3A_108 = vector.shape_cast %sqrt3A_107 : vector<128xf32> to vector<1x128xf32>
    %div3A_109 = vector.broadcast %broadcast_in_dim3A_108 : vector<1x128xf32> to vector<10000x128xf32>
    %div3A_110 = arith.divf %mul3A_103, %div3A_109 : vector<10000x128xf32>
    %add3A_111 = vector.broadcast %get3A_71 : vector<1x128xf32> to vector<10000x128xf32>
    %add3A_112 = arith.addf %div3A_110, %add3A_111 : vector<10000x128xf32>
    %max3A_113 = arith.constant 0.000000e+00 : f32
    %max3A_114 = vector.broadcast %max3A_113 : f32 to vector<10000x128xf32>
    %max3A_115 = arith.maximumf %add3A_112, %max3A_114 : vector<10000x128xf32>
    %swap3A = arith.constant 0 : index
    %swap3A_116 = arith.constant 0 : index
    %swap3A_117 = vector.load %arg10[%swap3A, %swap3A_116] : memref<10000x128xf32, #tpu.memory_space<vmem>>, vector<10000x128xf32>
    tpu.vector_store %arg10[%swap3A, %swap3A_116], %max3A_115 {strides = array<i32>} : memref<10000x128xf32, #tpu.memory_space<vmem>>, vector<10000x128xf32>,
    return
  }
}

module attributes {stable_mosaic.version = 14 : i64} {
  func.func @_mlp3_body(%arg0: memref<20000x128xf32, #tpu.memory_space<vmem>>, %arg1: memref<10000x128xf32, #tpu.memory_space<vmem>>, %arg2: memref<128x256xf32, #tpu.memory_space<vmem>>, %arg3: memref<1x256xf32, #tpu.memory_space<vmem>>, %arg4: memref<1x256xf32, #tpu.memory_space<vmem>>, %arg5: memref<1x256xf32, #tpu.memory_space<vmem>>, %arg6: memref<256x128xf32, #tpu.memory_space<vmem>>, %arg7: memref<1x128xf32, #tpu.memory_space<vmem>>, %arg8: memref<1x128xf32, #tpu.memory_space<vmem>>, %arg9: memref<1x128xf32, #tpu.memory_space<vmem>>, %arg10: memref<1x10000xi32, #tpu.memory_space<vmem>>, %arg11: memref<128x128xf32, #tpu.memory_space<vmem>>, %arg12: memref<1x128xf32, #tpu.memory_space<vmem>>, %arg13: memref<128x40xf32, #tpu.memory_space<vmem>>, %arg14: memref<1x40xf32, #tpu.memory_space<vmem>>, %arg15: memref<64x40xf32, #tpu.memory_space<vmem>>) attributes {dimension_semantics = [], scalar_prefetch = 0 : i64, scratch_operands = 0 : i64, tpu.core_type = #tpu.core_type<tc>} {
    %get3A = arith.constant 0 : index
    %get3A_0 = arith.constant 0 : index
    %get3A_1 = vector.load %arg0[%get3A, %get3A_0] : memref<20000x128xf32, #tpu.memory_space<vmem>>, vector<10000x128xf32>
    %get3A_2 = arith.constant 10000 : index
    %get3A_3 = arith.constant 0 : index
    %get3A_4 = vector.load %arg0[%get3A_2, %get3A_3] : memref<20000x128xf32, #tpu.memory_space<vmem>>, vector<10000x128xf32>
    %add3A = arith.addf %get3A_1, %get3A_4 : vector<10000x128xf32>
    %get3A_5 = arith.constant 0 : index
    %get3A_6 = arith.constant 0 : index
    %get3A_7 = vector.load %arg1[%get3A_5, %get3A_6] : memref<10000x128xf32, #tpu.memory_space<vmem>>, vector<10000x128xf32>
    %sub3A = arith.subf %add3A, %get3A_7 : vector<10000x128xf32>
    %get3A_8 = arith.constant 0 : index
    %get3A_9 = arith.constant 0 : index
    %get3A_10 = vector.load %arg2[%get3A_8, %get3A_9] : memref<128x256xf32, #tpu.memory_space<vmem>>, vector<128x256xf32>
    %dot_general3A = arith.constant dense<0.000000e+00> : vector<10000x256xf32>
    %dot_general3A_11 = tpu.matmul %sub3A, %get3A_10, %dot_general3A {dimension_numbers = #tpu.dot_dimension_numbers<[1], [0], [0], [1], [0, 0, 1, 1], [], []>, transpose_lhs_hint = false} : vector<10000x128xf32>, vector<128x256xf32>, vector<10000x256xf32> -> vector<10000x256xf32>
    %get3A_12 = arith.constant 0 : index
    %get3A_13 = arith.constant 0 : index
    %get3A_14 = vector.load %arg3[%get3A_12, %get3A_13] : memref<1x256xf32, #tpu.memory_space<vmem>>, vector<1x256xf32>
    %add3A_15 = vector.broadcast %get3A_14 : vector<1x256xf32> to vector<10000x256xf32>
    %add3A_16 = arith.addf %dot_general3A_11, %add3A_15 : vector<10000x256xf32>
    %get3A_17 = arith.constant 0 : index
    %get3A_18 = arith.constant 0 : index
    %get3A_19 = vector.load %arg4[%get3A_17, %get3A_18] : memref<1x256xf32, #tpu.memory_space<vmem>>, vector<1x256xf32>
    %get3A_20 = arith.constant 0 : index
    %get3A_21 = arith.constant 0 : index
    %get3A_22 = vector.load %arg5[%get3A_20, %get3A_21] : memref<1x256xf32, #tpu.memory_space<vmem>>, vector<1x256xf32>
    %reduce_sum3A = arith.constant dense<0.000000e+00> : vector<256xf32>
    %reduce_sum3A_23 = vector.multi_reduction <add>, %add3A_16, %reduce_sum3A [0] : vector<10000x256xf32> to vector<256xf32>
    %div3A = arith.constant 1.000000e+04 : f32
    %div3A_24 = vector.broadcast %div3A : f32 to vector<256xf32>
    %div3A_25 = arith.divf %reduce_sum3A_23, %div3A_24 : vector<256xf32>
    %jit3A = arith.constant 0 : i32
    %reduce_sum3A_26 = arith.constant dense<0.000000e+00> : vector<256xf32>
    %reduce_sum3A_27 = vector.multi_reduction <add>, %add3A_16, %reduce_sum3A_26 [0] : vector<10000x256xf32> to vector<256xf32>
    %broadcast_in_dim3A = vector.shape_cast %reduce_sum3A_27 : vector<256xf32> to vector<1x256xf32>
    %div3A_28 = arith.constant 1.000000e+04 : f32
    %div3A_29 = vector.broadcast %div3A_28 : f32 to vector<1x256xf32>
    %div3A_30 = arith.divf %broadcast_in_dim3A, %div3A_29 : vector<1x256xf32>
    %sub3A_31 = vector.broadcast %div3A_30 : vector<1x256xf32> to vector<10000x256xf32>
    %sub3A_32 = arith.subf %add3A_16, %sub3A_31 : vector<10000x256xf32>
    %square3A = arith.mulf %sub3A_32, %sub3A_32 : vector<10000x256xf32>
    %convert_element_type3A = arith.sitofp %jit3A : i32 to f32
    %sub3A_33 = arith.constant 1.000000e+04 : f32
    %sub3A_34 = arith.subf %sub3A_33, %convert_element_type3A : f32
    %reduce_sum3A_35 = arith.constant dense<0.000000e+00> : vector<256xf32>
    %reduce_sum3A_36 = vector.multi_reduction <add>, %square3A, %reduce_sum3A_35 [0] : vector<10000x256xf32> to vector<256xf32>
    %div3A_37 = vector.broadcast %sub3A_34 : f32 to vector<256xf32>
    %div3A_38 = arith.divf %reduce_sum3A_36, %div3A_37 : vector<256xf32>
    %gt3A = arith.constant 0.000000e+00 : f32
    %gt3A_39 = arith.cmpf ogt, %sub3A_34, %gt3A : f32
    %jit3A_40 = arith.constant 0x7FC00000 : f32
    %broadcast_in_dim3A_41 = vector.broadcast %jit3A_40 : f32 to vector<256xf32>
    %select_n3A = arith.select %gt3A_39, %div3A_38, %broadcast_in_dim3A_41 : vector<256xf32>
    %broadcast_in_dim3A_42 = vector.shape_cast %div3A_25 : vector<256xf32> to vector<1x256xf32>
    %sub3A_43 = vector.broadcast %broadcast_in_dim3A_42 : vector<1x256xf32> to vector<10000x256xf32>
    %sub3A_44 = arith.subf %add3A_16, %sub3A_43 : vector<10000x256xf32>
    %mul3A = vector.broadcast %get3A_19 : vector<1x256xf32> to vector<10000x256xf32>
    %mul3A_45 = arith.mulf %mul3A, %sub3A_44 : vector<10000x256xf32>
    %add3A_46 = arith.constant 9.99999974E-6 : f32
    %add3A_47 = vector.broadcast %add3A_46 : f32 to vector<256xf32>
    %add3A_48 = arith.addf %select_n3A, %add3A_47 : vector<256xf32>
    %sqrt3A = math.sqrt %add3A_48 : vector<256xf32>
    %broadcast_in_dim3A_49 = vector.shape_cast %sqrt3A : vector<256xf32> to vector<1x256xf32>
    %div3A_50 = vector.broadcast %broadcast_in_dim3A_49 : vector<1x256xf32> to vector<10000x256xf32>
    %div3A_51 = arith.divf %mul3A_45, %div3A_50 : vector<10000x256xf32>
    %add3A_52 = vector.broadcast %get3A_22 : vector<1x256xf32> to vector<10000x256xf32>
    %add3A_53 = arith.addf %div3A_51, %add3A_52 : vector<10000x256xf32>
    %max3A = arith.constant 0.000000e+00 : f32
    %max3A_54 = vector.broadcast %max3A : f32 to vector<10000x256xf32>
    %max3A_55 = arith.maximumf %add3A_53, %max3A_54 : vector<10000x256xf32>
    %get3A_56 = arith.constant 0 : index
    %get3A_57 = arith.constant 0 : index
    %get3A_58 = vector.load %arg6[%get3A_56, %get3A_57] : memref<256x128xf32, #tpu.memory_space<vmem>>, vector<256x128xf32>
    %dot_general3A_59 = arith.constant dense<0.000000e+00> : vector<10000x128xf32>
    %dot_general3A_60 = tpu.matmul %max3A_55, %get3A_58, %dot_general3A_59 {dimension_numbers = #tpu.dot_dimension_numbers<[1], [0], [0], [1], [0, 0, 1, 1], [], []>, transpose_lhs_hint = false} : vector<10000x256xf32>, vector<256x128xf32>, vector<10000x128xf32> -> vector<10000x128xf32>
    %get3A_61 = arith.constant 0 : index
    %get3A_62 = arith.constant 0 : index
    %get3A_63 = vector.load %arg7[%get3A_61, %get3A_62] : memref<1x128xf32, #tpu.memory_space<vmem>>, vector<1x128xf32>
    %add3A_64 = vector.broadcast %get3A_63 : vector<1x128xf32> to vector<10000x128xf32>
    %add3A_65 = arith.addf %dot_general3A_60, %add3A_64 : vector<10000x128xf32>
    %get3A_66 = arith.constant 0 : index
    %get3A_67 = arith.constant 0 : index
    %get3A_68 = vector.load %arg8[%get3A_66, %get3A_67] : memref<1x128xf32, #tpu.memory_space<vmem>>, vector<1x128xf32>
    %get3A_69 = arith.constant 0 : index
    %get3A_70 = arith.constant 0 : index
    %get3A_71 = vector.load %arg9[%get3A_69, %get3A_70] : memref<1x128xf32, #tpu.memory_space<vmem>>, vector<1x128xf32>
    %reduce_sum3A_72 = arith.constant dense<0.000000e+00> : vector<128xf32>
    %reduce_sum3A_73 = vector.multi_reduction <add>, %add3A_65, %reduce_sum3A_72 [0] : vector<10000x128xf32> to vector<128xf32>
    %div3A_74 = arith.constant 1.000000e+04 : f32
    %div3A_75 = vector.broadcast %div3A_74 : f32 to vector<128xf32>
    %div3A_76 = arith.divf %reduce_sum3A_73, %div3A_75 : vector<128xf32>
    %jit3A_77 = arith.constant 0 : i32
    %reduce_sum3A_78 = arith.constant dense<0.000000e+00> : vector<128xf32>
    %reduce_sum3A_79 = vector.multi_reduction <add>, %add3A_65, %reduce_sum3A_78 [0] : vector<10000x128xf32> to vector<128xf32>
    %broadcast_in_dim3A_80 = vector.shape_cast %reduce_sum3A_79 : vector<128xf32> to vector<1x128xf32>
    %div3A_81 = arith.constant 1.000000e+04 : f32
    %div3A_82 = vector.broadcast %div3A_81 : f32 to vector<1x128xf32>
    %div3A_83 = arith.divf %broadcast_in_dim3A_80, %div3A_82 : vector<1x128xf32>
    %sub3A_84 = vector.broadcast %div3A_83 : vector<1x128xf32> to vector<10000x128xf32>
    %sub3A_85 = arith.subf %add3A_65, %sub3A_84 : vector<10000x128xf32>
    %square3A_86 = arith.mulf %sub3A_85, %sub3A_85 : vector<10000x128xf32>
    %convert_element_type3A_87 = arith.sitofp %jit3A_77 : i32 to f32
    %sub3A_88 = arith.constant 1.000000e+04 : f32
    %sub3A_89 = arith.subf %sub3A_88, %convert_element_type3A_87 : f32
    %reduce_sum3A_90 = arith.constant dense<0.000000e+00> : vector<128xf32>
    %reduce_sum3A_91 = vector.multi_reduction <add>, %square3A_86, %reduce_sum3A_90 [0] : vector<10000x128xf32> to vector<128xf32>
    %div3A_92 = vector.broadcast %sub3A_89 : f32 to vector<128xf32>
    %div3A_93 = arith.divf %reduce_sum3A_91, %div3A_92 : vector<128xf32>
    %gt3A_94 = arith.constant 0.000000e+00 : f32
    %gt3A_95 = arith.cmpf ogt, %sub3A_89, %gt3A_94 : f32
    %jit3A_96 = arith.constant 0x7FC00000 : f32
    %broadcast_in_dim3A_97 = vector.broadcast %jit3A_96 : f32 to vector<128xf32>
    %select_n3A_98 = arith.select %gt3A_95, %div3A_93, %broadcast_in_dim3A_97 : vector<128xf32>
    %broadcast_in_dim3A_99 = vector.shape_cast %div3A_76 : vector<128xf32> to vector<1x128xf32>
    %sub3A_100 = vector.broadcast %broadcast_in_dim3A_99 : vector<1x128xf32> to vector<10000x128xf32>
    %sub3A_101 = arith.subf %add3A_65, %sub3A_100 : vector<10000x128xf32>
    %mul3A_102 = vector.broadcast %get3A_68 : vector<1x128xf32> to vector<10000x128xf32>
    %mul3A_103 = arith.mulf %mul3A_102, %sub3A_101 : vector<10000x128xf32>
    %add3A_104 = arith.constant 9.99999974E-6 : f32
    %add3A_105 = vector.broadcast %add3A_104 : f32 to vector<128xf32>
    %add3A_106 = arith.addf %select_n3A_98, %add3A_105 : vector<128xf32>
    %sqrt3A_107 = math.sqrt %add3A_106 : vector<128xf32>
    %broadcast_in_dim3A_108 = vector.shape_cast %sqrt3A_107 : vector<128xf32> to vector<1x128xf32>
    %div3A_109 = vector.broadcast %broadcast_in_dim3A_108 : vector<1x128xf32> to vector<10000x128xf32>
    %div3A_110 = arith.divf %mul3A_103, %div3A_109 : vector<10000x128xf32>
    %add3A_111 = vector.broadcast %get3A_71 : vector<1x128xf32> to vector<10000x128xf32>
    %add3A_112 = arith.addf %div3A_110, %add3A_111 : vector<10000x128xf32>
    %max3A_113 = arith.constant 0.000000e+00 : f32
    %max3A_114 = vector.broadcast %max3A_113 : f32 to vector<10000x128xf32>
    %max3A_115 = arith.maximumf %add3A_112, %max3A_114 : vector<10000x128xf32>
    %iota3A = tpu.iota {dimensions = array<i32: 0>} : vector<64x1xi32>
    %get3A_116 = arith.constant 0 : index
    %get3A_117 = arith.constant 0 : index
    %get3A_118 = vector.load %arg10[%get3A_116, %get3A_117] : memref<1x10000xi32, #tpu.memory_space<vmem>>, vector<1x10000xi32>
    %eq3A = vector.broadcast %iota3A : vector<64x1xi32> to vector<64x10000xi32>
    %eq3A_119 = vector.broadcast %get3A_118 : vector<1x10000xi32> to vector<64x10000xi32>
    %eq3A_120 = arith.cmpi eq, %eq3A, %eq3A_119 : vector<64x10000xi32>
    %convert_element_type3A_121 = arith.extui %eq3A_120 : vector<64x10000xi1> to vector<64x10000xi32>
    %convert_element_type3A_122 = arith.sitofp %convert_element_type3A_121 : vector<64x10000xi32> to vector<64x10000xf32>
    %dot_general3A_123 = arith.constant dense<0.000000e+00> : vector<64x128xf32>
    %dot_general3A_124 = tpu.matmul %convert_element_type3A_122, %max3A_115, %dot_general3A_123 {dimension_numbers = #tpu.dot_dimension_numbers<[1], [0], [0], [1], [0, 0, 1, 1], [], []>, transpose_lhs_hint = false} : vector<64x10000xf32>, vector<10000x128xf32>, vector<64x128xf32> -> vector<64x128xf32>
    %get3A_125 = arith.constant 0 : index
    %get3A_126 = arith.constant 0 : index
    %get3A_127 = vector.load %arg11[%get3A_125, %get3A_126] : memref<128x128xf32, #tpu.memory_space<vmem>>, vector<128x128xf32>
    %dot_general3A_128 = arith.constant dense<0.000000e+00> : vector<64x128xf32>
    %dot_general3A_129 = tpu.matmul %dot_general3A_124, %get3A_127, %dot_general3A_128 {dimension_numbers = #tpu.dot_dimension_numbers<[1], [0], [0], [1], [0, 0, 1, 1], [], []>, transpose_lhs_hint = false} : vector<64x128xf32>, vector<128x128xf32>, vector<64x128xf32> -> vector<64x128xf32>
    %get3A_130 = arith.constant 0 : index
    %get3A_131 = arith.constant 0 : index
    %get3A_132 = vector.load %arg12[%get3A_130, %get3A_131] : memref<1x128xf32, #tpu.memory_space<vmem>>, vector<1x128xf32>
    %add3A_133 = vector.broadcast %get3A_132 : vector<1x128xf32> to vector<64x128xf32>
    %add3A_134 = arith.addf %dot_general3A_129, %add3A_133 : vector<64x128xf32>
    %max3A_135 = arith.constant 0.000000e+00 : f32
    %max3A_136 = vector.broadcast %max3A_135 : f32 to vector<64x128xf32>
    %max3A_137 = arith.maximumf %add3A_134, %max3A_136 : vector<64x128xf32>
    %get3A_138 = arith.constant 0 : index
    %get3A_139 = arith.constant 0 : index
    %get3A_140 = vector.load %arg13[%get3A_138, %get3A_139] : memref<128x40xf32, #tpu.memory_space<vmem>>, vector<128x40xf32>
    %dot_general3A_141 = arith.constant dense<0.000000e+00> : vector<64x40xf32>
    %dot_general3A_142 = tpu.matmul %max3A_137, %get3A_140, %dot_general3A_141 {dimension_numbers = #tpu.dot_dimension_numbers<[1], [0], [0], [1], [0, 0, 1, 1], [], []>, transpose_lhs_hint = false} : vector<64x128xf32>, vector<128x40xf32>, vector<64x40xf32> -> vector<64x40xf32>
    %get3A_143 = arith.constant 0 : index
    %get3A_144 = arith.constant 0 : index
    %get3A_145 = vector.load %arg14[%get3A_143, %get3A_144] : memref<1x40xf32, #tpu.memory_space<vmem>>, vector<1x40xf32>
    %add3A_146 = vector.broadcast %get3A_145 : vector<1x40xf32> to vector<64x40xf32>
    %add3A_147 = arith.addf %dot_general3A_142, %add3A_146 : vector<64x40xf32>
    %swap3A = arith.constant 0 : index
    %swap3A_148 = arith.constant 0 : index
    %swap3A_149 = vector.load %arg15[%swap3A, %swap3A_148] : memref<64x40xf32, #tpu.memory_space<vmem>>, vector<64x40xf32>
    tpu.vector_store %arg15[%swap3A, %swap3A_148], %add3A_147 {strides = array<i32>} : memref<64x40xf32, #tpu.memory_space<vmem>>, vector<64x40xf32>,
    return
  }
}

</mosaic_0001>

<sc_bundles>
// kernel: kernel.12.cloned.1.call-start
scs
__scs_entry_jumppad:
0x0: {  	(pc) =	sbr.rel $0x88, $3  }
0x1: {  	(tag) =	ssettag $0x0;
	lr =	simm.s32 $0x1  }
0x2: {  	[smem:$0x3F8F] =	sst lr;
	_ =	strace $0xD0000000  }
0x3: {  	_ = 	snop  }
0x4: {  	_ = 	snop  }
0x5: {  	_ = 	snop  }
0x6: {  	_ = 	snop  }
0x7: {  	_ = 	snop  }
__scs_overlays_trampoline_lowered:
0x8: {  	[smem:$0x3F9E] =	sst s0  }
0x9: {  	[smem:$0x3F9F] =	sst s1  }
0xa: {  	[smem:$0x3FA0] =	sst s2  }
0xb: {  	[smem:$0x3FA1] =	sst s3  }
0xc: {  	[smem:$0x3FA2] =	sst s4  }
0xd: {  	[smem:$0x3FA3] =	sst s5  }
0xe: {  	[smem:$0x3FA4] =	sst s6  }
0xf: {  	[smem:$0x3FA5] =	sst s7  }
0x10: {  	[smem:$0x3FA6] =	sst s8  }
0x11: {  	[smem:$0x3FA7] =	sst s9;
	s0 =	simm.s32 @!p0 $0x0  }
0x12: {  	s1 =	sld [smem:$0x3F8D];
	s0 =	simm.s32 @p0 $0x1  }
0x13: {  	[smem:$0x3FA8] =	sst s0;
	s0 =	simm.s32 @!p1 $0x0  }
0x14: {  	s2 =	sld [smem:$0x3F8C];
	s0 =	simm.s32 @p1 $0x1  }
0x15: {  	[smem:$0x3FA9] =	sst s0;
	s0 =	simm.s32 @!p2 $0x0  }
0x16: {  	s3 =	sld [smem:$0x3FDB];
	s0 =	simm.s32 @p2 $0x1  }
0x17: {  	s4 =	simm.s32 $0x1BF5;
	[smem:$0x3FAB] =	sst s0  }
0x18: {  	s0 =	sld [smem:$0x3F8E];
	_ =	swait.ge [sflag:s4], $0x0  }
0x19: {  	s7 =	sld [smem:$0x3F8F]  }
0x1a: {  	s8 =	sadd.s32 $0xFFFFE003, lr  }
0x1b: {  	s9 =	sadd.s32 $0xFFFFFEF7, lr;
	s5 =	simm.s32 $0xFFFFFFFF;
	p2 =	slt.u32 s8, $0xFFFFF086  }
0x1c: {  	p1 =	slt.u32 s9, $0xF7A;
	s5 =	simm.s32 @!p2 $0x0  }
0x1d: {  	s5 =	simm.s32 @p1 $0x1;
	p0 =	seq.s32 s7, s2  }
0x1e: {  	s7 =	smul.u32 @!p0 $0xF7A, s2;
	p2 =	seq.s32 @!p0 s5, $0x0  }
0x1f: {  	s9 =	smul.u32 $0xF7A, s1;
	s8 =	simm.s32 @!p0 $0x1BF5;
	p2 =	por !p2, p0  }
0x20: {  	[sflag:s8] =	ssyncset.s32 @!p0 $0xFFFFF086;
	s6 =	sadd.s32 @!p0 s3, s7;
	s7 =	simm.s32 @!p0 $0x108  }
0x21: {  	s3 =	sadd.s32 s3, s9;
	s6 =	sadd.s32 @!p0 $0x88, s6;
	s7 =	simm.s32 @p2 $0x1082  }
0x22: {  	[simem:s7], [sflag:s8] =	dma.local @!p0 [hbm:s6], $0xF7A  }
0x23: {  	s9 =	sor.u32 $0xD0000000, s2;
	s6 =	simm.s32 $0x108;
	_ =	swait.ge @!p0 [sflag:s8], $0x0  }
0x24: {  	s3 =	sadd.s32 $0x88, s3;
	s6 =	simm.s32 @!p1 $0x1082;
	[sflag:s4] =	ssyncset.s32 $0xFFFFF086  }
0x25: {  	[simem:s6], [sflag:s4] =	dma.local [hbm:s3], $0xF7A  }
0x26: {  	[smem:$0x3F8F] =	sst s1;
	(tag) =	ssettag s2;
	_ =	strace s9  }
0x27: {  	s1 =	sld [smem:$0x3F9F]  }
0x28: {  	s2 =	sld [smem:$0x3FA0]  }
0x29: {  	s4 =	sld [smem:$0x3FA2]  }
0x2a: {  	p0 =	seq.s32 s5, $0x0;
	s5 =	sld [smem:$0x3FA3]  }
0x2b: {  	s6 =	sld [smem:$0x3FA4]  }
0x2c: {  	s7 =	sld [smem:$0x3FA5]  }
0x2d: {  	s3 =	simm.s32 $0x108;
	s8 =	sld [smem:$0x3FA6]  }
0x2e: {  	s3 =	simm.s32 @!p0 $0x1082;
	s9 =	sld [smem:$0x3FA7]  }
0x2f: {  	lr =	sadd.s32 s0, s3;
	s0 =	sld [smem:$0x3F9E]  }
0x30: {  	s3 =	sld [smem:$0x3FA1]  }
0x31: {  	[smem:$0x3FAA] =	sst s10  }
0x32: {  	s10 =	sld [smem:$0x3FA8];
	_ =	sdelay $0x3  }
0x33: {  	p0 =	seq.s32 s10, $0x1;
	s10 =	sld [smem:$0x3FAA];
	_ =	sdelay $0x3  }
0x34: {  	[smem:$0x3FAA] =	sst s10  }
0x35: {  	s10 =	sld [smem:$0x3FA9];
	_ =	sdelay $0x3  }
0x36: {  	p1 =	seq.s32 s10, $0x1;
	s10 =	sld [smem:$0x3FAA];
	_ =	sdelay $0x3  }
0x37: {  	[smem:$0x3FAA] =	sst s10  }
0x38: {  	s10 =	sld [smem:$0x3FAB]  }
0x39: {  	_ = 	snop;
	(pc) =	sbr.ind lr, $3  }
0x3a: {  	_ = 	snop  }
0x3b: {  	_ = 	snop  }
0x3c: {  	p2 =	seq.s32 s10, $0x1;
	s10 =	sld [smem:$0x3FAA]  }
0x3d: {  	_ =	shalt  }
0x3e: {  	_ =	shalt  }
0x3f: {  	_ =	shalt  }
0x40: {  	_ =	shalt  }
0x41: {  	_ =	shalt  }
0x42: {  	_ =	shalt  }
0x43: {  	_ =	shalt  }
0x44: {  	_ =	shalt  }
0x45: {  	_ =	shalt  }
0x46: {  	_ =	shalt  }
0x47: {  	_ =	shalt  }
0x48: {  	_ =	shalt  }
0x49: {  	_ =	shalt  }
0x4a: {  	_ =	shalt  }
0x4b: {  	_ =	shalt  }
0x4c: {  	_ =	shalt  }
0x4d: {  	_ =	shalt  }
0x4e: {  	_ =	shalt  }
0x4f: {  	_ =	shalt  }
0x50: {  	_ =	shalt  }
0x51: {  	_ =	shalt  }
0x52: {  	_ =	shalt  }
0x53: {  	_ =	shalt  }
0x54: {  	_ =	shalt  }
0x55: {  	_ =	shalt  }
0x56: {  	_ =	shalt  }
0x57: {  	_ =	shalt  }
0x58: {  	_ =	shalt  }
0x59: {  	_ =	shalt  }
0x5a: {  	_ =	shalt  }
0x5b: {  	_ =	shalt  }
0x5c: {  	_ =	shalt  }
0x5d: {  	_ =	shalt  }
0x5e: {  	_ =	shalt  }
0x5f: {  	_ =	shalt  }
0x60: {  	_ =	shalt  }
0x61: {  	_ =	shalt  }
0x62: {  	_ =	shalt  }
0x63: {  	_ =	shalt  }
0x64: {  	_ =	shalt  }
0x65: {  	_ =	shalt  }
0x66: {  	_ =	shalt  }
0x67: {  	_ =	shalt  }
0x68: {  	_ =	shalt  }
0x69: {  	_ =	shalt  }
0x6a: {  	_ =	shalt  }
0x6b: {  	_ =	shalt  }
0x6c: {  	_ =	shalt  }
0x6d: {  	_ =	shalt  }
0x6e: {  	_ =	shalt  }
0x6f: {  	_ =	shalt  }
0x70: {  	_ =	shalt  }
0x71: {  	_ =	shalt  }
0x72: {  	_ =	shalt  }
0x73: {  	_ =	shalt  }
0x74: {  	_ =	shalt  }
0x75: {  	_ =	shalt  }
0x76: {  	_ =	shalt  }
0x77: {  	_ =	shalt  }
0x78: {  	_ =	shalt  }
0x79: {  	_ =	shalt  }
0x7a: {  	_ =	shalt  }
0x7b: {  	_ =	shalt  }
0x7c: {  	_ =	shalt  }
0x7d: {  	_ =	shalt  }
0x7e: {  	_ =	shalt  }
0x7f: {  	_ =	shalt  }
0x80: {  	_ =	shalt  }
0x81: {  	_ =	shalt  }
0x82: {  	_ =	shalt  }
0x83: {  	_ =	shalt  }
0x84: {  	_ =	shalt  }
0x85: {  	_ =	shalt  }
0x86: {  	_ =	shalt  }
0x87: {  	_ =	shalt  }
.Lfunc_end0:
.L_simem_size_0:
called_computation.1_lowered:
.L_overlay_start_0:
0x88: {  	s2 =	sld [smem:$0x3FD9]  }
0x89: {  	s3 =	sld [smem:$0x3FFE];
	_ =	sdelay $0x1  }
0x8a: {  	s1 =	srdreg.scid  }
0x8b: {  	s0 =	sand.u32 $0x1, s1  }
0x8c: {  	s16 =	sshll.u32 s0, $0xA;
	s2 =	sadd.s32 s3, s2  }
0x8d: {  	s2 =	sadd.s32 s2, s16  }
0x8e: {  	[smem:$0x3FB6] =	sst s2  }
0x8f: {  	_ = 	snop  }
0x90: {  	(tm) =	ssettm $0x1  }
0x91: {  	s17 =	sld [smem:$0x3FFB];
	_ =	sdelay $0x3  }
0x92: {  	_ =	strace s17  }
0x93: {  	s2 =	sld [smem:$0x3FFC];
	_ =	sdelay $0x3  }
0x94: {  	_ =	strace s2  }
0x95: {  	s2 =	sld [smem:$0x3FFD];
	_ =	sdelay $0x3  }
0x96: {  	_ =	strace s2  }
0x97: {  	_ =	strace $0x8FFFFFFF  }
0x98: {  	s18 =	sld [smem:$0x3FDB];
	_ =	sdelay $0x1  }
0x99: {  	s19 =	simm.s32 $_scs_section_size  }
0x9a: {  	s4 =	simm.s32 $_size__tile_overlayer_lowered;
	s5 =	simm.s32 $_tile_overlayer_lowered  }
0x9b: {  	s22 =	simm.s32 $0x1BFF;
	s21 =	sshll.u32 s5, $0x1;
	s2 =	sadd.s32 s19, s18  }
0x9c: {  	s6 =	simm.s32 $0x0;
	s20 =	sshll.u32 s4, $0x1;
	s4 =	sadd.s32 s21, s2  }
0x9d: {  	[timem:s6], [sflag:s22] =	dma.local [hbm:s4], s20  }
0x9e: {  	_ =	swait.ge [sflag:s22], s20  }
0x9f: {  	s3 =	ssub.s32 $0x0, s20;
	[sflag:s22] =	ssyncset.done $0x0  }
0xa0: {  	[sflag:s22] =	ssyncadd.s32 s3;
	_ =	sdelay $0x1  }
0xa1: {  	s23 =	simm.s32 $0x1B8B  }
0xa2: {  	_ =	swait.ge [sflag:s23], $0x1  }
0xa3: {  	[sflag:s23] =	ssyncset.done $0x0  }
0xa4: {  	s25 =	simm.s32 $0x1B8E;
	s24 =	sld [smem:$0x3FFE];
	[sflag:s23] =	ssyncadd.s32 $0xFFFFFFFF  }
0xa5: {  	s26 =	simm.s32 $execute0_lowered;
	[smem:$0x3FD2] =	sst s25  }
0xa6: {  	s4 =	sshll.u32 s26, $0x1;
	_ =	strace $0x80000049;
	[dreg:$0x1] =	wrdreg $0xFFFFFFFF  }
0xa7: {  	s28 =	simm.s32 $_size_execute0_lowered;
	s2 =	sadd.s32 s2, s4;
	[dreg:$0x0] =	wrdreg $0x0  }
0xa8: {  	s4 =	sshll.u32 s28, $0x1;
	[dreg:$0x2] =	wrdreg s2  }
0xa9: {  	[dreg:$0x3] =	wrdreg s4  }
0xaa: {  	[dreg:$0x4] =	wrdreg $0xC0  }
0xab: {  	_ =	task [dreg:s6], $0x5FFFF  }
0xac: {  	[dreg:$0x1] =	wrdreg $0xFFFFFFFF  }
0xad: {  	[dreg:$0x0] =	wrdreg $0x60  }
0xae: {  	[dreg:$0x2] =	wrdreg s24  }
0xaf: {  	[dreg:$0x3] =	wrdreg $0xA8000  }
0xb0: {  	[dreg:$0x4] =	wrdreg $0x9  }
0xb1: {  	_ =	task.clear_ibuf [dreg:s6], $0x5FFFF;
	_ =	strace $0x90000049  }
0xb2: {  	s29 =	simm.s32 $0x9;
	_ =	strace $0x8000004B  }
0xb3: {  	_ =	swait.ge [sflag:s29], $0x1  }
0xb4: {  	[sflag:s29] =	ssyncadd.s32 $0xFFFFFFFF  }
0xb5: {  	_ =	strace $0x9000004B  }
0xb6: {  	_ =	sfence  }
0xb7: {  	s30 =	sld [smem:$0x0];
	_ =	sdelay $0x2  }
0xb8: {  	s31 =	sshll.u32 s1, $0xD;
	s1 =	sshrl.u32 s1, $0x2  }
0xb9: {  	s3 =	sand.u32 $0x4000, s31;
	s1 =	sadd.s32 s1, s30  }
0xba: {  	s0 =	sor.u32 s3, s0;
	s1 =	sshll.u32 s1, $0x11  }
0xbb: {  	s0 =	sor.u32 s1, s0  }
0xbc: {  	s0 =	sadd.s32 $0x8F2B, s0  }
0xbd: {  	[sflag:s0] =	ssyncadd.remote.s32 $0x1  }
0xbe: {  	_ =	sfence.sel $0xFFFF  }
0xbf: {  	[dreg:$0x0] =	wrdreg $0xFFFFFFFF;
	(pc) =	sbr.abs _section_cstart, $3  }
0xc0: {  	[dreg:$0x1] =	wrdreg $0xFFFFFFFF  }
0xc1: {  	_ =	task.clear_ibuf [dreg:s6], $0x2FFFF;
	_ =	strace $0x9FFFFFFF  }
0xc2: {  	(tm) =	ssettm $0x7FFFFFFF  }
0xc3: {  	_ =	shalt  }
tec
execute0_lowered:
.L_overlay_start_1:
0x0: {  	(tag) =	ssettag $0x1  }
0x1: {  	s0 =	rddreg [dreg:$0x0]  }
0x2: {  	s1 =	rddreg [dreg:$0x1]  }
0x3: {  	s2 =	simm.s32 $0x0;
	s3 =	srdreg.scid;
	s18 =	stileid.u32  }
0x4: {  	s19 =	simm.s32 $0x80;
	s28 =	simm.s32 $0x4;
	s29 =	simm.s32 $0x2700  }
0x5: {  	s30 =	simm.s32 $0x1380;
	s31 =	simm.s32 $0x2780;
	[smem:$0x7FF] =	sst s2  }
0x6: {  	s4 =	sadd.s32 $0x19200, s0;
	s3 =	sand.u32 $0x1, s3;
	s5 =	sadd.s32 $0xF200, s0  }
0x7: {  	s7 =	smul.u32 $0x4E000, s18;
	s11 =	sadd.s32 $0x5200, s0;
	s12 =	sadd.s32 $0x40400, s0  }
0x8: {  	s9 =	sshll.u32 s18, $0x1;
	s13 =	smul.u32 $0x2700, s18;
	s22 =	sshll.u32 s18, $0x6  }
0x9: {  	s17 =	sadd.s32 $0x138000, s1;
	s0 =	sadd.s32 $0x40200, s0;
	p0 =	sne.s32 s18, $0xF  }
0xa: {  	s18 =	simm.s32 $0x1400;
	_ =	strace $0x8000004A;
	s6 =	ssub.s32 $0x2, s3  }
0xb: {  	s20 =	sor.u32 s3, s9;
	[dreg:$0x4] =	wrdreg s0;
	s16 =	smul.u32 $0x138800, s3  }
0xc: {  	s3 =	smul.u32 $0x27100, s3;
	s17 =	sshrl.u32 @!p0 s17, $0x3;
	s8 =	sshrl.u32 s6, $0x1  }
0xd: {  	s7 =	sshrl.u32 s7, $0x2;
	s21 =	sadd.s32 s4, s13;
	s9 =	smul.u32 $0x2800, s20  }
0xe: {  	s10 =	smul.u32 $0x500, s20;
	s20 =	simm.s32 $0x2800;
	s14 =	ssub.s32 s6, s8  }
0xf: {  	s15 =	sadd.s32 s7, s1;
	[dreg:$0x3] =	wrdreg s21;
	s6 =	sor.u32 $0x1C05, s22  }
0x10: {  	s24 =	sshrl.u32 s16, $0x3;
	s25 =	sadd.s32 s13, s3;
	s16 =	simm.s32 $0x5  }
0x11: {  	s21 =	simm.s32 $0x1;
	s22 =	simm.s32 $0x6800;
	s23 =	sshrl.u32 s9, $0x3  }
0x12: {  	s8 =	sadd.s32 s5, s10;
	s9 =	sadd.s32 s11, s10;
	s26 =	sadd.s32 s12, s24  }
0x13: {  	s12 =	sadd.s32 s12, s25;
	s14 =	smax.u32 s14, $0x1;
	s15 =	sshrl.u32 s15, $0x3  }
0x14: {  	s24 =	simm.s32 $0x100;
	s25 =	simm.s32 $0x2;
	s0 =	sadd.s32 $0x280, s23  }
0x15: {  	s13 =	sadd.s32 $0x27000, s26;
	s23 =	simm.s32 $0x3;
	s26 =	simm.s32 $0x1480  }
0x16: {  	s10 =	sadd.s32 s5, s0;
	s11 =	sadd.s32 s11, s0;
	s0 =	simm.s32 $0x0  }
.LBB2_1:
0x17: {  	s3 =	rddreg [dreg:$0x3]  }
0x18: {  	[spmem:s15], [sflag:s6] =	dma.local [hbm:s3], $0x2700  }
0x19: {  	_ =	swait.ge [sflag:s16], $0x2700  }
0x1a: {  	[sflag:s16] =	ssyncset.done $0x0  }
0x1b: {  	s3 =	rddreg [dreg:$0x4];
	[sflag:s16] =	ssyncadd.s32 $0xFFFFD900  }
0x1c: {  	[spmem:s17], [sflag:s6] =	dma.local @!p0 [hbm:s3], $0x100  }
0x1d: {  	s3 =	simm.s32 @!p0 $0x5  }
0x1e: {  	_ =	swait.ge @!p0 [sflag:s3], $0x100  }
0x1f: {  	[sflag:s3] =	ssyncset.done @!p0 $0x0  }
0x20: {  	[sflag:s3] =	ssyncadd.s32 @!p0 $0xFFFFFF00  }
0x21: {  	[bflag:$0x0] =	sbarrier.arrive $0xFFFF  }
0x22: {  	[tilespmem:s2], [sflag:$0x5] =	stream.linear.gather [hbm4b:s8+s2], $0x1400, $0x38;
	[tilespmem:$0x1E0C0] =	vst v63  }
0x23: {  	_ =	swait.ge [sflag:s16], $0x1400  }
0x24: {  	[sflag:s16] =	ssyncset.done $0x0  }
0x25: {  	[sflag:s16] =	ssyncadd.s32 $0xFFFFEC00  }
0x26: {  	[tilespmem:s18], [sflag:$0x5] =	stream.linear.gather [hbm4b:s9+s2], $0x1400, $0x38;
	[tilespmem:$0x1E0C0] =	vst v63  }
0x27: {  	_ =	swait.ge [sflag:s16], $0x1400  }
0x28: {  	[sflag:s16] =	ssyncset.done $0x0  }
0x29: {  	[sflag:s16] =	ssyncadd.s32 $0xFFFFEC00  }
0x2a: {  	[tilespmem:s20], [sflag:$0x1] =	stream.indirect.gather [hbm4b:s4+s19], $0x80, s2, s19, $0xb8;
	[tilespmem:$0x1E0C0] =	vst v63  }
0x2b: {  	_ =	swait.ge [sflag:s21], $0x4000  }
0x2c: {  	[sflag:s21] =	ssyncset.done $0x0  }
0x2d: {  	[sflag:s21] =	ssyncadd.s32 $0xFFFFC000  }
0x2e: {  	[spmem:s1] =	stream.indirect.scatter.add.f32 [tilespmem:s20], [sflag:$0x3], $0x80, s18, s19, $0xb8;
	[tilespmem:$0x1E0C0] =	vst v63  }
0x2f: {  	_ = 	snop  }
0x30: {  	[tilespmem:s22], [sflag:$0x2] =	stream.indirect.gather [hbm4b:s4+s19], $0x80, s19, s19, $0xb8;
	[tilespmem:$0x1E0C0] =	vst v63  }
0x31: {  	_ =	swait.ge [sflag:s23], $0x4000  }
0x32: {  	[sflag:s23] =	ssyncset.done $0x0  }
0x33: {  	[sflag:s23] =	ssyncadd.s32 $0xFFFFC000  }
0x34: {  	[tilespmem:s20], [sflag:$0x1] =	stream.indirect.gather [hbm4b:s4+s19], $0x80, s24, s19, $0xb8;
	[tilespmem:$0x1E0C0] =	vst v63  }
0x35: {  	_ =	swait.ge [sflag:s25], $0x4000  }
0x36: {  	[sflag:s25] =	ssyncset.done $0x0  }
0x37: {  	[sflag:s25] =	ssyncadd.s32 $0xFFFFC000  }
0x38: {  	[spmem:s1] =	stream.indirect.scatter.add.f32 [tilespmem:s22], [sflag:$0x4], $0x80, s26, s19, $0xb8;
	[tilespmem:$0x1E0C0] =	vst v63  }
0x39: {  	_ =	swait.ge [sflag:s21], $0x4000  }
0x3a: {  	[sflag:s21] =	ssyncset.done $0x0  }
0x3b: {  	s7 =	simm.s32 $0x1500;
	[sflag:s21] =	ssyncadd.s32 $0xFFFFC000  }
0x3c: {  	[spmem:s1] =	stream.indirect.scatter.add.f32 [tilespmem:s20], [sflag:$0x3], $0x80, s7, s19, $0xb8;
	[tilespmem:$0x1E0C0] =	vst v63  }
0x3d: {  	_ =	swait.ge [sflag:s28], $0x4000  }
0x3e: {  	[sflag:s28] =	ssyncset.done $0x0  }
0x3f: {  	s5 =	simm.s32 $0x180;
	[sflag:s28] =	ssyncadd.s32 $0xFFFFC000  }
0x40: {  	[tilespmem:s22], [sflag:$0x2] =	stream.indirect.gather [hbm4b:s4+s19], $0x80, s5, s19, $0xb8;
	[tilespmem:$0x1E0C0] =	vst v63  }
0x41: {  	_ =	swait.ge [sflag:s23], $0x4000  }
0x42: {  	[sflag:s23] =	ssyncset.done $0x0  }
0x43: {  	s7 =	simm.s32 $0x200;
	[sflag:s23] =	ssyncadd.s32 $0xFFFFC000  }
0x44: {  	[tilespmem:s20], [sflag:$0x1] =	stream.indirect.gather [hbm4b:s4+s19], $0x80, s7, s19, $0xb8;
	[tilespmem:$0x1E0C0] =	vst v63  }
0x45: {  	_ =	swait.ge [sflag:s25], $0x4000  }
0x46: {  	[sflag:s25] =	ssyncset.done $0x0  }
0x47: {  	s3 =	simm.s32 $0xFFFFBC00;
	s5 =	simm.s32 $0x1580;
	[sflag:s25] =	ssyncadd.s32 $0xFFFFC000  }
.LBB2_2:
0x48: {  	[spmem:s1] =	stream.indirect.scatter.add.f32 [tilespmem:s22], [sflag:$0x4], $0x80, s5, s19, $0xb8;
	[tilespmem:$0x1E0C0] =	vst v63  }
0x49: {  	s5 =	smov.u32 s3  }
0x4a: {  	p1 =	sne.s32 s3, $0xFFFFFC00;
	s3 =	sadd.s32 $0x400, s3;
	_ =	swait.ge [sflag:s21], $0x4000  }
0x4b: {  	s5 =	sshra.s32 s5, $0x2;
	[sflag:s21] =	ssyncset.done $0x0  }
0x4c: {  	s7 =	sadd.s32 $0x2700, s5;
	[sflag:s21] =	ssyncadd.s32 $0xFFFFC000  }
0x4d: {  	[spmem:s1] =	stream.indirect.scatter.add.f32 [tilespmem:s20], [sflag:$0x3], $0x80, s7, s19, $0xb8;
	[tilespmem:$0x1E0C0] =	vst v63  }
0x4e: {  	_ =	swait.ge [sflag:s28], $0x4000  }
0x4f: {  	[sflag:s28] =	ssyncset.done $0x0  }
0x50: {  	s7 =	sadd.s32 $0x1380, s5;
	[sflag:s28] =	ssyncadd.s32 $0xFFFFC000  }
0x51: {  	[tilespmem:s22], [sflag:$0x2] =	stream.indirect.gather [hbm4b:s4+s19], $0x80, s7, s19, $0xb8;
	[tilespmem:$0x1E0C0] =	vst v63  }
0x52: {  	_ =	swait.ge [sflag:s23], $0x4000  }
0x53: {  	[sflag:s23] =	ssyncset.done $0x0  }
.Ltmp0:
0x54: {  	s7 =	sadd.s32 $0x1400, s5;
	[sflag:s23] =	ssyncadd.s32 $0xFFFFC000;
	(pc) =	sbr.rel @p1 .LBB2_2-.Ltmp0, $4  }
0x55: {  	[tilespmem:s20], [sflag:$0x1] =	stream.indirect.gather [hbm4b:s4+s19], $0x80, s7, s19, $0xb8;
	[tilespmem:$0x1E0C0] =	vst v63  }
0x56: {  	_ =	swait.ge [sflag:s25], $0x4000  }
0x57: {  	[sflag:s25] =	ssyncset.done $0x0  }
0x58: {  	s5 =	sadd.s32 $0x2780, s5;
	[sflag:s25] =	ssyncadd.s32 $0xFFFFC000  }
0x59: {  	[spmem:s1] =	stream.indirect.scatter.add.f32 [tilespmem:s22], [sflag:$0x4], $0x80, s5, s19, $0xb8;
	[tilespmem:$0x1E0C0] =	vst v63  }
0x5a: {  	_ =	swait.ge [sflag:s21], $0x4000  }
0x5b: {  	[sflag:s21] =	ssyncset.done $0x0  }
0x5c: {  	[sflag:s21] =	ssyncadd.s32 $0xFFFFC000  }
0x5d: {  	[spmem:s1] =	stream.indirect.scatter.add.f32 [tilespmem:s20], [sflag:$0x3], $0x80, s29, s19, $0xb8;
	[tilespmem:$0x1E0C0] =	vst v63  }
0x5e: {  	_ =	swait.ge [sflag:s28], $0x4000  }
0x5f: {  	[sflag:s28] =	ssyncset.done $0x0  }
0x60: {  	[sflag:s28] =	ssyncadd.s32 $0xFFFFC000  }
0x61: {  	[tilespmem:s22], [sflag:$0x2] =	stream.indirect.gather [hbm4b:s4+s19], $0x80, s30, s19, $0xb8;
	[tilespmem:$0x1E0C0] =	vst v63  }
0x62: {  	_ =	swait.ge [sflag:s23], $0x4000  }
0x63: {  	[sflag:s23] =	ssyncset.done $0x0  }
0x64: {  	[sflag:s23] =	ssyncadd.s32 $0xFFFFC000  }
0x65: {  	_ =	swait.ge [sflag:s25], $0x4000  }
0x66: {  	[sflag:s25] =	ssyncset.done $0x0  }
0x67: {  	[sflag:s25] =	ssyncadd.s32 $0xFFFFC000  }
0x68: {  	[spmem:s1] =	stream.indirect.scatter.add.f32 [tilespmem:s22], [sflag:$0x4], $0x80, s31, s19, $0xb8;
	[tilespmem:$0x1E0C0] =	vst v63  }
0x69: {  	_ =	swait.ge [sflag:s28], $0x4000  }
0x6a: {  	[sflag:s28] =	ssyncset.done $0x0  }
0x6b: {  	[sflag:s28] =	ssyncadd.s32 $0xFFFFC000  }
0x6c: {  	[tilespmem:s2], [sflag:$0x5] =	stream.linear.gather [hbm4b:s10+s2], $0x1400, $0x38;
	[tilespmem:$0x1E0C0] =	vst v63  }
0x6d: {  	_ =	swait.ge [sflag:s16], $0x1400  }
0x6e: {  	[sflag:s16] =	ssyncset.done $0x0  }
0x6f: {  	[sflag:s16] =	ssyncadd.s32 $0xFFFFEC00  }
0x70: {  	[tilespmem:s18], [sflag:$0x5] =	stream.linear.gather [hbm4b:s11+s2], $0x1400, $0x38;
	[tilespmem:$0x1E0C0] =	vst v63  }
0x71: {  	_ =	swait.ge [sflag:s16], $0x1400  }
0x72: {  	[sflag:s16] =	ssyncset.done $0x0  }
0x73: {  	[sflag:s16] =	ssyncadd.s32 $0xFFFFEC00  }
0x74: {  	[tilespmem:s20], [sflag:$0x1] =	stream.indirect.gather [hbm4b:s4+s19], $0x80, s2, s19, $0xb8;
	[tilespmem:$0x1E0C0] =	vst v63  }
0x75: {  	_ =	swait.ge [sflag:s21], $0x4000  }
0x76: {  	[sflag:s21] =	ssyncset.done $0x0  }
0x77: {  	[sflag:s21] =	ssyncadd.s32 $0xFFFFC000  }
0x78: {  	[spmem:s1] =	stream.indirect.scatter.add.f32 [tilespmem:s20], [sflag:$0x3], $0x80, s18, s19, $0xb8;
	[tilespmem:$0x1E0C0] =	vst v63  }
0x79: {  	_ = 	snop  }
0x7a: {  	[tilespmem:s22], [sflag:$0x2] =	stream.indirect.gather [hbm4b:s4+s19], $0x80, s19, s19, $0xb8;
	[tilespmem:$0x1E0C0] =	vst v63  }
0x7b: {  	_ =	swait.ge [sflag:s23], $0x4000  }
0x7c: {  	[sflag:s23] =	ssyncset.done $0x0  }
0x7d: {  	[sflag:s23] =	ssyncadd.s32 $0xFFFFC000  }
0x7e: {  	[tilespmem:s20], [sflag:$0x1] =	stream.indirect.gather [hbm4b:s4+s19], $0x80, s24, s19, $0xb8;
	[tilespmem:$0x1E0C0] =	vst v63  }
0x7f: {  	_ =	swait.ge [sflag:s25], $0x4000  }
0x80: {  	[sflag:s25] =	ssyncset.done $0x0  }
0x81: {  	[sflag:s25] =	ssyncadd.s32 $0xFFFFC000  }
0x82: {  	[spmem:s1] =	stream.indirect.scatter.add.f32 [tilespmem:s22], [sflag:$0x4], $0x80, s26, s19, $0xb8;
	[tilespmem:$0x1E0C0] =	vst v63  }
0x83: {  	_ =	swait.ge [sflag:s21], $0x4000  }
0x84: {  	[sflag:s21] =	ssyncset.done $0x0  }
0x85: {  	s3 =	simm.s32 $0x1500;
	[sflag:s21] =	ssyncadd.s32 $0xFFFFC000  }
0x86: {  	[spmem:s1] =	stream.indirect.scatter.add.f32 [tilespmem:s20], [sflag:$0x3], $0x80, s3, s19, $0xb8;
	[tilespmem:$0x1E0C0] =	vst v63  }
0x87: {  	_ =	swait.ge [sflag:s28], $0x4000  }
0x88: {  	[sflag:s28] =	ssyncset.done $0x0  }
0x89: {  	s5 =	simm.s32 $0x180;
	[sflag:s28] =	ssyncadd.s32 $0xFFFFC000  }
0x8a: {  	[tilespmem:s22], [sflag:$0x2] =	stream.indirect.gather [hbm4b:s4+s19], $0x80, s5, s19, $0xb8;
	[tilespmem:$0x1E0C0] =	vst v63  }
0x8b: {  	_ =	swait.ge [sflag:s23], $0x4000  }
0x8c: {  	[sflag:s23] =	ssyncset.done $0x0  }
0x8d: {  	s7 =	simm.s32 $0x200;
	[sflag:s23] =	ssyncadd.s32 $0xFFFFC000  }
0x8e: {  	[tilespmem:s20], [sflag:$0x1] =	stream.indirect.gather [hbm4b:s4+s19], $0x80, s7, s19, $0xb8;
	[tilespmem:$0x1E0C0] =	vst v63  }
0x8f: {  	_ =	swait.ge [sflag:s25], $0x4000  }
0x90: {  	[sflag:s25] =	ssyncset.done $0x0  }
0x91: {  	s3 =	simm.s32 $0xFFFFBC00;
	s5 =	simm.s32 $0x1580;
	[sflag:s25] =	ssyncadd.s32 $0xFFFFC000  }
.LBB2_4:
0x92: {  	[spmem:s1] =	stream.indirect.scatter.add.f32 [tilespmem:s22], [sflag:$0x4], $0x80, s5, s19, $0xb8;
	[tilespmem:$0x1E0C0] =	vst v63  }
0x93: {  	s5 =	smov.u32 s3  }
0x94: {  	p1 =	sne.s32 s3, $0xFFFFFC00;
	s3 =	sadd.s32 $0x400, s3;
	_ =	swait.ge [sflag:s21], $0x4000  }
0x95: {  	s5 =	sshra.s32 s5, $0x2;
	[sflag:s21] =	ssyncset.done $0x0  }
0x96: {  	s7 =	sadd.s32 $0x2700, s5;
	[sflag:s21] =	ssyncadd.s32 $0xFFFFC000  }
0x97: {  	[spmem:s1] =	stream.indirect.scatter.add.f32 [tilespmem:s20], [sflag:$0x3], $0x80, s7, s19, $0xb8;
	[tilespmem:$0x1E0C0] =	vst v63  }
0x98: {  	_ =	swait.ge [sflag:s28], $0x4000  }
0x99: {  	[sflag:s28] =	ssyncset.done $0x0  }
0x9a: {  	s7 =	sadd.s32 $0x1380, s5;
	[sflag:s28] =	ssyncadd.s32 $0xFFFFC000  }
0x9b: {  	[tilespmem:s22], [sflag:$0x2] =	stream.indirect.gather [hbm4b:s4+s19], $0x80, s7, s19, $0xb8;
	[tilespmem:$0x1E0C0] =	vst v63  }
0x9c: {  	_ =	swait.ge [sflag:s23], $0x4000  }
0x9d: {  	[sflag:s23] =	ssyncset.done $0x0  }
.Ltmp1:
0x9e: {  	s7 =	sadd.s32 $0x1400, s5;
	[sflag:s23] =	ssyncadd.s32 $0xFFFFC000;
	(pc) =	sbr.rel @p1 .LBB2_4-.Ltmp1, $4  }
0x9f: {  	[tilespmem:s20], [sflag:$0x1] =	stream.indirect.gather [hbm4b:s4+s19], $0x80, s7, s19, $0xb8;
	[tilespmem:$0x1E0C0] =	vst v63  }
0xa0: {  	_ =	swait.ge [sflag:s25], $0x4000  }
0xa1: {  	[sflag:s25] =	ssyncset.done $0x0  }
0xa2: {  	s5 =	sadd.s32 $0x2780, s5;
	[sflag:s25] =	ssyncadd.s32 $0xFFFFC000  }
0xa3: {  	[spmem:s1] =	stream.indirect.scatter.add.f32 [tilespmem:s22], [sflag:$0x4], $0x80, s5, s19, $0xb8;
	[tilespmem:$0x1E0C0] =	vst v63  }
0xa4: {  	_ =	swait.ge [sflag:s21], $0x4000  }
0xa5: {  	[sflag:s21] =	ssyncset.done $0x0  }
0xa6: {  	[sflag:s21] =	ssyncadd.s32 $0xFFFFC000  }
0xa7: {  	[spmem:s1] =	stream.indirect.scatter.add.f32 [tilespmem:s20], [sflag:$0x3], $0x80, s29, s19, $0xb8;
	[tilespmem:$0x1E0C0] =	vst v63  }
0xa8: {  	_ =	swait.ge [sflag:s28], $0x4000  }
0xa9: {  	[sflag:s28] =	ssyncset.done $0x0  }
0xaa: {  	[sflag:s28] =	ssyncadd.s32 $0xFFFFC000  }
0xab: {  	[tilespmem:s22], [sflag:$0x2] =	stream.indirect.gather [hbm4b:s4+s19], $0x80, s30, s19, $0xb8;
	[tilespmem:$0x1E0C0] =	vst v63  }
0xac: {  	_ =	swait.ge [sflag:s23], $0x4000  }
0xad: {  	[sflag:s23] =	ssyncset.done $0x0  }
0xae: {  	[sflag:s23] =	ssyncadd.s32 $0xFFFFC000  }
0xaf: {  	_ =	swait.ge [sflag:s25], $0x4000  }
0xb0: {  	[sflag:s25] =	ssyncset.done $0x0  }
0xb1: {  	[sflag:s25] =	ssyncadd.s32 $0xFFFFC000  }
0xb2: {  	[spmem:s1] =	stream.indirect.scatter.add.f32 [tilespmem:s22], [sflag:$0x4], $0x80, s31, s19, $0xb8;
	[tilespmem:$0x1E0C0] =	vst v63  }
0xb3: {  	_ =	swait.ge [sflag:s28], $0x4000  }
0xb4: {  	[sflag:s28] =	ssyncset.done $0x0  }
0xb5: {  	[sflag:s28] =	ssyncadd.s32 $0xFFFFC000  }
0xb6: {  	[bflag:$0x0] =	sbarrier.arrive $0xFFFF  }
0xb7: {  	[hbm:s12], [sflag:s6] =	dma.local [spmem:s15], $0x2700  }
0xb8: {  	s0 =	sadd.s32 $0x1, s0;
	_ =	swait.ge [sflag:s16], $0x2700  }
0xb9: {  	p1 =	sne.s32 s0, s14;
	[sflag:s16] =	ssyncset.done $0x0  }
.Ltmp2:
0xba: {  	s3 =	simm.s32 @!p0 $0x5;
	[sflag:s16] =	ssyncadd.s32 $0xFFFFD900;
	(pc) =	sbr.rel @p1 .LBB2_1-.Ltmp2, $4  }
0xbb: {  	[hbm:s13], [sflag:s6] =	dma.local @!p0 [spmem:s17], $0x100  }
0xbc: {  	_ =	swait.ge @!p0 [sflag:s3], $0x100  }
0xbd: {  	[sflag:s3] =	ssyncset.done @!p0 $0x0  }
0xbe: {  	[sflag:s3] =	ssyncadd.s32 @!p0 $0xFFFFFF00  }
0xbf: {  	_ =	sfence.sel $0x180000  }
0xc0: {  	[bflag:$0x0] =	sbarrier.arrive $0xFFFF  }
0xc1: {  	_ =	strace $0x9000004A  }
0xc2: {  	s0 =	stileid.u32;
	[bflag:$0x2] =	sbarrier.arrive $0xFFFF  }
0xc3: {  	p0 =	sne.s32 s0, $0x0;
	s0 =	rddreg [dreg:$0x2]  }
0xc4: {  	s0 =	sadd.s32 @!p0 $0x100000, s0  }
0xc5: {  	[sflag:s0] =	ssyncadd.tile.s32 @!p0 $0x1;
	_ =	shalt  }
.Lfunc_end2:
_tile_overlayer_lowered:
.L_overlay_start_2:
0xc6: {  	(tag) =	ssettag $0x2  }
0xc7: {  	s0 =	rddreg [dreg:$0x0];
	s2 =	stileid.u32  }
0xc8: {  	s1 =	rddreg [dreg:$0x1];
	p0 =	sne.s32 s2, $0x0  }
0xc9: {  	s3 =	rddreg [dreg:$0x2];
	[bflag:$0x3] =	sbarrier.arrive $0xFFFF;
	s2 =	simm.s32 @!p0 $0x1C05  }
0xca: {  	[timem:s3], [sflag:s2] =	dma.local @!p0 [hbm:s0], s1  }
0xcb: {  	s0 =	simm.s32 @!p0 $0x5  }
0xcc: {  	_ =	swait.ge @!p0 [sflag:s0], s1  }
0xcd: {  	s1 =	ssub.s32 @!p0 $0x0, s1;
	[sflag:s0] =	ssyncset.done @!p0 $0x0  }
0xce: {  	[sflag:s0] =	ssyncadd.s32 @!p0 s1  }
0xcf: {  	[bflag:$0x3] =	sbarrier.arrive $0xFFFF  }
0xd0: {  	_ =	shalt  }

// kernel: kernel.15.cloned.1.call-start
scs
__scs_entry_jumppad:
0x0: {  	(pc) =	sbr.rel $0x88, $3  }
0x1: {  	(tag) =	ssettag $0x0;
	lr =	simm.s32 $0x1  }
0x2: {  	[smem:$0x3F8F] =	sst lr;
	_ =	strace $0xD0000000  }
0x3: {  	_ = 	snop  }
0x4: {  	_ = 	snop  }
0x5: {  	_ = 	snop  }
0x6: {  	_ = 	snop  }
0x7: {  	_ = 	snop  }
__scs_overlays_trampoline_lowered:
0x8: {  	[smem:$0x3F9E] =	sst s0  }
0x9: {  	[smem:$0x3F9F] =	sst s1  }
0xa: {  	[smem:$0x3FA0] =	sst s2  }
0xb: {  	[smem:$0x3FA1] =	sst s3  }
0xc: {  	[smem:$0x3FA2] =	sst s4  }
0xd: {  	[smem:$0x3FA3] =	sst s5  }
0xe: {  	[smem:$0x3FA4] =	sst s6  }
0xf: {  	[smem:$0x3FA5] =	sst s7  }
0x10: {  	[smem:$0x3FA6] =	sst s8  }
0x11: {  	[smem:$0x3FA7] =	sst s9;
	s0 =	simm.s32 @!p0 $0x0  }
0x12: {  	s1 =	sld [smem:$0x3F8D];
	s0 =	simm.s32 @p0 $0x1  }
0x13: {  	[smem:$0x3FA8] =	sst s0;
	s0 =	simm.s32 @!p1 $0x0  }
0x14: {  	s2 =	sld [smem:$0x3F8C];
	s0 =	simm.s32 @p1 $0x1  }
0x15: {  	[smem:$0x3FA9] =	sst s0;
	s0 =	simm.s32 @!p2 $0x0  }
0x16: {  	s3 =	sld [smem:$0x3FDB];
	s0 =	simm.s32 @p2 $0x1  }
0x17: {  	s4 =	simm.s32 $0x1BF5;
	[smem:$0x3FAB] =	sst s0  }
0x18: {  	s0 =	sld [smem:$0x3F8E];
	_ =	swait.ge [sflag:s4], $0x0  }
0x19: {  	s7 =	sld [smem:$0x3F8F]  }
0x1a: {  	s8 =	sadd.s32 $0xFFFFE003, lr  }
0x1b: {  	s9 =	sadd.s32 $0xFFFFFEF7, lr;
	s5 =	simm.s32 $0xFFFFFFFF;
	p2 =	slt.u32 s8, $0xFFFFF086  }
0x1c: {  	p1 =	slt.u32 s9, $0xF7A;
	s5 =	simm.s32 @!p2 $0x0  }
0x1d: {  	s5 =	simm.s32 @p1 $0x1;
	p0 =	seq.s32 s7, s2  }
0x1e: {  	s7 =	smul.u32 @!p0 $0xF7A, s2;
	p2 =	seq.s32 @!p0 s5, $0x0  }
0x1f: {  	s9 =	smul.u32 $0xF7A, s1;
	s8 =	simm.s32 @!p0 $0x1BF5;
	p2 =	por !p2, p0  }
0x20: {  	[sflag:s8] =	ssyncset.s32 @!p0 $0xFFFFF086;
	s6 =	sadd.s32 @!p0 s3, s7;
	s7 =	simm.s32 @!p0 $0x108  }
0x21: {  	s3 =	sadd.s32 s3, s9;
	s6 =	sadd.s32 @!p0 $0x88, s6;
	s7 =	simm.s32 @p2 $0x1082  }
0x22: {  	[simem:s7], [sflag:s8] =	dma.local @!p0 [hbm:s6], $0xF7A  }
0x23: {  	s9 =	sor.u32 $0xD0000000, s2;
	s6 =	simm.s32 $0x108;
	_ =	swait.ge @!p0 [sflag:s8], $0x0  }
0x24: {  	s3 =	sadd.s32 $0x88, s3;
	s6 =	simm.s32 @!p1 $0x1082;
	[sflag:s4] =	ssyncset.s32 $0xFFFFF086  }
0x25: {  	[simem:s6], [sflag:s4] =	dma.local [hbm:s3], $0xF7A  }
0x26: {  	[smem:$0x3F8F] =	sst s1;
	(tag) =	ssettag s2;
	_ =	strace s9  }
0x27: {  	s1 =	sld [smem:$0x3F9F]  }
0x28: {  	s2 =	sld [smem:$0x3FA0]  }
0x29: {  	s4 =	sld [smem:$0x3FA2]  }
0x2a: {  	p0 =	seq.s32 s5, $0x0;
	s5 =	sld [smem:$0x3FA3]  }
0x2b: {  	s6 =	sld [smem:$0x3FA4]  }
0x2c: {  	s7 =	sld [smem:$0x3FA5]  }
0x2d: {  	s3 =	simm.s32 $0x108;
	s8 =	sld [smem:$0x3FA6]  }
0x2e: {  	s3 =	simm.s32 @!p0 $0x1082;
	s9 =	sld [smem:$0x3FA7]  }
0x2f: {  	lr =	sadd.s32 s0, s3;
	s0 =	sld [smem:$0x3F9E]  }
0x30: {  	s3 =	sld [smem:$0x3FA1]  }
0x31: {  	[smem:$0x3FAA] =	sst s10  }
0x32: {  	s10 =	sld [smem:$0x3FA8];
	_ =	sdelay $0x3  }
0x33: {  	p0 =	seq.s32 s10, $0x1;
	s10 =	sld [smem:$0x3FAA];
	_ =	sdelay $0x3  }
0x34: {  	[smem:$0x3FAA] =	sst s10  }
0x35: {  	s10 =	sld [smem:$0x3FA9];
	_ =	sdelay $0x3  }
0x36: {  	p1 =	seq.s32 s10, $0x1;
	s10 =	sld [smem:$0x3FAA];
	_ =	sdelay $0x3  }
0x37: {  	[smem:$0x3FAA] =	sst s10  }
0x38: {  	s10 =	sld [smem:$0x3FAB]  }
0x39: {  	_ = 	snop;
	(pc) =	sbr.ind lr, $3  }
0x3a: {  	_ = 	snop  }
0x3b: {  	_ = 	snop  }
0x3c: {  	p2 =	seq.s32 s10, $0x1;
	s10 =	sld [smem:$0x3FAA]  }
0x3d: {  	_ =	shalt  }
0x3e: {  	_ =	shalt  }
0x3f: {  	_ =	shalt  }
0x40: {  	_ =	shalt  }
0x41: {  	_ =	shalt  }
0x42: {  	_ =	shalt  }
0x43: {  	_ =	shalt  }
0x44: {  	_ =	shalt  }
0x45: {  	_ =	shalt  }
0x46: {  	_ =	shalt  }
0x47: {  	_ =	shalt  }
0x48: {  	_ =	shalt  }
0x49: {  	_ =	shalt  }
0x4a: {  	_ =	shalt  }
0x4b: {  	_ =	shalt  }
0x4c: {  	_ =	shalt  }
0x4d: {  	_ =	shalt  }
0x4e: {  	_ =	shalt  }
0x4f: {  	_ =	shalt  }
0x50: {  	_ =	shalt  }
0x51: {  	_ =	shalt  }
0x52: {  	_ =	shalt  }
0x53: {  	_ =	shalt  }
0x54: {  	_ =	shalt  }
0x55: {  	_ =	shalt  }
0x56: {  	_ =	shalt  }
0x57: {  	_ =	shalt  }
0x58: {  	_ =	shalt  }
0x59: {  	_ =	shalt  }
0x5a: {  	_ =	shalt  }
0x5b: {  	_ =	shalt  }
0x5c: {  	_ =	shalt  }
0x5d: {  	_ =	shalt  }
0x5e: {  	_ =	shalt  }
0x5f: {  	_ =	shalt  }
0x60: {  	_ =	shalt  }
0x61: {  	_ =	shalt  }
0x62: {  	_ =	shalt  }
0x63: {  	_ =	shalt  }
0x64: {  	_ =	shalt  }
0x65: {  	_ =	shalt  }
0x66: {  	_ =	shalt  }
0x67: {  	_ =	shalt  }
0x68: {  	_ =	shalt  }
0x69: {  	_ =	shalt  }
0x6a: {  	_ =	shalt  }
0x6b: {  	_ =	shalt  }
0x6c: {  	_ =	shalt  }
0x6d: {  	_ =	shalt  }
0x6e: {  	_ =	shalt  }
0x6f: {  	_ =	shalt  }
0x70: {  	_ =	shalt  }
0x71: {  	_ =	shalt  }
0x72: {  	_ =	shalt  }
0x73: {  	_ =	shalt  }
0x74: {  	_ =	shalt  }
0x75: {  	_ =	shalt  }
0x76: {  	_ =	shalt  }
0x77: {  	_ =	shalt  }
0x78: {  	_ =	shalt  }
0x79: {  	_ =	shalt  }
0x7a: {  	_ =	shalt  }
0x7b: {  	_ =	shalt  }
0x7c: {  	_ =	shalt  }
0x7d: {  	_ =	shalt  }
0x7e: {  	_ =	shalt  }
0x7f: {  	_ =	shalt  }
0x80: {  	_ =	shalt  }
0x81: {  	_ =	shalt  }
0x82: {  	_ =	shalt  }
0x83: {  	_ =	shalt  }
0x84: {  	_ =	shalt  }
0x85: {  	_ =	shalt  }
0x86: {  	_ =	shalt  }
0x87: {  	_ =	shalt  }
.Lfunc_end0:
.L_simem_size_0:
called_computation.2_lowered:
.L_overlay_start_0:
0x88: {  	s2 =	sld [smem:$0x3FD9]  }
0x89: {  	s3 =	sld [smem:$0x3FFE];
	_ =	sdelay $0x1  }
0x8a: {  	s1 =	srdreg.scid  }
0x8b: {  	s0 =	sand.u32 $0x1, s1  }
0x8c: {  	s16 =	sshll.u32 s0, $0xA;
	s2 =	sadd.s32 s3, s2  }
0x8d: {  	s2 =	sadd.s32 s2, s16  }
0x8e: {  	[smem:$0x3FB6] =	sst s2  }
0x8f: {  	_ = 	snop  }
0x90: {  	(tm) =	ssettm $0x1  }
0x91: {  	s17 =	sld [smem:$0x3FFB];
	_ =	sdelay $0x3  }
0x92: {  	_ =	strace s17  }
0x93: {  	s2 =	sld [smem:$0x3FFC];
	_ =	sdelay $0x3  }
0x94: {  	_ =	strace s2  }
0x95: {  	s2 =	sld [smem:$0x3FFD];
	_ =	sdelay $0x3  }
0x96: {  	_ =	strace s2  }
0x97: {  	_ =	strace $0x8FFFFFFF  }
0x98: {  	s18 =	sld [smem:$0x3FDB];
	_ =	sdelay $0x1  }
0x99: {  	s19 =	simm.s32 $_scs_section_size  }
0x9a: {  	s4 =	simm.s32 $_size__tile_overlayer_lowered;
	s5 =	simm.s32 $_tile_overlayer_lowered  }
0x9b: {  	s22 =	simm.s32 $0x1BFF;
	s21 =	sshll.u32 s5, $0x1;
	s2 =	sadd.s32 s19, s18  }
0x9c: {  	s6 =	simm.s32 $0x0;
	s20 =	sshll.u32 s4, $0x1;
	s4 =	sadd.s32 s21, s2  }
0x9d: {  	[timem:s6], [sflag:s22] =	dma.local [hbm:s4], s20  }
0x9e: {  	_ =	swait.ge [sflag:s22], s20  }
0x9f: {  	s3 =	ssub.s32 $0x0, s20;
	[sflag:s22] =	ssyncset.done $0x0  }
0xa0: {  	[sflag:s22] =	ssyncadd.s32 s3;
	_ =	sdelay $0x1  }
0xa1: {  	s23 =	simm.s32 $0x1B8B  }
0xa2: {  	_ =	swait.ge [sflag:s23], $0x1  }
0xa3: {  	[sflag:s23] =	ssyncset.done $0x0  }
0xa4: {  	s25 =	simm.s32 $0x1B8E;
	s24 =	sld [smem:$0x3FFE];
	[sflag:s23] =	ssyncadd.s32 $0xFFFFFFFF  }
0xa5: {  	s26 =	simm.s32 $execute0_lowered;
	[smem:$0x3FD2] =	sst s25  }
0xa6: {  	s4 =	sshll.u32 s26, $0x1;
	_ =	strace $0x8000004C;
	[dreg:$0x1] =	wrdreg $0xFFFFFFFF  }
0xa7: {  	s28 =	simm.s32 $_size_execute0_lowered;
	s2 =	sadd.s32 s2, s4;
	[dreg:$0x0] =	wrdreg $0x0  }
0xa8: {  	s4 =	sshll.u32 s28, $0x1;
	[dreg:$0x2] =	wrdreg s2  }
0xa9: {  	[dreg:$0x3] =	wrdreg s4  }
0xaa: {  	[dreg:$0x4] =	wrdreg $0xC0  }
0xab: {  	_ =	task [dreg:s6], $0x5FFFF  }
0xac: {  	[dreg:$0x1] =	wrdreg $0xFFFFFFFF  }
0xad: {  	[dreg:$0x0] =	wrdreg $0x60  }
0xae: {  	[dreg:$0x2] =	wrdreg s24  }
0xaf: {  	[dreg:$0x3] =	wrdreg $0xA8000  }
0xb0: {  	[dreg:$0x4] =	wrdreg $0x9  }
0xb1: {  	_ =	task.clear_ibuf [dreg:s6], $0x5FFFF;
	_ =	strace $0x9000004C  }
0xb2: {  	s29 =	simm.s32 $0x9;
	_ =	strace $0x8000004E  }
0xb3: {  	_ =	swait.ge [sflag:s29], $0x1  }
0xb4: {  	[sflag:s29] =	ssyncadd.s32 $0xFFFFFFFF  }
0xb5: {  	_ =	strace $0x9000004E  }
0xb6: {  	_ =	sfence  }
0xb7: {  	s30 =	sld [smem:$0x0];
	_ =	sdelay $0x2  }
0xb8: {  	s31 =	sshll.u32 s1, $0xD;
	s1 =	sshrl.u32 s1, $0x2  }
0xb9: {  	s3 =	sand.u32 $0x4000, s31;
	s1 =	sadd.s32 s1, s30  }
0xba: {  	s0 =	sor.u32 s3, s0;
	s1 =	sshll.u32 s1, $0x11  }
0xbb: {  	s0 =	sor.u32 s1, s0  }
0xbc: {  	s0 =	sadd.s32 $0x8F2B, s0  }
0xbd: {  	[sflag:s0] =	ssyncadd.remote.s32 $0x1  }
0xbe: {  	_ =	sfence.sel $0xFFFF  }
0xbf: {  	[dreg:$0x0] =	wrdreg $0xFFFFFFFF;
	(pc) =	sbr.abs _section_cstart, $3  }
0xc0: {  	[dreg:$0x1] =	wrdreg $0xFFFFFFFF  }
0xc1: {  	_ =	task.clear_ibuf [dreg:s6], $0x2FFFF;
	_ =	strace $0x9FFFFFFF  }
0xc2: {  	(tm) =	ssettm $0x7FFFFFFF  }
0xc3: {  	_ =	shalt  }
tec
execute0_lowered:
.L_overlay_start_1:
0x0: {  	(tag) =	ssettag $0x1  }
0x1: {  	s0 =	rddreg [dreg:$0x0]  }
0x2: {  	s1 =	rddreg [dreg:$0x1]  }
0x3: {  	s2 =	simm.s32 $0x0;
	s3 =	srdreg.scid;
	s18 =	stileid.u32  }
0x4: {  	s19 =	simm.s32 $0x80;
	s28 =	simm.s32 $0x4;
	s29 =	simm.s32 $0x2700  }
0x5: {  	s30 =	simm.s32 $0x1380;
	s31 =	simm.s32 $0x2780;
	[smem:$0x7FF] =	sst s2  }
0x6: {  	s4 =	sadd.s32 $0x19200, s0;
	s3 =	sand.u32 $0x1, s3;
	s5 =	sadd.s32 $0xF200, s0  }
0x7: {  	s7 =	smul.u32 $0x4E000, s18;
	s11 =	sadd.s32 $0x5200, s0;
	s12 =	sadd.s32 $0x40400, s0  }
0x8: {  	s9 =	sshll.u32 s18, $0x1;
	s13 =	smul.u32 $0x2700, s18;
	s22 =	sshll.u32 s18, $0x6  }
0x9: {  	s17 =	sadd.s32 $0x138000, s1;
	s0 =	sadd.s32 $0x40200, s0;
	p0 =	sne.s32 s18, $0xF  }
0xa: {  	s18 =	simm.s32 $0x1400;
	_ =	strace $0x8000004D;
	s6 =	ssub.s32 $0x2, s3  }
0xb: {  	s20 =	sor.u32 s3, s9;
	[dreg:$0x4] =	wrdreg s0;
	s16 =	smul.u32 $0x138800, s3  }
0xc: {  	s3 =	smul.u32 $0x27100, s3;
	s17 =	sshrl.u32 @!p0 s17, $0x3;
	s8 =	sshrl.u32 s6, $0x1  }
0xd: {  	s7 =	sshrl.u32 s7, $0x2;
	s21 =	sadd.s32 s4, s13;
	s9 =	smul.u32 $0x2800, s20  }
0xe: {  	s10 =	smul.u32 $0x500, s20;
	s20 =	simm.s32 $0x2800;
	s14 =	ssub.s32 s6, s8  }
0xf: {  	s15 =	sadd.s32 s7, s1;
	[dreg:$0x3] =	wrdreg s21;
	s6 =	sor.u32 $0x1C05, s22  }
0x10: {  	s24 =	sshrl.u32 s16, $0x3;
	s25 =	sadd.s32 s13, s3;
	s16 =	simm.s32 $0x5  }
0x11: {  	s21 =	simm.s32 $0x1;
	s22 =	simm.s32 $0x6800;
	s23 =	sshrl.u32 s9, $0x3  }
0x12: {  	s8 =	sadd.s32 s5, s10;
	s9 =	sadd.s32 s11, s10;
	s26 =	sadd.s32 s12, s24  }
0x13: {  	s12 =	sadd.s32 s12, s25;
	s14 =	smax.u32 s14, $0x1;
	s15 =	sshrl.u32 s15, $0x3  }
0x14: {  	s24 =	simm.s32 $0x100;
	s25 =	simm.s32 $0x2;
	s0 =	sadd.s32 $0x280, s23  }
0x15: {  	s13 =	sadd.s32 $0x27000, s26;
	s23 =	simm.s32 $0x3;
	s26 =	simm.s32 $0x1480  }
0x16: {  	s10 =	sadd.s32 s5, s0;
	s11 =	sadd.s32 s11, s0;
	s0 =	simm.s32 $0x0  }
.LBB2_1:
0x17: {  	s3 =	rddreg [dreg:$0x3]  }
0x18: {  	[spmem:s15], [sflag:s6] =	dma.local [hbm:s3], $0x2700  }
0x19: {  	_ =	swait.ge [sflag:s16], $0x2700  }
0x1a: {  	[sflag:s16] =	ssyncset.done $0x0  }
0x1b: {  	s3 =	rddreg [dreg:$0x4];
	[sflag:s16] =	ssyncadd.s32 $0xFFFFD900  }
0x1c: {  	[spmem:s17], [sflag:s6] =	dma.local @!p0 [hbm:s3], $0x100  }
0x1d: {  	s3 =	simm.s32 @!p0 $0x5  }
0x1e: {  	_ =	swait.ge @!p0 [sflag:s3], $0x100  }
0x1f: {  	[sflag:s3] =	ssyncset.done @!p0 $0x0  }
0x20: {  	[sflag:s3] =	ssyncadd.s32 @!p0 $0xFFFFFF00  }
0x21: {  	[bflag:$0x0] =	sbarrier.arrive $0xFFFF  }
0x22: {  	[tilespmem:s2], [sflag:$0x5] =	stream.linear.gather [hbm4b:s8+s2], $0x1400, $0x38;
	[tilespmem:$0x1E0C0] =	vst v63  }
0x23: {  	_ =	swait.ge [sflag:s16], $0x1400  }
0x24: {  	[sflag:s16] =	ssyncset.done $0x0  }
0x25: {  	[sflag:s16] =	ssyncadd.s32 $0xFFFFEC00  }
0x26: {  	[tilespmem:s18], [sflag:$0x5] =	stream.linear.gather [hbm4b:s9+s2], $0x1400, $0x38;
	[tilespmem:$0x1E0C0] =	vst v63  }
0x27: {  	_ =	swait.ge [sflag:s16], $0x1400  }
0x28: {  	[sflag:s16] =	ssyncset.done $0x0  }
0x29: {  	[sflag:s16] =	ssyncadd.s32 $0xFFFFEC00  }
0x2a: {  	[tilespmem:s20], [sflag:$0x1] =	stream.indirect.gather [hbm4b:s4+s19], $0x80, s2, s19, $0xb8;
	[tilespmem:$0x1E0C0] =	vst v63  }
0x2b: {  	_ =	swait.ge [sflag:s21], $0x4000  }
0x2c: {  	[sflag:s21] =	ssyncset.done $0x0  }
0x2d: {  	[sflag:s21] =	ssyncadd.s32 $0xFFFFC000  }
0x2e: {  	[spmem:s1] =	stream.indirect.scatter.add.f32 [tilespmem:s20], [sflag:$0x3], $0x80, s18, s19, $0xb8;
	[tilespmem:$0x1E0C0] =	vst v63  }
0x2f: {  	_ = 	snop  }
0x30: {  	[tilespmem:s22], [sflag:$0x2] =	stream.indirect.gather [hbm4b:s4+s19], $0x80, s19, s19, $0xb8;
	[tilespmem:$0x1E0C0] =	vst v63  }
0x31: {  	_ =	swait.ge [sflag:s23], $0x4000  }
0x32: {  	[sflag:s23] =	ssyncset.done $0x0  }
0x33: {  	[sflag:s23] =	ssyncadd.s32 $0xFFFFC000  }
0x34: {  	[tilespmem:s20], [sflag:$0x1] =	stream.indirect.gather [hbm4b:s4+s19], $0x80, s24, s19, $0xb8;
	[tilespmem:$0x1E0C0] =	vst v63  }
0x35: {  	_ =	swait.ge [sflag:s25], $0x4000  }
0x36: {  	[sflag:s25] =	ssyncset.done $0x0  }
0x37: {  	[sflag:s25] =	ssyncadd.s32 $0xFFFFC000  }
0x38: {  	[spmem:s1] =	stream.indirect.scatter.add.f32 [tilespmem:s22], [sflag:$0x4], $0x80, s26, s19, $0xb8;
	[tilespmem:$0x1E0C0] =	vst v63  }
0x39: {  	_ =	swait.ge [sflag:s21], $0x4000  }
0x3a: {  	[sflag:s21] =	ssyncset.done $0x0  }
0x3b: {  	s7 =	simm.s32 $0x1500;
	[sflag:s21] =	ssyncadd.s32 $0xFFFFC000  }
0x3c: {  	[spmem:s1] =	stream.indirect.scatter.add.f32 [tilespmem:s20], [sflag:$0x3], $0x80, s7, s19, $0xb8;
	[tilespmem:$0x1E0C0] =	vst v63  }
0x3d: {  	_ =	swait.ge [sflag:s28], $0x4000  }
0x3e: {  	[sflag:s28] =	ssyncset.done $0x0  }
0x3f: {  	s5 =	simm.s32 $0x180;
	[sflag:s28] =	ssyncadd.s32 $0xFFFFC000  }
0x40: {  	[tilespmem:s22], [sflag:$0x2] =	stream.indirect.gather [hbm4b:s4+s19], $0x80, s5, s19, $0xb8;
	[tilespmem:$0x1E0C0] =	vst v63  }
0x41: {  	_ =	swait.ge [sflag:s23], $0x4000  }
0x42: {  	[sflag:s23] =	ssyncset.done $0x0  }
0x43: {  	s7 =	simm.s32 $0x200;
	[sflag:s23] =	ssyncadd.s32 $0xFFFFC000  }
0x44: {  	[tilespmem:s20], [sflag:$0x1] =	stream.indirect.gather [hbm4b:s4+s19], $0x80, s7, s19, $0xb8;
	[tilespmem:$0x1E0C0] =	vst v63  }
0x45: {  	_ =	swait.ge [sflag:s25], $0x4000  }
0x46: {  	[sflag:s25] =	ssyncset.done $0x0  }
0x47: {  	s3 =	simm.s32 $0xFFFFBC00;
	s5 =	simm.s32 $0x1580;
	[sflag:s25] =	ssyncadd.s32 $0xFFFFC000  }
.LBB2_2:
0x48: {  	[spmem:s1] =	stream.indirect.scatter.add.f32 [tilespmem:s22], [sflag:$0x4], $0x80, s5, s19, $0xb8;
	[tilespmem:$0x1E0C0] =	vst v63  }
0x49: {  	s5 =	smov.u32 s3  }
0x4a: {  	p1 =	sne.s32 s3, $0xFFFFFC00;
	s3 =	sadd.s32 $0x400, s3;
	_ =	swait.ge [sflag:s21], $0x4000  }
0x4b: {  	s5 =	sshra.s32 s5, $0x2;
	[sflag:s21] =	ssyncset.done $0x0  }
0x4c: {  	s7 =	sadd.s32 $0x2700, s5;
	[sflag:s21] =	ssyncadd.s32 $0xFFFFC000  }
0x4d: {  	[spmem:s1] =	stream.indirect.scatter.add.f32 [tilespmem:s20], [sflag:$0x3], $0x80, s7, s19, $0xb8;
	[tilespmem:$0x1E0C0] =	vst v63  }
0x4e: {  	_ =	swait.ge [sflag:s28], $0x4000  }
0x4f: {  	[sflag:s28] =	ssyncset.done $0x0  }
0x50: {  	s7 =	sadd.s32 $0x1380, s5;
	[sflag:s28] =	ssyncadd.s32 $0xFFFFC000  }
0x51: {  	[tilespmem:s22], [sflag:$0x2] =	stream.indirect.gather [hbm4b:s4+s19], $0x80, s7, s19, $0xb8;
	[tilespmem:$0x1E0C0] =	vst v63  }
0x52: {  	_ =	swait.ge [sflag:s23], $0x4000  }
0x53: {  	[sflag:s23] =	ssyncset.done $0x0  }
.Ltmp0:
0x54: {  	s7 =	sadd.s32 $0x1400, s5;
	[sflag:s23] =	ssyncadd.s32 $0xFFFFC000;
	(pc) =	sbr.rel @p1 .LBB2_2-.Ltmp0, $4  }
0x55: {  	[tilespmem:s20], [sflag:$0x1] =	stream.indirect.gather [hbm4b:s4+s19], $0x80, s7, s19, $0xb8;
	[tilespmem:$0x1E0C0] =	vst v63  }
0x56: {  	_ =	swait.ge [sflag:s25], $0x4000  }
0x57: {  	[sflag:s25] =	ssyncset.done $0x0  }
0x58: {  	s5 =	sadd.s32 $0x2780, s5;
	[sflag:s25] =	ssyncadd.s32 $0xFFFFC000  }
0x59: {  	[spmem:s1] =	stream.indirect.scatter.add.f32 [tilespmem:s22], [sflag:$0x4], $0x80, s5, s19, $0xb8;
	[tilespmem:$0x1E0C0] =	vst v63  }
0x5a: {  	_ =	swait.ge [sflag:s21], $0x4000  }
0x5b: {  	[sflag:s21] =	ssyncset.done $0x0  }
0x5c: {  	[sflag:s21] =	ssyncadd.s32 $0xFFFFC000  }
0x5d: {  	[spmem:s1] =	stream.indirect.scatter.add.f32 [tilespmem:s20], [sflag:$0x3], $0x80, s29, s19, $0xb8;
	[tilespmem:$0x1E0C0] =	vst v63  }
0x5e: {  	_ =	swait.ge [sflag:s28], $0x4000  }
0x5f: {  	[sflag:s28] =	ssyncset.done $0x0  }
0x60: {  	[sflag:s28] =	ssyncadd.s32 $0xFFFFC000  }
0x61: {  	[tilespmem:s22], [sflag:$0x2] =	stream.indirect.gather [hbm4b:s4+s19], $0x80, s30, s19, $0xb8;
	[tilespmem:$0x1E0C0] =	vst v63  }
0x62: {  	_ =	swait.ge [sflag:s23], $0x4000  }
0x63: {  	[sflag:s23] =	ssyncset.done $0x0  }
0x64: {  	[sflag:s23] =	ssyncadd.s32 $0xFFFFC000  }
0x65: {  	_ =	swait.ge [sflag:s25], $0x4000  }
0x66: {  	[sflag:s25] =	ssyncset.done $0x0  }
0x67: {  	[sflag:s25] =	ssyncadd.s32 $0xFFFFC000  }
0x68: {  	[spmem:s1] =	stream.indirect.scatter.add.f32 [tilespmem:s22], [sflag:$0x4], $0x80, s31, s19, $0xb8;
	[tilespmem:$0x1E0C0] =	vst v63  }
0x69: {  	_ =	swait.ge [sflag:s28], $0x4000  }
0x6a: {  	[sflag:s28] =	ssyncset.done $0x0  }
0x6b: {  	[sflag:s28] =	ssyncadd.s32 $0xFFFFC000  }
0x6c: {  	[tilespmem:s2], [sflag:$0x5] =	stream.linear.gather [hbm4b:s10+s2], $0x1400, $0x38;
	[tilespmem:$0x1E0C0] =	vst v63  }
0x6d: {  	_ =	swait.ge [sflag:s16], $0x1400  }
0x6e: {  	[sflag:s16] =	ssyncset.done $0x0  }
0x6f: {  	[sflag:s16] =	ssyncadd.s32 $0xFFFFEC00  }
0x70: {  	[tilespmem:s18], [sflag:$0x5] =	stream.linear.gather [hbm4b:s11+s2], $0x1400, $0x38;
	[tilespmem:$0x1E0C0] =	vst v63  }
0x71: {  	_ =	swait.ge [sflag:s16], $0x1400  }
0x72: {  	[sflag:s16] =	ssyncset.done $0x0  }
0x73: {  	[sflag:s16] =	ssyncadd.s32 $0xFFFFEC00  }
0x74: {  	[tilespmem:s20], [sflag:$0x1] =	stream.indirect.gather [hbm4b:s4+s19], $0x80, s2, s19, $0xb8;
	[tilespmem:$0x1E0C0] =	vst v63  }
0x75: {  	_ =	swait.ge [sflag:s21], $0x4000  }
0x76: {  	[sflag:s21] =	ssyncset.done $0x0  }
0x77: {  	[sflag:s21] =	ssyncadd.s32 $0xFFFFC000  }
0x78: {  	[spmem:s1] =	stream.indirect.scatter.add.f32 [tilespmem:s20], [sflag:$0x3], $0x80, s18, s19, $0xb8;
	[tilespmem:$0x1E0C0] =	vst v63  }
0x79: {  	_ = 	snop  }
0x7a: {  	[tilespmem:s22], [sflag:$0x2] =	stream.indirect.gather [hbm4b:s4+s19], $0x80, s19, s19, $0xb8;
	[tilespmem:$0x1E0C0] =	vst v63  }
0x7b: {  	_ =	swait.ge [sflag:s23], $0x4000  }
0x7c: {  	[sflag:s23] =	ssyncset.done $0x0  }
0x7d: {  	[sflag:s23] =	ssyncadd.s32 $0xFFFFC000  }
0x7e: {  	[tilespmem:s20], [sflag:$0x1] =	stream.indirect.gather [hbm4b:s4+s19], $0x80, s24, s19, $0xb8;
	[tilespmem:$0x1E0C0] =	vst v63  }
0x7f: {  	_ =	swait.ge [sflag:s25], $0x4000  }
0x80: {  	[sflag:s25] =	ssyncset.done $0x0  }
0x81: {  	[sflag:s25] =	ssyncadd.s32 $0xFFFFC000  }
0x82: {  	[spmem:s1] =	stream.indirect.scatter.add.f32 [tilespmem:s22], [sflag:$0x4], $0x80, s26, s19, $0xb8;
	[tilespmem:$0x1E0C0] =	vst v63  }
0x83: {  	_ =	swait.ge [sflag:s21], $0x4000  }
0x84: {  	[sflag:s21] =	ssyncset.done $0x0  }
0x85: {  	s3 =	simm.s32 $0x1500;
	[sflag:s21] =	ssyncadd.s32 $0xFFFFC000  }
0x86: {  	[spmem:s1] =	stream.indirect.scatter.add.f32 [tilespmem:s20], [sflag:$0x3], $0x80, s3, s19, $0xb8;
	[tilespmem:$0x1E0C0] =	vst v63  }
0x87: {  	_ =	swait.ge [sflag:s28], $0x4000  }
0x88: {  	[sflag:s28] =	ssyncset.done $0x0  }
0x89: {  	s5 =	simm.s32 $0x180;
	[sflag:s28] =	ssyncadd.s32 $0xFFFFC000  }
0x8a: {  	[tilespmem:s22], [sflag:$0x2] =	stream.indirect.gather [hbm4b:s4+s19], $0x80, s5, s19, $0xb8;
	[tilespmem:$0x1E0C0] =	vst v63  }
0x8b: {  	_ =	swait.ge [sflag:s23], $0x4000  }
0x8c: {  	[sflag:s23] =	ssyncset.done $0x0  }
0x8d: {  	s7 =	simm.s32 $0x200;
	[sflag:s23] =	ssyncadd.s32 $0xFFFFC000  }
0x8e: {  	[tilespmem:s20], [sflag:$0x1] =	stream.indirect.gather [hbm4b:s4+s19], $0x80, s7, s19, $0xb8;
	[tilespmem:$0x1E0C0] =	vst v63  }
0x8f: {  	_ =	swait.ge [sflag:s25], $0x4000  }
0x90: {  	[sflag:s25] =	ssyncset.done $0x0  }
0x91: {  	s3 =	simm.s32 $0xFFFFBC00;
	s5 =	simm.s32 $0x1580;
	[sflag:s25] =	ssyncadd.s32 $0xFFFFC000  }
.LBB2_4:
0x92: {  	[spmem:s1] =	stream.indirect.scatter.add.f32 [tilespmem:s22], [sflag:$0x4], $0x80, s5, s19, $0xb8;
	[tilespmem:$0x1E0C0] =	vst v63  }
0x93: {  	s5 =	smov.u32 s3  }
0x94: {  	p1 =	sne.s32 s3, $0xFFFFFC00;
	s3 =	sadd.s32 $0x400, s3;
	_ =	swait.ge [sflag:s21], $0x4000  }
0x95: {  	s5 =	sshra.s32 s5, $0x2;
	[sflag:s21] =	ssyncset.done $0x0  }
0x96: {  	s7 =	sadd.s32 $0x2700, s5;
	[sflag:s21] =	ssyncadd.s32 $0xFFFFC000  }
0x97: {  	[spmem:s1] =	stream.indirect.scatter.add.f32 [tilespmem:s20], [sflag:$0x3], $0x80, s7, s19, $0xb8;
	[tilespmem:$0x1E0C0] =	vst v63  }
0x98: {  	_ =	swait.ge [sflag:s28], $0x4000  }
0x99: {  	[sflag:s28] =	ssyncset.done $0x0  }
0x9a: {  	s7 =	sadd.s32 $0x1380, s5;
	[sflag:s28] =	ssyncadd.s32 $0xFFFFC000  }
0x9b: {  	[tilespmem:s22], [sflag:$0x2] =	stream.indirect.gather [hbm4b:s4+s19], $0x80, s7, s19, $0xb8;
	[tilespmem:$0x1E0C0] =	vst v63  }
0x9c: {  	_ =	swait.ge [sflag:s23], $0x4000  }
0x9d: {  	[sflag:s23] =	ssyncset.done $0x0  }
.Ltmp1:
0x9e: {  	s7 =	sadd.s32 $0x1400, s5;
	[sflag:s23] =	ssyncadd.s32 $0xFFFFC000;
	(pc) =	sbr.rel @p1 .LBB2_4-.Ltmp1, $4  }
0x9f: {  	[tilespmem:s20], [sflag:$0x1] =	stream.indirect.gather [hbm4b:s4+s19], $0x80, s7, s19, $0xb8;
	[tilespmem:$0x1E0C0] =	vst v63  }
0xa0: {  	_ =	swait.ge [sflag:s25], $0x4000  }
0xa1: {  	[sflag:s25] =	ssyncset.done $0x0  }
0xa2: {  	s5 =	sadd.s32 $0x2780, s5;
	[sflag:s25] =	ssyncadd.s32 $0xFFFFC000  }
0xa3: {  	[spmem:s1] =	stream.indirect.scatter.add.f32 [tilespmem:s22], [sflag:$0x4], $0x80, s5, s19, $0xb8;
	[tilespmem:$0x1E0C0] =	vst v63  }
0xa4: {  	_ =	swait.ge [sflag:s21], $0x4000  }
0xa5: {  	[sflag:s21] =	ssyncset.done $0x0  }
0xa6: {  	[sflag:s21] =	ssyncadd.s32 $0xFFFFC000  }
0xa7: {  	[spmem:s1] =	stream.indirect.scatter.add.f32 [tilespmem:s20], [sflag:$0x3], $0x80, s29, s19, $0xb8;
	[tilespmem:$0x1E0C0] =	vst v63  }
0xa8: {  	_ =	swait.ge [sflag:s28], $0x4000  }
0xa9: {  	[sflag:s28] =	ssyncset.done $0x0  }
0xaa: {  	[sflag:s28] =	ssyncadd.s32 $0xFFFFC000  }
0xab: {  	[tilespmem:s22], [sflag:$0x2] =	stream.indirect.gather [hbm4b:s4+s19], $0x80, s30, s19, $0xb8;
	[tilespmem:$0x1E0C0] =	vst v63  }
0xac: {  	_ =	swait.ge [sflag:s23], $0x4000  }
0xad: {  	[sflag:s23] =	ssyncset.done $0x0  }
0xae: {  	[sflag:s23] =	ssyncadd.s32 $0xFFFFC000  }
0xaf: {  	_ =	swait.ge [sflag:s25], $0x4000  }
0xb0: {  	[sflag:s25] =	ssyncset.done $0x0  }
0xb1: {  	[sflag:s25] =	ssyncadd.s32 $0xFFFFC000  }
0xb2: {  	[spmem:s1] =	stream.indirect.scatter.add.f32 [tilespmem:s22], [sflag:$0x4], $0x80, s31, s19, $0xb8;
	[tilespmem:$0x1E0C0] =	vst v63  }
0xb3: {  	_ =	swait.ge [sflag:s28], $0x4000  }
0xb4: {  	[sflag:s28] =	ssyncset.done $0x0  }
0xb5: {  	[sflag:s28] =	ssyncadd.s32 $0xFFFFC000  }
0xb6: {  	[bflag:$0x0] =	sbarrier.arrive $0xFFFF  }
0xb7: {  	[hbm:s12], [sflag:s6] =	dma.local [spmem:s15], $0x2700  }
0xb8: {  	s0 =	sadd.s32 $0x1, s0;
	_ =	swait.ge [sflag:s16], $0x2700  }
0xb9: {  	p1 =	sne.s32 s0, s14;
	[sflag:s16] =	ssyncset.done $0x0  }
.Ltmp2:
0xba: {  	s3 =	simm.s32 @!p0 $0x5;
	[sflag:s16] =	ssyncadd.s32 $0xFFFFD900;
	(pc) =	sbr.rel @p1 .LBB2_1-.Ltmp2, $4  }
0xbb: {  	[hbm:s13], [sflag:s6] =	dma.local @!p0 [spmem:s17], $0x100  }
0xbc: {  	_ =	swait.ge @!p0 [sflag:s3], $0x100  }
0xbd: {  	[sflag:s3] =	ssyncset.done @!p0 $0x0  }
0xbe: {  	[sflag:s3] =	ssyncadd.s32 @!p0 $0xFFFFFF00  }
0xbf: {  	_ =	sfence.sel $0x180000  }
0xc0: {  	[bflag:$0x0] =	sbarrier.arrive $0xFFFF  }
0xc1: {  	_ =	strace $0x9000004D  }
0xc2: {  	s0 =	stileid.u32;
	[bflag:$0x2] =	sbarrier.arrive $0xFFFF  }
0xc3: {  	p0 =	sne.s32 s0, $0x0;
	s0 =	rddreg [dreg:$0x2]  }
0xc4: {  	s0 =	sadd.s32 @!p0 $0x100000, s0  }
0xc5: {  	[sflag:s0] =	ssyncadd.tile.s32 @!p0 $0x1;
	_ =	shalt  }
.Lfunc_end2:
_tile_overlayer_lowered:
.L_overlay_start_2:
0xc6: {  	(tag) =	ssettag $0x2  }
0xc7: {  	s0 =	rddreg [dreg:$0x0];
	s2 =	stileid.u32  }
0xc8: {  	s1 =	rddreg [dreg:$0x1];
	p0 =	sne.s32 s2, $0x0  }
0xc9: {  	s3 =	rddreg [dreg:$0x2];
	[bflag:$0x3] =	sbarrier.arrive $0xFFFF;
	s2 =	simm.s32 @!p0 $0x1C05  }
0xca: {  	[timem:s3], [sflag:s2] =	dma.local @!p0 [hbm:s0], s1  }
0xcb: {  	s0 =	simm.s32 @!p0 $0x5  }
0xcc: {  	_ =	swait.ge @!p0 [sflag:s0], s1  }
0xcd: {  	s1 =	ssub.s32 @!p0 $0x0, s1;
	[sflag:s0] =	ssyncset.done @!p0 $0x0  }
0xce: {  	[sflag:s0] =	ssyncadd.s32 @!p0 s1  }
0xcf: {  	[bflag:$0x3] =	sbarrier.arrive $0xFFFF  }
0xd0: {  	_ =	shalt  }

// kernel: kernel.9.cloned.1.call-start
scs
__scs_entry_jumppad:
0x0: {  	(pc) =	sbr.rel $0x88, $3  }
0x1: {  	(tag) =	ssettag $0x0;
	lr =	simm.s32 $0x1  }
0x2: {  	[smem:$0x3F8F] =	sst lr;
	_ =	strace $0xD0000000  }
0x3: {  	_ = 	snop  }
0x4: {  	_ = 	snop  }
0x5: {  	_ = 	snop  }
0x6: {  	_ = 	snop  }
0x7: {  	_ = 	snop  }
__scs_overlays_trampoline_lowered:
0x8: {  	[smem:$0x3F9E] =	sst s0  }
0x9: {  	[smem:$0x3F9F] =	sst s1  }
0xa: {  	[smem:$0x3FA0] =	sst s2  }
0xb: {  	[smem:$0x3FA1] =	sst s3  }
0xc: {  	[smem:$0x3FA2] =	sst s4  }
0xd: {  	[smem:$0x3FA3] =	sst s5  }
0xe: {  	[smem:$0x3FA4] =	sst s6  }
0xf: {  	[smem:$0x3FA5] =	sst s7  }
0x10: {  	[smem:$0x3FA6] =	sst s8  }
0x11: {  	[smem:$0x3FA7] =	sst s9;
	s0 =	simm.s32 @!p0 $0x0  }
0x12: {  	s1 =	sld [smem:$0x3F8D];
	s0 =	simm.s32 @p0 $0x1  }
0x13: {  	[smem:$0x3FA8] =	sst s0;
	s0 =	simm.s32 @!p1 $0x0  }
0x14: {  	s2 =	sld [smem:$0x3F8C];
	s0 =	simm.s32 @p1 $0x1  }
0x15: {  	[smem:$0x3FA9] =	sst s0;
	s0 =	simm.s32 @!p2 $0x0  }
0x16: {  	s3 =	sld [smem:$0x3FDB];
	s0 =	simm.s32 @p2 $0x1  }
0x17: {  	s4 =	simm.s32 $0x1BF5;
	[smem:$0x3FAB] =	sst s0  }
0x18: {  	s0 =	sld [smem:$0x3F8E];
	_ =	swait.ge [sflag:s4], $0x0  }
0x19: {  	s7 =	sld [smem:$0x3F8F]  }
0x1a: {  	s8 =	sadd.s32 $0xFFFFE003, lr  }
0x1b: {  	s9 =	sadd.s32 $0xFFFFFEF7, lr;
	s5 =	simm.s32 $0xFFFFFFFF;
	p2 =	slt.u32 s8, $0xFFFFF086  }
0x1c: {  	p1 =	slt.u32 s9, $0xF7A;
	s5 =	simm.s32 @!p2 $0x0  }
0x1d: {  	s5 =	simm.s32 @p1 $0x1;
	p0 =	seq.s32 s7, s2  }
0x1e: {  	s7 =	smul.u32 @!p0 $0xF7A, s2;
	p2 =	seq.s32 @!p0 s5, $0x0  }
0x1f: {  	s9 =	smul.u32 $0xF7A, s1;
	s8 =	simm.s32 @!p0 $0x1BF5;
	p2 =	por !p2, p0  }
0x20: {  	[sflag:s8] =	ssyncset.s32 @!p0 $0xFFFFF086;
	s6 =	sadd.s32 @!p0 s3, s7;
	s7 =	simm.s32 @!p0 $0x108  }
0x21: {  	s3 =	sadd.s32 s3, s9;
	s6 =	sadd.s32 @!p0 $0x88, s6;
	s7 =	simm.s32 @p2 $0x1082  }
0x22: {  	[simem:s7], [sflag:s8] =	dma.local @!p0 [hbm:s6], $0xF7A  }
0x23: {  	s9 =	sor.u32 $0xD0000000, s2;
	s6 =	simm.s32 $0x108;
	_ =	swait.ge @!p0 [sflag:s8], $0x0  }
0x24: {  	s3 =	sadd.s32 $0x88, s3;
	s6 =	simm.s32 @!p1 $0x1082;
	[sflag:s4] =	ssyncset.s32 $0xFFFFF086  }
0x25: {  	[simem:s6], [sflag:s4] =	dma.local [hbm:s3], $0xF7A  }
0x26: {  	[smem:$0x3F8F] =	sst s1;
	(tag) =	ssettag s2;
	_ =	strace s9  }
0x27: {  	s1 =	sld [smem:$0x3F9F]  }
0x28: {  	s2 =	sld [smem:$0x3FA0]  }
0x29: {  	s4 =	sld [smem:$0x3FA2]  }
0x2a: {  	p0 =	seq.s32 s5, $0x0;
	s5 =	sld [smem:$0x3FA3]  }
0x2b: {  	s6 =	sld [smem:$0x3FA4]  }
0x2c: {  	s7 =	sld [smem:$0x3FA5]  }
0x2d: {  	s3 =	simm.s32 $0x108;
	s8 =	sld [smem:$0x3FA6]  }
0x2e: {  	s3 =	simm.s32 @!p0 $0x1082;
	s9 =	sld [smem:$0x3FA7]  }
0x2f: {  	lr =	sadd.s32 s0, s3;
	s0 =	sld [smem:$0x3F9E]  }
0x30: {  	s3 =	sld [smem:$0x3FA1]  }
0x31: {  	[smem:$0x3FAA] =	sst s10  }
0x32: {  	s10 =	sld [smem:$0x3FA8];
	_ =	sdelay $0x3  }
0x33: {  	p0 =	seq.s32 s10, $0x1;
	s10 =	sld [smem:$0x3FAA];
	_ =	sdelay $0x3  }
0x34: {  	[smem:$0x3FAA] =	sst s10  }
0x35: {  	s10 =	sld [smem:$0x3FA9];
	_ =	sdelay $0x3  }
0x36: {  	p1 =	seq.s32 s10, $0x1;
	s10 =	sld [smem:$0x3FAA];
	_ =	sdelay $0x3  }
0x37: {  	[smem:$0x3FAA] =	sst s10  }
0x38: {  	s10 =	sld [smem:$0x3FAB]  }
0x39: {  	_ = 	snop;
	(pc) =	sbr.ind lr, $3  }
0x3a: {  	_ = 	snop  }
0x3b: {  	_ = 	snop  }
0x3c: {  	p2 =	seq.s32 s10, $0x1;
	s10 =	sld [smem:$0x3FAA]  }
0x3d: {  	_ =	shalt  }
0x3e: {  	_ =	shalt  }
0x3f: {  	_ =	shalt  }
0x40: {  	_ =	shalt  }
0x41: {  	_ =	shalt  }
0x42: {  	_ =	shalt  }
0x43: {  	_ =	shalt  }
0x44: {  	_ =	shalt  }
0x45: {  	_ =	shalt  }
0x46: {  	_ =	shalt  }
0x47: {  	_ =	shalt  }
0x48: {  	_ =	shalt  }
0x49: {  	_ =	shalt  }
0x4a: {  	_ =	shalt  }
0x4b: {  	_ =	shalt  }
0x4c: {  	_ =	shalt  }
0x4d: {  	_ =	shalt  }
0x4e: {  	_ =	shalt  }
0x4f: {  	_ =	shalt  }
0x50: {  	_ =	shalt  }
0x51: {  	_ =	shalt  }
0x52: {  	_ =	shalt  }
0x53: {  	_ =	shalt  }
0x54: {  	_ =	shalt  }
0x55: {  	_ =	shalt  }
0x56: {  	_ =	shalt  }
0x57: {  	_ =	shalt  }
0x58: {  	_ =	shalt  }
0x59: {  	_ =	shalt  }
0x5a: {  	_ =	shalt  }
0x5b: {  	_ =	shalt  }
0x5c: {  	_ =	shalt  }
0x5d: {  	_ =	shalt  }
0x5e: {  	_ =	shalt  }
0x5f: {  	_ =	shalt  }
0x60: {  	_ =	shalt  }
0x61: {  	_ =	shalt  }
0x62: {  	_ =	shalt  }
0x63: {  	_ =	shalt  }
0x64: {  	_ =	shalt  }
0x65: {  	_ =	shalt  }
0x66: {  	_ =	shalt  }
0x67: {  	_ =	shalt  }
0x68: {  	_ =	shalt  }
0x69: {  	_ =	shalt  }
0x6a: {  	_ =	shalt  }
0x6b: {  	_ =	shalt  }
0x6c: {  	_ =	shalt  }
0x6d: {  	_ =	shalt  }
0x6e: {  	_ =	shalt  }
0x6f: {  	_ =	shalt  }
0x70: {  	_ =	shalt  }
0x71: {  	_ =	shalt  }
0x72: {  	_ =	shalt  }
0x73: {  	_ =	shalt  }
0x74: {  	_ =	shalt  }
0x75: {  	_ =	shalt  }
0x76: {  	_ =	shalt  }
0x77: {  	_ =	shalt  }
0x78: {  	_ =	shalt  }
0x79: {  	_ =	shalt  }
0x7a: {  	_ =	shalt  }
0x7b: {  	_ =	shalt  }
0x7c: {  	_ =	shalt  }
0x7d: {  	_ =	shalt  }
0x7e: {  	_ =	shalt  }
0x7f: {  	_ =	shalt  }
0x80: {  	_ =	shalt  }
0x81: {  	_ =	shalt  }
0x82: {  	_ =	shalt  }
0x83: {  	_ =	shalt  }
0x84: {  	_ =	shalt  }
0x85: {  	_ =	shalt  }
0x86: {  	_ =	shalt  }
0x87: {  	_ =	shalt  }
.Lfunc_end0:
.L_simem_size_0:
called_computation_lowered:
.L_overlay_start_0:
0x88: {  	s2 =	sld [smem:$0x3FD9]  }
0x89: {  	s3 =	sld [smem:$0x3FFE];
	_ =	sdelay $0x1  }
0x8a: {  	s1 =	srdreg.scid  }
0x8b: {  	s0 =	sand.u32 $0x1, s1  }
0x8c: {  	s16 =	sshll.u32 s0, $0xA;
	s2 =	sadd.s32 s3, s2  }
0x8d: {  	s2 =	sadd.s32 s2, s16  }
0x8e: {  	[smem:$0x3FB6] =	sst s2  }
0x8f: {  	_ = 	snop  }
0x90: {  	(tm) =	ssettm $0x1  }
0x91: {  	s17 =	sld [smem:$0x3FFB];
	_ =	sdelay $0x3  }
0x92: {  	_ =	strace s17  }
0x93: {  	s2 =	sld [smem:$0x3FFC];
	_ =	sdelay $0x3  }
0x94: {  	_ =	strace s2  }
0x95: {  	s2 =	sld [smem:$0x3FFD];
	_ =	sdelay $0x3  }
0x96: {  	_ =	strace s2  }
0x97: {  	_ =	strace $0x8FFFFFFF  }
0x98: {  	s18 =	sld [smem:$0x3FDB];
	_ =	sdelay $0x1  }
0x99: {  	s19 =	simm.s32 $_scs_section_size  }
0x9a: {  	s4 =	simm.s32 $_size__tile_overlayer_lowered;
	s5 =	simm.s32 $_tile_overlayer_lowered  }
0x9b: {  	s22 =	simm.s32 $0x1BFF;
	s21 =	sshll.u32 s5, $0x1;
	s2 =	sadd.s32 s19, s18  }
0x9c: {  	s6 =	simm.s32 $0x0;
	s20 =	sshll.u32 s4, $0x1;
	s4 =	sadd.s32 s21, s2  }
0x9d: {  	[timem:s6], [sflag:s22] =	dma.local [hbm:s4], s20  }
0x9e: {  	_ =	swait.ge [sflag:s22], s20  }
0x9f: {  	s3 =	ssub.s32 $0x0, s20;
	[sflag:s22] =	ssyncset.done $0x0  }
0xa0: {  	[sflag:s22] =	ssyncadd.s32 s3;
	_ =	sdelay $0x1  }
0xa1: {  	s23 =	simm.s32 $0x1B8B  }
0xa2: {  	_ =	swait.ge [sflag:s23], $0x1  }
0xa3: {  	[sflag:s23] =	ssyncset.done $0x0  }
0xa4: {  	s25 =	simm.s32 $0x1B8E;
	s24 =	sld [smem:$0x3FFE];
	[sflag:s23] =	ssyncadd.s32 $0xFFFFFFFF  }
0xa5: {  	s26 =	simm.s32 $execute0_lowered;
	[smem:$0x3FD2] =	sst s25  }
0xa6: {  	s4 =	sshll.u32 s26, $0x1;
	_ =	strace $0x80000046;
	[dreg:$0x1] =	wrdreg $0xFFFFFFFF  }
0xa7: {  	s28 =	simm.s32 $_size_execute0_lowered;
	s2 =	sadd.s32 s2, s4;
	[dreg:$0x0] =	wrdreg $0x0  }
0xa8: {  	s4 =	sshll.u32 s28, $0x1;
	[dreg:$0x2] =	wrdreg s2  }
0xa9: {  	[dreg:$0x3] =	wrdreg s4  }
0xaa: {  	[dreg:$0x4] =	wrdreg $0xC0  }
0xab: {  	_ =	task [dreg:s6], $0x5FFFF  }
0xac: {  	[dreg:$0x1] =	wrdreg $0xFFFFFFFF  }
0xad: {  	[dreg:$0x0] =	wrdreg $0x60  }
0xae: {  	[dreg:$0x2] =	wrdreg s24  }
0xaf: {  	[dreg:$0x3] =	wrdreg $0xA8000  }
0xb0: {  	[dreg:$0x4] =	wrdreg $0x9  }
0xb1: {  	_ =	task.clear_ibuf [dreg:s6], $0x5FFFF;
	_ =	strace $0x90000046  }
0xb2: {  	s29 =	simm.s32 $0x9;
	_ =	strace $0x80000048  }
0xb3: {  	_ =	swait.ge [sflag:s29], $0x1  }
0xb4: {  	[sflag:s29] =	ssyncadd.s32 $0xFFFFFFFF  }
0xb5: {  	_ =	strace $0x90000048  }
0xb6: {  	_ =	sfence  }
0xb7: {  	s30 =	sld [smem:$0x0];
	_ =	sdelay $0x2  }
0xb8: {  	s31 =	sshll.u32 s1, $0xD;
	s1 =	sshrl.u32 s1, $0x2  }
0xb9: {  	s3 =	sand.u32 $0x4000, s31;
	s1 =	sadd.s32 s1, s30  }
0xba: {  	s0 =	sor.u32 s3, s0;
	s1 =	sshll.u32 s1, $0x11  }
0xbb: {  	s0 =	sor.u32 s1, s0  }
0xbc: {  	s0 =	sadd.s32 $0x8F2B, s0  }
0xbd: {  	[sflag:s0] =	ssyncadd.remote.s32 $0x1  }
0xbe: {  	_ =	sfence.sel $0xFFFF  }
0xbf: {  	[dreg:$0x0] =	wrdreg $0xFFFFFFFF;
	(pc) =	sbr.abs _section_cstart, $3  }
0xc0: {  	[dreg:$0x1] =	wrdreg $0xFFFFFFFF  }
0xc1: {  	_ =	task.clear_ibuf [dreg:s6], $0x2FFFF;
	_ =	strace $0x9FFFFFFF  }
0xc2: {  	(tm) =	ssettm $0x7FFFFFFF  }
0xc3: {  	_ =	shalt  }
tec
execute0_lowered:
.L_overlay_start_1:
0x0: {  	(tag) =	ssettag $0x1  }
0x1: {  	s0 =	rddreg [dreg:$0x0]  }
0x2: {  	s1 =	rddreg [dreg:$0x1]  }
0x3: {  	s2 =	simm.s32 $0x0;
	s3 =	srdreg.scid;
	s18 =	stileid.u32  }
0x4: {  	s19 =	simm.s32 $0x80;
	s28 =	simm.s32 $0x4;
	s29 =	simm.s32 $0x2700  }
0x5: {  	s30 =	simm.s32 $0x1380;
	s31 =	simm.s32 $0x2780;
	[smem:$0x7FF] =	sst s2  }
0x6: {  	s4 =	sadd.s32 $0x19200, s0;
	s3 =	sand.u32 $0x1, s3;
	s5 =	sadd.s32 $0xF200, s0  }
0x7: {  	s7 =	smul.u32 $0x4E000, s18;
	s11 =	sadd.s32 $0x5200, s0;
	s12 =	sadd.s32 $0x40400, s0  }
0x8: {  	s9 =	sshll.u32 s18, $0x1;
	s13 =	smul.u32 $0x2700, s18;
	s22 =	sshll.u32 s18, $0x6  }
0x9: {  	s17 =	sadd.s32 $0x138000, s1;
	s0 =	sadd.s32 $0x40200, s0;
	p0 =	sne.s32 s18, $0xF  }
0xa: {  	s18 =	simm.s32 $0x1400;
	_ =	strace $0x80000047;
	s6 =	ssub.s32 $0x2, s3  }
0xb: {  	s20 =	sor.u32 s3, s9;
	[dreg:$0x4] =	wrdreg s0;
	s16 =	smul.u32 $0x138800, s3  }
0xc: {  	s3 =	smul.u32 $0x27100, s3;
	s17 =	sshrl.u32 @!p0 s17, $0x3;
	s8 =	sshrl.u32 s6, $0x1  }
0xd: {  	s7 =	sshrl.u32 s7, $0x2;
	s21 =	sadd.s32 s4, s13;
	s9 =	smul.u32 $0x2800, s20  }
0xe: {  	s10 =	smul.u32 $0x500, s20;
	s20 =	simm.s32 $0x2800;
	s14 =	ssub.s32 s6, s8  }
0xf: {  	s15 =	sadd.s32 s7, s1;
	[dreg:$0x3] =	wrdreg s21;
	s6 =	sor.u32 $0x1C05, s22  }
0x10: {  	s24 =	sshrl.u32 s16, $0x3;
	s25 =	sadd.s32 s13, s3;
	s16 =	simm.s32 $0x5  }
0x11: {  	s21 =	simm.s32 $0x1;
	s22 =	simm.s32 $0x6800;
	s23 =	sshrl.u32 s9, $0x3  }
0x12: {  	s8 =	sadd.s32 s5, s10;
	s9 =	sadd.s32 s11, s10;
	s26 =	sadd.s32 s12, s24  }
0x13: {  	s12 =	sadd.s32 s12, s25;
	s14 =	smax.u32 s14, $0x1;
	s15 =	sshrl.u32 s15, $0x3  }
0x14: {  	s24 =	simm.s32 $0x100;
	s25 =	simm.s32 $0x2;
	s0 =	sadd.s32 $0x280, s23  }
0x15: {  	s13 =	sadd.s32 $0x27000, s26;
	s23 =	simm.s32 $0x3;
	s26 =	simm.s32 $0x1480  }
0x16: {  	s10 =	sadd.s32 s5, s0;
	s11 =	sadd.s32 s11, s0;
	s0 =	simm.s32 $0x0  }
.LBB2_1:
0x17: {  	s3 =	rddreg [dreg:$0x3]  }
0x18: {  	[spmem:s15], [sflag:s6] =	dma.local [hbm:s3], $0x2700  }
0x19: {  	_ =	swait.ge [sflag:s16], $0x2700  }
0x1a: {  	[sflag:s16] =	ssyncset.done $0x0  }
0x1b: {  	s3 =	rddreg [dreg:$0x4];
	[sflag:s16] =	ssyncadd.s32 $0xFFFFD900  }
0x1c: {  	[spmem:s17], [sflag:s6] =	dma.local @!p0 [hbm:s3], $0x100  }
0x1d: {  	s3 =	simm.s32 @!p0 $0x5  }
0x1e: {  	_ =	swait.ge @!p0 [sflag:s3], $0x100  }
0x1f: {  	[sflag:s3] =	ssyncset.done @!p0 $0x0  }
0x20: {  	[sflag:s3] =	ssyncadd.s32 @!p0 $0xFFFFFF00  }
0x21: {  	[bflag:$0x0] =	sbarrier.arrive $0xFFFF  }
0x22: {  	[tilespmem:s2], [sflag:$0x5] =	stream.linear.gather [hbm4b:s8+s2], $0x1400, $0x38;
	[tilespmem:$0x1E0C0] =	vst v63  }
0x23: {  	_ =	swait.ge [sflag:s16], $0x1400  }
0x24: {  	[sflag:s16] =	ssyncset.done $0x0  }
0x25: {  	[sflag:s16] =	ssyncadd.s32 $0xFFFFEC00  }
0x26: {  	[tilespmem:s18], [sflag:$0x5] =	stream.linear.gather [hbm4b:s9+s2], $0x1400, $0x38;
	[tilespmem:$0x1E0C0] =	vst v63  }
0x27: {  	_ =	swait.ge [sflag:s16], $0x1400  }
0x28: {  	[sflag:s16] =	ssyncset.done $0x0  }
0x29: {  	[sflag:s16] =	ssyncadd.s32 $0xFFFFEC00  }
0x2a: {  	[tilespmem:s20], [sflag:$0x1] =	stream.indirect.gather [hbm4b:s4+s19], $0x80, s2, s19, $0xb8;
	[tilespmem:$0x1E0C0] =	vst v63  }
0x2b: {  	_ =	swait.ge [sflag:s21], $0x4000  }
0x2c: {  	[sflag:s21] =	ssyncset.done $0x0  }
0x2d: {  	[sflag:s21] =	ssyncadd.s32 $0xFFFFC000  }
0x2e: {  	[spmem:s1] =	stream.indirect.scatter.add.f32 [tilespmem:s20], [sflag:$0x3], $0x80, s18, s19, $0xb8;
	[tilespmem:$0x1E0C0] =	vst v63  }
0x2f: {  	_ = 	snop  }
0x30: {  	[tilespmem:s22], [sflag:$0x2] =	stream.indirect.gather [hbm4b:s4+s19], $0x80, s19, s19, $0xb8;
	[tilespmem:$0x1E0C0] =	vst v63  }
0x31: {  	_ =	swait.ge [sflag:s23], $0x4000  }
0x32: {  	[sflag:s23] =	ssyncset.done $0x0  }
0x33: {  	[sflag:s23] =	ssyncadd.s32 $0xFFFFC000  }
0x34: {  	[tilespmem:s20], [sflag:$0x1] =	stream.indirect.gather [hbm4b:s4+s19], $0x80, s24, s19, $0xb8;
	[tilespmem:$0x1E0C0] =	vst v63  }
0x35: {  	_ =	swait.ge [sflag:s25], $0x4000  }
0x36: {  	[sflag:s25] =	ssyncset.done $0x0  }
0x37: {  	[sflag:s25] =	ssyncadd.s32 $0xFFFFC000  }
0x38: {  	[spmem:s1] =	stream.indirect.scatter.add.f32 [tilespmem:s22], [sflag:$0x4], $0x80, s26, s19, $0xb8;
	[tilespmem:$0x1E0C0] =	vst v63  }
0x39: {  	_ =	swait.ge [sflag:s21], $0x4000  }
0x3a: {  	[sflag:s21] =	ssyncset.done $0x0  }
0x3b: {  	s7 =	simm.s32 $0x1500;
	[sflag:s21] =	ssyncadd.s32 $0xFFFFC000  }
0x3c: {  	[spmem:s1] =	stream.indirect.scatter.add.f32 [tilespmem:s20], [sflag:$0x3], $0x80, s7, s19, $0xb8;
	[tilespmem:$0x1E0C0] =	vst v63  }
0x3d: {  	_ =	swait.ge [sflag:s28], $0x4000  }
0x3e: {  	[sflag:s28] =	ssyncset.done $0x0  }
0x3f: {  	s5 =	simm.s32 $0x180;
	[sflag:s28] =	ssyncadd.s32 $0xFFFFC000  }
0x40: {  	[tilespmem:s22], [sflag:$0x2] =	stream.indirect.gather [hbm4b:s4+s19], $0x80, s5, s19, $0xb8;
	[tilespmem:$0x1E0C0] =	vst v63  }
0x41: {  	_ =	swait.ge [sflag:s23], $0x4000  }
0x42: {  	[sflag:s23] =	ssyncset.done $0x0  }
0x43: {  	s7 =	simm.s32 $0x200;
	[sflag:s23] =	ssyncadd.s32 $0xFFFFC000  }
0x44: {  	[tilespmem:s20], [sflag:$0x1] =	stream.indirect.gather [hbm4b:s4+s19], $0x80, s7, s19, $0xb8;
	[tilespmem:$0x1E0C0] =	vst v63  }
0x45: {  	_ =	swait.ge [sflag:s25], $0x4000  }
0x46: {  	[sflag:s25] =	ssyncset.done $0x0  }
0x47: {  	s3 =	simm.s32 $0xFFFFBC00;
	s5 =	simm.s32 $0x1580;
	[sflag:s25] =	ssyncadd.s32 $0xFFFFC000  }
.LBB2_2:
0x48: {  	[spmem:s1] =	stream.indirect.scatter.add.f32 [tilespmem:s22], [sflag:$0x4], $0x80, s5, s19, $0xb8;
	[tilespmem:$0x1E0C0] =	vst v63  }
0x49: {  	s5 =	smov.u32 s3  }
0x4a: {  	p1 =	sne.s32 s3, $0xFFFFFC00;
	s3 =	sadd.s32 $0x400, s3;
	_ =	swait.ge [sflag:s21], $0x4000  }
0x4b: {  	s5 =	sshra.s32 s5, $0x2;
	[sflag:s21] =	ssyncset.done $0x0  }
0x4c: {  	s7 =	sadd.s32 $0x2700, s5;
	[sflag:s21] =	ssyncadd.s32 $0xFFFFC000  }
0x4d: {  	[spmem:s1] =	stream.indirect.scatter.add.f32 [tilespmem:s20], [sflag:$0x3], $0x80, s7, s19, $0xb8;
	[tilespmem:$0x1E0C0] =	vst v63  }
0x4e: {  	_ =	swait.ge [sflag:s28], $0x4000  }
0x4f: {  	[sflag:s28] =	ssyncset.done $0x0  }
0x50: {  	s7 =	sadd.s32 $0x1380, s5;
	[sflag:s28] =	ssyncadd.s32 $0xFFFFC000  }
0x51: {  	[tilespmem:s22], [sflag:$0x2] =	stream.indirect.gather [hbm4b:s4+s19], $0x80, s7, s19, $0xb8;
	[tilespmem:$0x1E0C0] =	vst v63  }
0x52: {  	_ =	swait.ge [sflag:s23], $0x4000  }
0x53: {  	[sflag:s23] =	ssyncset.done $0x0  }
.Ltmp0:
0x54: {  	s7 =	sadd.s32 $0x1400, s5;
	[sflag:s23] =	ssyncadd.s32 $0xFFFFC000;
	(pc) =	sbr.rel @p1 .LBB2_2-.Ltmp0, $4  }
0x55: {  	[tilespmem:s20], [sflag:$0x1] =	stream.indirect.gather [hbm4b:s4+s19], $0x80, s7, s19, $0xb8;
	[tilespmem:$0x1E0C0] =	vst v63  }
0x56: {  	_ =	swait.ge [sflag:s25], $0x4000  }
0x57: {  	[sflag:s25] =	ssyncset.done $0x0  }
0x58: {  	s5 =	sadd.s32 $0x2780, s5;
	[sflag:s25] =	ssyncadd.s32 $0xFFFFC000  }
0x59: {  	[spmem:s1] =	stream.indirect.scatter.add.f32 [tilespmem:s22], [sflag:$0x4], $0x80, s5, s19, $0xb8;
	[tilespmem:$0x1E0C0] =	vst v63  }
0x5a: {  	_ =	swait.ge [sflag:s21], $0x4000  }
0x5b: {  	[sflag:s21] =	ssyncset.done $0x0  }
0x5c: {  	[sflag:s21] =	ssyncadd.s32 $0xFFFFC000  }
0x5d: {  	[spmem:s1] =	stream.indirect.scatter.add.f32 [tilespmem:s20], [sflag:$0x3], $0x80, s29, s19, $0xb8;
	[tilespmem:$0x1E0C0] =	vst v63  }
0x5e: {  	_ =	swait.ge [sflag:s28], $0x4000  }
0x5f: {  	[sflag:s28] =	ssyncset.done $0x0  }
0x60: {  	[sflag:s28] =	ssyncadd.s32 $0xFFFFC000  }
0x61: {  	[tilespmem:s22], [sflag:$0x2] =	stream.indirect.gather [hbm4b:s4+s19], $0x80, s30, s19, $0xb8;
	[tilespmem:$0x1E0C0] =	vst v63  }
0x62: {  	_ =	swait.ge [sflag:s23], $0x4000  }
0x63: {  	[sflag:s23] =	ssyncset.done $0x0  }
0x64: {  	[sflag:s23] =	ssyncadd.s32 $0xFFFFC000  }
0x65: {  	_ =	swait.ge [sflag:s25], $0x4000  }
0x66: {  	[sflag:s25] =	ssyncset.done $0x0  }
0x67: {  	[sflag:s25] =	ssyncadd.s32 $0xFFFFC000  }
0x68: {  	[spmem:s1] =	stream.indirect.scatter.add.f32 [tilespmem:s22], [sflag:$0x4], $0x80, s31, s19, $0xb8;
	[tilespmem:$0x1E0C0] =	vst v63  }
0x69: {  	_ =	swait.ge [sflag:s28], $0x4000  }
0x6a: {  	[sflag:s28] =	ssyncset.done $0x0  }
0x6b: {  	[sflag:s28] =	ssyncadd.s32 $0xFFFFC000  }
0x6c: {  	[tilespmem:s2], [sflag:$0x5] =	stream.linear.gather [hbm4b:s10+s2], $0x1400, $0x38;
	[tilespmem:$0x1E0C0] =	vst v63  }
0x6d: {  	_ =	swait.ge [sflag:s16], $0x1400  }
0x6e: {  	[sflag:s16] =	ssyncset.done $0x0  }
0x6f: {  	[sflag:s16] =	ssyncadd.s32 $0xFFFFEC00  }
0x70: {  	[tilespmem:s18], [sflag:$0x5] =	stream.linear.gather [hbm4b:s11+s2], $0x1400, $0x38;
	[tilespmem:$0x1E0C0] =	vst v63  }
0x71: {  	_ =	swait.ge [sflag:s16], $0x1400  }
0x72: {  	[sflag:s16] =	ssyncset.done $0x0  }
0x73: {  	[sflag:s16] =	ssyncadd.s32 $0xFFFFEC00  }
0x74: {  	[tilespmem:s20], [sflag:$0x1] =	stream.indirect.gather [hbm4b:s4+s19], $0x80, s2, s19, $0xb8;
	[tilespmem:$0x1E0C0] =	vst v63  }
0x75: {  	_ =	swait.ge [sflag:s21], $0x4000  }
0x76: {  	[sflag:s21] =	ssyncset.done $0x0  }
0x77: {  	[sflag:s21] =	ssyncadd.s32 $0xFFFFC000  }
0x78: {  	[spmem:s1] =	stream.indirect.scatter.add.f32 [tilespmem:s20], [sflag:$0x3], $0x80, s18, s19, $0xb8;
	[tilespmem:$0x1E0C0] =	vst v63  }
0x79: {  	_ = 	snop  }
0x7a: {  	[tilespmem:s22], [sflag:$0x2] =	stream.indirect.gather [hbm4b:s4+s19], $0x80, s19, s19, $0xb8;
	[tilespmem:$0x1E0C0] =	vst v63  }
0x7b: {  	_ =	swait.ge [sflag:s23], $0x4000  }
0x7c: {  	[sflag:s23] =	ssyncset.done $0x0  }
0x7d: {  	[sflag:s23] =	ssyncadd.s32 $0xFFFFC000  }
0x7e: {  	[tilespmem:s20], [sflag:$0x1] =	stream.indirect.gather [hbm4b:s4+s19], $0x80, s24, s19, $0xb8;
	[tilespmem:$0x1E0C0] =	vst v63  }
0x7f: {  	_ =	swait.ge [sflag:s25], $0x4000  }
0x80: {  	[sflag:s25] =	ssyncset.done $0x0  }
0x81: {  	[sflag:s25] =	ssyncadd.s32 $0xFFFFC000  }
0x82: {  	[spmem:s1] =	stream.indirect.scatter.add.f32 [tilespmem:s22], [sflag:$0x4], $0x80, s26, s19, $0xb8;
	[tilespmem:$0x1E0C0] =	vst v63  }
0x83: {  	_ =	swait.ge [sflag:s21], $0x4000  }
0x84: {  	[sflag:s21] =	ssyncset.done $0x0  }
0x85: {  	s3 =	simm.s32 $0x1500;
	[sflag:s21] =	ssyncadd.s32 $0xFFFFC000  }
0x86: {  	[spmem:s1] =	stream.indirect.scatter.add.f32 [tilespmem:s20], [sflag:$0x3], $0x80, s3, s19, $0xb8;
	[tilespmem:$0x1E0C0] =	vst v63  }
0x87: {  	_ =	swait.ge [sflag:s28], $0x4000  }
0x88: {  	[sflag:s28] =	ssyncset.done $0x0  }
0x89: {  	s5 =	simm.s32 $0x180;
	[sflag:s28] =	ssyncadd.s32 $0xFFFFC000  }
0x8a: {  	[tilespmem:s22], [sflag:$0x2] =	stream.indirect.gather [hbm4b:s4+s19], $0x80, s5, s19, $0xb8;
	[tilespmem:$0x1E0C0] =	vst v63  }
0x8b: {  	_ =	swait.ge [sflag:s23], $0x4000  }
0x8c: {  	[sflag:s23] =	ssyncset.done $0x0  }
0x8d: {  	s7 =	simm.s32 $0x200;
	[sflag:s23] =	ssyncadd.s32 $0xFFFFC000  }
0x8e: {  	[tilespmem:s20], [sflag:$0x1] =	stream.indirect.gather [hbm4b:s4+s19], $0x80, s7, s19, $0xb8;
	[tilespmem:$0x1E0C0] =	vst v63  }
0x8f: {  	_ =	swait.ge [sflag:s25], $0x4000  }
0x90: {  	[sflag:s25] =	ssyncset.done $0x0  }
0x91: {  	s3 =	simm.s32 $0xFFFFBC00;
	s5 =	simm.s32 $0x1580;
	[sflag:s25] =	ssyncadd.s32 $0xFFFFC000  }
.LBB2_4:
0x92: {  	[spmem:s1] =	stream.indirect.scatter.add.f32 [tilespmem:s22], [sflag:$0x4], $0x80, s5, s19, $0xb8;
	[tilespmem:$0x1E0C0] =	vst v63  }
0x93: {  	s5 =	smov.u32 s3  }
0x94: {  	p1 =	sne.s32 s3, $0xFFFFFC00;
	s3 =	sadd.s32 $0x400, s3;
	_ =	swait.ge [sflag:s21], $0x4000  }
0x95: {  	s5 =	sshra.s32 s5, $0x2;
	[sflag:s21] =	ssyncset.done $0x0  }
0x96: {  	s7 =	sadd.s32 $0x2700, s5;
	[sflag:s21] =	ssyncadd.s32 $0xFFFFC000  }
0x97: {  	[spmem:s1] =	stream.indirect.scatter.add.f32 [tilespmem:s20], [sflag:$0x3], $0x80, s7, s19, $0xb8;
	[tilespmem:$0x1E0C0] =	vst v63  }
0x98: {  	_ =	swait.ge [sflag:s28], $0x4000  }
0x99: {  	[sflag:s28] =	ssyncset.done $0x0  }
0x9a: {  	s7 =	sadd.s32 $0x1380, s5;
	[sflag:s28] =	ssyncadd.s32 $0xFFFFC000  }
0x9b: {  	[tilespmem:s22], [sflag:$0x2] =	stream.indirect.gather [hbm4b:s4+s19], $0x80, s7, s19, $0xb8;
	[tilespmem:$0x1E0C0] =	vst v63  }
0x9c: {  	_ =	swait.ge [sflag:s23], $0x4000  }
0x9d: {  	[sflag:s23] =	ssyncset.done $0x0  }
.Ltmp1:
0x9e: {  	s7 =	sadd.s32 $0x1400, s5;
	[sflag:s23] =	ssyncadd.s32 $0xFFFFC000;
	(pc) =	sbr.rel @p1 .LBB2_4-.Ltmp1, $4  }
0x9f: {  	[tilespmem:s20], [sflag:$0x1] =	stream.indirect.gather [hbm4b:s4+s19], $0x80, s7, s19, $0xb8;
	[tilespmem:$0x1E0C0] =	vst v63  }
0xa0: {  	_ =	swait.ge [sflag:s25], $0x4000  }
0xa1: {  	[sflag:s25] =	ssyncset.done $0x0  }
0xa2: {  	s5 =	sadd.s32 $0x2780, s5;
	[sflag:s25] =	ssyncadd.s32 $0xFFFFC000  }
0xa3: {  	[spmem:s1] =	stream.indirect.scatter.add.f32 [tilespmem:s22], [sflag:$0x4], $0x80, s5, s19, $0xb8;
	[tilespmem:$0x1E0C0] =	vst v63  }
0xa4: {  	_ =	swait.ge [sflag:s21], $0x4000  }
0xa5: {  	[sflag:s21] =	ssyncset.done $0x0  }
0xa6: {  	[sflag:s21] =	ssyncadd.s32 $0xFFFFC000  }
0xa7: {  	[spmem:s1] =	stream.indirect.scatter.add.f32 [tilespmem:s20], [sflag:$0x3], $0x80, s29, s19, $0xb8;
	[tilespmem:$0x1E0C0] =	vst v63  }
0xa8: {  	_ =	swait.ge [sflag:s28], $0x4000  }
0xa9: {  	[sflag:s28] =	ssyncset.done $0x0  }
0xaa: {  	[sflag:s28] =	ssyncadd.s32 $0xFFFFC000  }
0xab: {  	[tilespmem:s22], [sflag:$0x2] =	stream.indirect.gather [hbm4b:s4+s19], $0x80, s30, s19, $0xb8;
	[tilespmem:$0x1E0C0] =	vst v63  }
0xac: {  	_ =	swait.ge [sflag:s23], $0x4000  }
0xad: {  	[sflag:s23] =	ssyncset.done $0x0  }
0xae: {  	[sflag:s23] =	ssyncadd.s32 $0xFFFFC000  }
0xaf: {  	_ =	swait.ge [sflag:s25], $0x4000  }
0xb0: {  	[sflag:s25] =	ssyncset.done $0x0  }
0xb1: {  	[sflag:s25] =	ssyncadd.s32 $0xFFFFC000  }
0xb2: {  	[spmem:s1] =	stream.indirect.scatter.add.f32 [tilespmem:s22], [sflag:$0x4], $0x80, s31, s19, $0xb8;
	[tilespmem:$0x1E0C0] =	vst v63  }
0xb3: {  	_ =	swait.ge [sflag:s28], $0x4000  }
0xb4: {  	[sflag:s28] =	ssyncset.done $0x0  }
0xb5: {  	[sflag:s28] =	ssyncadd.s32 $0xFFFFC000  }
0xb6: {  	[bflag:$0x0] =	sbarrier.arrive $0xFFFF  }
0xb7: {  	[hbm:s12], [sflag:s6] =	dma.local [spmem:s15], $0x2700  }
0xb8: {  	s0 =	sadd.s32 $0x1, s0;
	_ =	swait.ge [sflag:s16], $0x2700  }
0xb9: {  	p1 =	sne.s32 s0, s14;
	[sflag:s16] =	ssyncset.done $0x0  }
.Ltmp2:
0xba: {  	s3 =	simm.s32 @!p0 $0x5;
	[sflag:s16] =	ssyncadd.s32 $0xFFFFD900;
	(pc) =	sbr.rel @p1 .LBB2_1-.Ltmp2, $4  }
0xbb: {  	[hbm:s13], [sflag:s6] =	dma.local @!p0 [spmem:s17], $0x100  }
0xbc: {  	_ =	swait.ge @!p0 [sflag:s3], $0x100  }
0xbd: {  	[sflag:s3] =	ssyncset.done @!p0 $0x0  }
0xbe: {  	[sflag:s3] =	ssyncadd.s32 @!p0 $0xFFFFFF00  }
0xbf: {  	_ =	sfence.sel $0x180000  }
0xc0: {  	[bflag:$0x0] =	sbarrier.arrive $0xFFFF  }
0xc1: {  	_ =	strace $0x90000047  }
0xc2: {  	s0 =	stileid.u32;
	[bflag:$0x2] =	sbarrier.arrive $0xFFFF  }
0xc3: {  	p0 =	sne.s32 s0, $0x0;
	s0 =	rddreg [dreg:$0x2]  }
0xc4: {  	s0 =	sadd.s32 @!p0 $0x100000, s0  }
0xc5: {  	[sflag:s0] =	ssyncadd.tile.s32 @!p0 $0x1;
	_ =	shalt  }
.Lfunc_end2:
_tile_overlayer_lowered:
.L_overlay_start_2:
0xc6: {  	(tag) =	ssettag $0x2  }
0xc7: {  	s0 =	rddreg [dreg:$0x0];
	s2 =	stileid.u32  }
0xc8: {  	s1 =	rddreg [dreg:$0x1];
	p0 =	sne.s32 s2, $0x0  }
0xc9: {  	s3 =	rddreg [dreg:$0x2];
	[bflag:$0x3] =	sbarrier.arrive $0xFFFF;
	s2 =	simm.s32 @!p0 $0x1C05  }
0xca: {  	[timem:s3], [sflag:s2] =	dma.local @!p0 [hbm:s0], s1  }
0xcb: {  	s0 =	simm.s32 @!p0 $0x5  }
0xcc: {  	_ =	swait.ge @!p0 [sflag:s0], s1  }
0xcd: {  	s1 =	ssub.s32 @!p0 $0x0, s1;
	[sflag:s0] =	ssyncset.done @!p0 $0x0  }
0xce: {  	[sflag:s0] =	ssyncadd.s32 @!p0 s1  }
0xcf: {  	[bflag:$0x3] =	sbarrier.arrive $0xFFFF  }
0xd0: {  	_ =	shalt  }

</sc_bundles>
